<compile_context>
chip_gen: v7x
topology: tpu7x:2x2x1
jax: 0.10.2.dev20260603
libtpu: 0.0.44.dev20260713+nightly
codegen_flags: <defaults>
</compile_context>

<pallas_src>
import functools

import jax
import jax.numpy as jnp
from jax import lax
from jax.experimental import pallas as pl
from jax.experimental.pallas import tpu as pltpu
from jax.experimental.pallas import tpu_sc as plsc

D = 64
B = 16384
H = 50
NC, NS = 2, 16
NW = NC * NS
BW = B // NW
Q = 128
NQ = BW // Q

_mesh = plsc.VectorSubcoreMesh(core_axis_name="c", subcore_axis_name="s")


@functools.partial(
    pl.kernel,
    mesh=_mesh,
    out_type=jax.ShapeDtypeStruct((H, D, B), jnp.float32),
    compiler_params=pltpu.CompilerParams(
        use_tc_tiling_on_sc=True,
        needs_layout_passes=False,
        disable_bounds_checks=True,
    ),
    scratch_types=[
        [pltpu.VMEM((BW,), jnp.int32) for _ in range(2)],
        [pltpu.VMEM((Q, 128), jnp.float32) for _ in range(NQ)],
        [pltpu.VMEM((D, Q), jnp.float32) for _ in range(2)],
        [pltpu.SemaphoreType.DMA for _ in range(2)],
        [pltpu.SemaphoreType.DMA for _ in range(NQ)],
        [pltpu.SemaphoreType.DMA for _ in range(2)],
    ],
)
def _gather_kernel(idx_hbm, tab_hbm, out_hbm,
                   i2, gbuf, obuf, isem, gsem, ssem):
    wid = lax.axis_index("s") * NC + lax.axis_index("c")
    b0 = wid * BW

    def fire_idx(ib, h):
        pltpu.async_copy(idx_hbm.at[h, pl.ds(b0, BW)], i2[ib], isem[ib])

    def wait_idx(ib):
        pltpu.make_async_copy(idx_hbm.at[0, pl.ds(b0, BW)], i2[ib], isem[ib]).wait()

    def fire_g(gb, ib, q):
        pltpu.async_copy(tab_hbm.at[i2[ib].at[pl.ds(q * Q, Q)]], gbuf[gb], gsem[gb])

    def wait_g(gb):
        pltpu.make_async_copy(
            tab_hbm.at[i2[0].at[pl.ds(0, Q)]], gbuf[gb], gsem[gb]
        ).wait()

    def fire_s(ob, h, q):
        pltpu.async_copy(obuf[ob], out_hbm.at[h, :, pl.ds(b0 + q * Q, Q)], ssem[ob])

    def wait_s(ob):
        pltpu.make_async_copy(
            obuf[ob], out_hbm.at[0, :, pl.ds(b0, Q)], ssem[ob]
        ).wait()

    def transpose(gb, ob, q):
        @plsc.parallel_loop(0, Q // 16)
        def per_k(k):
            rows = lax.iota(jnp.int32, 16) + k * 16

            @plsc.parallel_loop(0, D, unroll=8)
            def per_f(f):
                vals = plsc.load_gather(gbuf[gb], [rows, jnp.full((16,), f, jnp.int32)])
                obuf[ob][f, pl.ds(k * 16, 16)] = vals

    def do_h(h, ib, first_h, last_h):
        if not last_h:
            fire_idx(1 - ib, h + 1)
        for q in range(NQ):
            wait_g(q)
            if q < NQ - 2:
                fire_g(q + 2, ib, q + 2)
            elif not last_h:
                if q == NQ - 2:
                    wait_idx(1 - ib)
                fire_g(q + 2 - NQ, 1 - ib, q + 2 - NQ)
            ob = q % 2
            if not (first_h and q < 2):
                wait_s(ob)
            transpose(q, ob, q)
            fire_s(ob, h, q)

    fire_idx(0, 0)
    wait_idx(0)
    fire_g(0, 0, 0)
    fire_g(1, 0, 1)
    do_h(0, 0, True, False)

    def h_group(g, carry):
        do_h(2 * g + 1, 1, False, False)
        do_h(2 * g + 2, 0, False, False)
        return carry

    lax.fori_loop(0, (H - 2) // 2, h_group, 0)

    do_h(H - 1, 1, False, True)
    wait_s(0)
    wait_s(1)


def kernel(indices, embeddings):
    idx_t = indices.T.astype(jnp.int32)
    tab2 = jnp.pad(embeddings, ((0, 0), (0, 64)))
    out3 = _gather_kernel(idx_t, tab2)
    return jnp.transpose(out3, (2, 0, 1))

# --- scband reference (transcript-rebuilt; emitter-appended) ---
"""Pipeline reference for scband-point-embeddings-17626545783019 (READ-ONLY COPY).

The authoritative reference and input builder live on the scoring server;
editing this copy changes nothing except your own understanding.
"""

import jax, jax.numpy as jnp
import numpy as np

NUM_EMBEDDINGS = 1000000
EMBEDDING_DIM = 64
BATCH = 16384
HIST = 50

def setup_inputs(seed: int = 0) -> dict:
    key = jax.random.key(seed)
    k_idx, k_emb = jax.random.split(key)
    indices = jax.random.randint(k_idx, (BATCH, HIST), 0, NUM_EMBEDDINGS, dtype=jnp.int64)
    # init.uniform_ on nn.Embedding weight -> U[0,1)
    embeddings = jax.random.uniform(k_emb, (NUM_EMBEDDINGS, EMBEDDING_DIM), dtype=jnp.float32)
    return {"indices": indices, "embeddings": embeddings}

def reference(indices, embeddings):
    # PointEmbeddings.ind2emb(indices, matrix='emb'):
    # indices -> self.embeddings(indices), i.e. a row gather from the table.
    return jnp.take(embeddings, indices, axis=0)

if __name__ == "__main__":
    import jax
    _d = setup_inputs()
    print(jax.jit(kernel)(*tuple(_d.values())))

</pallas_src>

<mosaic_0001>
#map = affine_map<(d0, d1) -> (0, 0)>
#map1 = affine_map<(d0, d1) -> (0, 0, 0)>
module attributes {stable_mosaic.version = 14 : i64} {
  func.func @_gather_kernel(%arg0: i32, %arg1: i32, %arg2: memref<50x16384xi32, #tpu.memory_space<hbm>>, %arg3: memref<1000000x128xf32, #tpu.memory_space<hbm>>, %arg4: memref<50x64x16384xf32, #tpu.memory_space<hbm>>, %arg5: memref<512xi32, #tpu.memory_space<vmem>>, %arg6: memref<512xi32, #tpu.memory_space<vmem>>, %arg7: memref<128x128xf32, #tpu.memory_space<vmem>>, %arg8: memref<128x128xf32, #tpu.memory_space<vmem>>, %arg9: memref<128x128xf32, #tpu.memory_space<vmem>>, %arg10: memref<128x128xf32, #tpu.memory_space<vmem>>, %arg11: memref<64x128xf32, #tpu.memory_space<vmem>>, %arg12: memref<64x128xf32, #tpu.memory_space<vmem>>, %arg13: memref<!tpu.dma_semaphore, #tpu.memory_space<semaphore_mem>>, %arg14: memref<!tpu.dma_semaphore, #tpu.memory_space<semaphore_mem>>, %arg15: memref<!tpu.dma_semaphore, #tpu.memory_space<semaphore_mem>>, %arg16: memref<!tpu.dma_semaphore, #tpu.memory_space<semaphore_mem>>, %arg17: memref<!tpu.dma_semaphore, #tpu.memory_space<semaphore_mem>>, %arg18: memref<!tpu.dma_semaphore, #tpu.memory_space<semaphore_mem>>, %arg19: memref<!tpu.dma_semaphore, #tpu.memory_space<semaphore_mem>>, %arg20: memref<!tpu.dma_semaphore, #tpu.memory_space<semaphore_mem>>) attributes {dimension_semantics = [#tpu.dimension_semantics<core_parallel>, #tpu.dimension_semantics<subcore_parallel>], iteration_bounds = array<i64: 2, 16>, scalar_prefetch = 0 : i64, scratch_operands = 16 : i64, tpu.core_type = #tpu.core_type<sc_vector_subcore>, window_params = [{transform_indices = #map}, {transform_indices = #map}, {transform_indices = #map1}]} {
    %mul3A = arith.constant 2 : i32
    %mul3A_0 = arith.muli %arg1, %mul3A : i32
    %add3A = arith.addi %mul3A_0, %arg0 : i32
    %mul3A_1 = arith.constant 512 : i32
    %mul3A_2 = arith.muli %add3A, %mul3A_1 : i32
    %dma_start3A = arith.constant 0 : i32
    %dma_start3A_3 = tpu.memref_slice %arg2[%dma_start3A, %mul3A_2] : memref<50x16384xi32, #tpu.memory_space<hbm>> -> memref<1x512xi32, #tpu.memory_space<hbm>>
    %dma_start3A_4 = tpu.memref_squeeze %dma_start3A_3 : memref<1x512xi32, #tpu.memory_space<hbm>> -> memref<512xi32, #tpu.memory_space<hbm>>
    %dma_start3A_5 = tpu.memref_slice %arg2[%dma_start3A, %mul3A_2] : memref<50x16384xi32, #tpu.memory_space<hbm>> -> memref<1x512xi32, #tpu.memory_space<hbm>>
    %dma_start3A_6 = tpu.memref_squeeze %dma_start3A_5 : memref<1x512xi32, #tpu.memory_space<hbm>> -> memref<512xi32, #tpu.memory_space<hbm>>
    tpu.enqueue_dma source(%dma_start3A_6 : memref<512xi32, #tpu.memory_space<hbm>>) target(%arg5 : memref<512xi32, #tpu.memory_space<vmem>>) target_semaphore(%arg13 : memref<!tpu.dma_semaphore, #tpu.memory_space<semaphore_mem>>)
    %dma_wait3A = arith.constant 0 : i32
    %dma_wait3A_7 = tpu.memref_slice %arg2[%dma_wait3A, %mul3A_2] : memref<50x16384xi32, #tpu.memory_space<hbm>> -> memref<1x512xi32, #tpu.memory_space<hbm>>
    %dma_wait3A_8 = tpu.memref_squeeze %dma_wait3A_7 : memref<1x512xi32, #tpu.memory_space<hbm>> -> memref<512xi32, #tpu.memory_space<hbm>>
    %dma_wait3A_9 = tpu.memref_slice %arg2[%dma_wait3A, %mul3A_2] : memref<50x16384xi32, #tpu.memory_space<hbm>> -> memref<1x512xi32, #tpu.memory_space<hbm>>
    %dma_wait3A_10 = tpu.memref_squeeze %dma_wait3A_9 : memref<1x512xi32, #tpu.memory_space<hbm>> -> memref<512xi32, #tpu.memory_space<hbm>>
    tpu.wait_dma2 semaphore(%arg13 : memref<!tpu.dma_semaphore, #tpu.memory_space<semaphore_mem>>) src(%dma_wait3A_10 : memref<512xi32, #tpu.memory_space<hbm>>) dst(%arg5 : memref<512xi32, #tpu.memory_space<vmem>>)
    %dma_start3A_11 = arith.constant 0 : i32
    %dma_start3A_12 = tpu.memref_slice %arg5[%dma_start3A_11] : memref<512xi32, #tpu.memory_space<vmem>> -> memref<128xi32, #tpu.memory_space<vmem>>
    %dma_start3A_13 = arith.constant 0 : i32
    %dma_start3A_14 = arith.constant 0 : i32
    %dma_start3A_15 = tpu.memref_slice %arg3[%dma_start3A_13, %dma_start3A_14] : memref<1000000x128xf32, #tpu.memory_space<hbm>> -> memref<1000000x128xf32, #tpu.memory_space<hbm>>
    tpu.enqueue_indirect_dma source(%dma_start3A_15 : memref<1000000x128xf32, #tpu.memory_space<hbm>>) target(%arg7 : memref<128x128xf32, #tpu.memory_space<vmem>>) offsets(%dma_start3A_12 : memref<128xi32, #tpu.memory_space<vmem>>) semaphore(%arg15 : memref<!tpu.dma_semaphore, #tpu.memory_space<semaphore_mem>>)
    %dma_start3A_16 = arith.constant 128 : i32
    %dma_start3A_17 = tpu.memref_slice %arg5[%dma_start3A_16] : memref<512xi32, #tpu.memory_space<vmem>> -> memref<128xi32, #tpu.memory_space<vmem>>
    %dma_start3A_18 = arith.constant 0 : i32
    %dma_start3A_19 = arith.constant 0 : i32
    %dma_start3A_20 = tpu.memref_slice %arg3[%dma_start3A_18, %dma_start3A_19] : memref<1000000x128xf32, #tpu.memory_space<hbm>> -> memref<1000000x128xf32, #tpu.memory_space<hbm>>
    tpu.enqueue_indirect_dma source(%dma_start3A_20 : memref<1000000x128xf32, #tpu.memory_space<hbm>>) target(%arg8 : memref<128x128xf32, #tpu.memory_space<vmem>>) offsets(%dma_start3A_17 : memref<128xi32, #tpu.memory_space<vmem>>) semaphore(%arg16 : memref<!tpu.dma_semaphore, #tpu.memory_space<semaphore_mem>>)
    %dma_start3A_21 = arith.constant 1 : i32
    %dma_start3A_22 = tpu.memref_slice %arg2[%dma_start3A_21, %mul3A_2] : memref<50x16384xi32, #tpu.memory_space<hbm>> -> memref<1x512xi32, #tpu.memory_space<hbm>>
    %dma_start3A_23 = tpu.memref_squeeze %dma_start3A_22 : memref<1x512xi32, #tpu.memory_space<hbm>> -> memref<512xi32, #tpu.memory_space<hbm>>
    %dma_start3A_24 = tpu.memref_slice %arg2[%dma_start3A_21, %mul3A_2] : memref<50x16384xi32, #tpu.memory_space<hbm>> -> memref<1x512xi32, #tpu.memory_space<hbm>>
    %dma_start3A_25 = tpu.memref_squeeze %dma_start3A_24 : memref<1x512xi32, #tpu.memory_space<hbm>> -> memref<512xi32, #tpu.memory_space<hbm>>
    tpu.enqueue_dma source(%dma_start3A_25 : memref<512xi32, #tpu.memory_space<hbm>>) target(%arg6 : memref<512xi32, #tpu.memory_space<vmem>>) target_semaphore(%arg14 : memref<!tpu.dma_semaphore, #tpu.memory_space<semaphore_mem>>)
    %dma_wait3A_26 = arith.constant 0 : i32
    %dma_wait3A_27 = tpu.memref_slice %arg5[%dma_wait3A_26] : memref<512xi32, #tpu.memory_space<vmem>> -> memref<128xi32, #tpu.memory_space<vmem>>
    %dma_wait3A_28 = arith.constant 0 : i32
    %dma_wait3A_29 = arith.constant 0 : i32
    %dma_wait3A_30 = tpu.memref_slice %arg3[%dma_wait3A_28, %dma_wait3A_29] : memref<1000000x128xf32, #tpu.memory_space<hbm>> -> memref<1000000x128xf32, #tpu.memory_space<hbm>>
    tpu.wait_indirect_dma semaphore(%arg15 : memref<!tpu.dma_semaphore, #tpu.memory_space<semaphore_mem>>) src(%dma_wait3A_30 : memref<1000000x128xf32, #tpu.memory_space<hbm>>) dst(%arg7 : memref<128x128xf32, #tpu.memory_space<vmem>>)
    %dma_start3A_31 = arith.constant 256 : i32
    %dma_start3A_32 = tpu.memref_slice %arg5[%dma_start3A_31] : memref<512xi32, #tpu.memory_space<vmem>> -> memref<128xi32, #tpu.memory_space<vmem>>
    %dma_start3A_33 = arith.constant 0 : i32
    %dma_start3A_34 = arith.constant 0 : i32
    %dma_start3A_35 = tpu.memref_slice %arg3[%dma_start3A_33, %dma_start3A_34] : memref<1000000x128xf32, #tpu.memory_space<hbm>> -> memref<1000000x128xf32, #tpu.memory_space<hbm>>
    tpu.enqueue_indirect_dma source(%dma_start3A_35 : memref<1000000x128xf32, #tpu.memory_space<hbm>>) target(%arg9 : memref<128x128xf32, #tpu.memory_space<vmem>>) offsets(%dma_start3A_32 : memref<128xi32, #tpu.memory_space<vmem>>) semaphore(%arg17 : memref<!tpu.dma_semaphore, #tpu.memory_space<semaphore_mem>>)
    %parallel_loop3A = arith.constant 0 : i32
    %parallel_loop3A_36 = arith.constant 8 : i32
    %parallel_loop3A_37 = arith.constant 1 : i32
    scf.for %parallel_loop3A_257 = %parallel_loop3A to %parallel_loop3A_36 step %parallel_loop3A_37  : i32 {
      %parallel_loop3A_258 = tpu.iota {dimensions = array<i32: 0>} : vector<16xi32>
      %parallel_loop3A_259 = arith.constant 16 : i32
      %parallel_loop3A_260 = arith.muli %parallel_loop3A_257, %parallel_loop3A_259 : i32
      %parallel_loop3A_261 = vector.broadcast %parallel_loop3A_260 : i32 to vector<16xi32>
      %parallel_loop3A_262 = arith.addi %parallel_loop3A_258, %parallel_loop3A_261 : vector<16xi32>
      %parallel_loop3A_263 = arith.constant 0 : i32
      %parallel_loop3A_264 = arith.constant 64 : i32
      %parallel_loop3A_265 = arith.constant 1 : i32
      scf.for %parallel_loop3A_266 = %parallel_loop3A_263 to %parallel_loop3A_264 step %parallel_loop3A_265  : i32 {
        %parallel_loop3A_267 = vector.broadcast %parallel_loop3A_266 : i32 to vector<16xi32>
        %parallel_loop3A_268 = tpu.vector_load_idx %arg7[%parallel_loop3A_262, %parallel_loop3A_267] : memref<128x128xf32, #tpu.memory_space<vmem>>[vector<16xi32>, vector<16xi32>], vector<16xf32>,
        %parallel_loop3A_269 = arith.constant 16 : i32
        %parallel_loop3A_270 = arith.muli %parallel_loop3A_257, %parallel_loop3A_269 : i32
        %parallel_loop3A_271 = arith.index_cast %parallel_loop3A_266 : i32 to index
        %parallel_loop3A_272 = arith.index_cast %parallel_loop3A_270 : i32 to index
        %parallel_loop3A_273 = tpu.vector_load %arg11[%parallel_loop3A_271, %parallel_loop3A_272] {strides = array<i32>} : memref<64x128xf32, #tpu.memory_space<vmem>>, vector<16xf32>,
        tpu.vector_store %arg11[%parallel_loop3A_271, %parallel_loop3A_272], %parallel_loop3A_268 {strides = array<i32>} : memref<64x128xf32, #tpu.memory_space<vmem>>, vector<16xf32>,
      } {sc.loop_unroll_factor = 8 : i64, sc.parallel_access}
    } {sc.loop_unroll_factor = 1 : i64, sc.parallel_access}
    %add3A_38 = arith.constant 0 : i32
    %add3A_39 = arith.addi %mul3A_2, %add3A_38 : i32
    %dma_start3A_40 = arith.constant 0 : i32
    %dma_start3A_41 = arith.constant 0 : i32
    %dma_start3A_42 = tpu.memref_slice %arg4[%dma_start3A_40, %dma_start3A_41, %add3A_39] : memref<50x64x16384xf32, #tpu.memory_space<hbm>> -> memref<1x64x128xf32, #tpu.memory_space<hbm>>
    %dma_start3A_43 = tpu.memref_squeeze %dma_start3A_42 : memref<1x64x128xf32, #tpu.memory_space<hbm>> -> memref<64x128xf32, #tpu.memory_space<hbm>>
    %dma_start3A_44 = arith.constant 0 : i32
    %dma_start3A_45 = tpu.memref_slice %arg4[%dma_start3A_40, %dma_start3A_44, %add3A_39] : memref<50x64x16384xf32, #tpu.memory_space<hbm>> -> memref<1x64x128xf32, #tpu.memory_space<hbm>>
    %dma_start3A_46 = tpu.memref_squeeze %dma_start3A_45 : memref<1x64x128xf32, #tpu.memory_space<hbm>> -> memref<64x128xf32, #tpu.memory_space<hbm>>
    tpu.enqueue_dma source(%arg11 : memref<64x128xf32, #tpu.memory_space<vmem>>) target(%dma_start3A_46 : memref<64x128xf32, #tpu.memory_space<hbm>>) target_semaphore(%arg19 : memref<!tpu.dma_semaphore, #tpu.memory_space<semaphore_mem>>)
    %dma_wait3A_47 = arith.constant 0 : i32
    %dma_wait3A_48 = tpu.memref_slice %arg5[%dma_wait3A_47] : memref<512xi32, #tpu.memory_space<vmem>> -> memref<128xi32, #tpu.memory_space<vmem>>
    %dma_wait3A_49 = arith.constant 0 : i32
    %dma_wait3A_50 = arith.constant 0 : i32
    %dma_wait3A_51 = tpu.memref_slice %arg3[%dma_wait3A_49, %dma_wait3A_50] : memref<1000000x128xf32, #tpu.memory_space<hbm>> -> memref<1000000x128xf32, #tpu.memory_space<hbm>>
    tpu.wait_indirect_dma semaphore(%arg16 : memref<!tpu.dma_semaphore, #tpu.memory_space<semaphore_mem>>) src(%dma_wait3A_51 : memref<1000000x128xf32, #tpu.memory_space<hbm>>) dst(%arg8 : memref<128x128xf32, #tpu.memory_space<vmem>>)
    %dma_start3A_52 = arith.constant 384 : i32
    %dma_start3A_53 = tpu.memref_slice %arg5[%dma_start3A_52] : memref<512xi32, #tpu.memory_space<vmem>> -> memref<128xi32, #tpu.memory_space<vmem>>
    %dma_start3A_54 = arith.constant 0 : i32
    %dma_start3A_55 = arith.constant 0 : i32
    %dma_start3A_56 = tpu.memref_slice %arg3[%dma_start3A_54, %dma_start3A_55] : memref<1000000x128xf32, #tpu.memory_space<hbm>> -> memref<1000000x128xf32, #tpu.memory_space<hbm>>
    tpu.enqueue_indirect_dma source(%dma_start3A_56 : memref<1000000x128xf32, #tpu.memory_space<hbm>>) target(%arg10 : memref<128x128xf32, #tpu.memory_space<vmem>>) offsets(%dma_start3A_53 : memref<128xi32, #tpu.memory_space<vmem>>) semaphore(%arg18 : memref<!tpu.dma_semaphore, #tpu.memory_space<semaphore_mem>>)
    %parallel_loop3A_57 = arith.constant 0 : i32
    %parallel_loop3A_58 = arith.constant 8 : i32
    %parallel_loop3A_59 = arith.constant 1 : i32
    scf.for %parallel_loop3A_257 = %parallel_loop3A_57 to %parallel_loop3A_58 step %parallel_loop3A_59  : i32 {
      %parallel_loop3A_258 = tpu.iota {dimensions = array<i32: 0>} : vector<16xi32>
      %parallel_loop3A_259 = arith.constant 16 : i32
      %parallel_loop3A_260 = arith.muli %parallel_loop3A_257, %parallel_loop3A_259 : i32
      %parallel_loop3A_261 = vector.broadcast %parallel_loop3A_260 : i32 to vector<16xi32>
      %parallel_loop3A_262 = arith.addi %parallel_loop3A_258, %parallel_loop3A_261 : vector<16xi32>
      %parallel_loop3A_263 = arith.constant 0 : i32
      %parallel_loop3A_264 = arith.constant 64 : i32
      %parallel_loop3A_265 = arith.constant 1 : i32
      scf.for %parallel_loop3A_266 = %parallel_loop3A_263 to %parallel_loop3A_264 step %parallel_loop3A_265  : i32 {
        %parallel_loop3A_267 = vector.broadcast %parallel_loop3A_266 : i32 to vector<16xi32>
        %parallel_loop3A_268 = tpu.vector_load_idx %arg8[%parallel_loop3A_262, %parallel_loop3A_267] : memref<128x128xf32, #tpu.memory_space<vmem>>[vector<16xi32>, vector<16xi32>], vector<16xf32>,
        %parallel_loop3A_269 = arith.constant 16 : i32
        %parallel_loop3A_270 = arith.muli %parallel_loop3A_257, %parallel_loop3A_269 : i32
        %parallel_loop3A_271 = arith.index_cast %parallel_loop3A_266 : i32 to index
        %parallel_loop3A_272 = arith.index_cast %parallel_loop3A_270 : i32 to index
        %parallel_loop3A_273 = tpu.vector_load %arg12[%parallel_loop3A_271, %parallel_loop3A_272] {strides = array<i32>} : memref<64x128xf32, #tpu.memory_space<vmem>>, vector<16xf32>,
        tpu.vector_store %arg12[%parallel_loop3A_271, %parallel_loop3A_272], %parallel_loop3A_268 {strides = array<i32>} : memref<64x128xf32, #tpu.memory_space<vmem>>, vector<16xf32>,
      } {sc.loop_unroll_factor = 8 : i64, sc.parallel_access}
    } {sc.loop_unroll_factor = 1 : i64, sc.parallel_access}
    %add3A_60 = arith.constant 128 : i32
    %add3A_61 = arith.addi %mul3A_2, %add3A_60 : i32
    %dma_start3A_62 = arith.constant 0 : i32
    %dma_start3A_63 = arith.constant 0 : i32
    %dma_start3A_64 = tpu.memref_slice %arg4[%dma_start3A_62, %dma_start3A_63, %add3A_61] : memref<50x64x16384xf32, #tpu.memory_space<hbm>> -> memref<1x64x128xf32, #tpu.memory_space<hbm>>
    %dma_start3A_65 = tpu.memref_squeeze %dma_start3A_64 : memref<1x64x128xf32, #tpu.memory_space<hbm>> -> memref<64x128xf32, #tpu.memory_space<hbm>>
    %dma_start3A_66 = arith.constant 0 : i32
    %dma_start3A_67 = tpu.memref_slice %arg4[%dma_start3A_62, %dma_start3A_66, %add3A_61] : memref<50x64x16384xf32, #tpu.memory_space<hbm>> -> memref<1x64x128xf32, #tpu.memory_space<hbm>>
    %dma_start3A_68 = tpu.memref_squeeze %dma_start3A_67 : memref<1x64x128xf32, #tpu.memory_space<hbm>> -> memref<64x128xf32, #tpu.memory_space<hbm>>
    tpu.enqueue_dma source(%arg12 : memref<64x128xf32, #tpu.memory_space<vmem>>) target(%dma_start3A_68 : memref<64x128xf32, #tpu.memory_space<hbm>>) target_semaphore(%arg20 : memref<!tpu.dma_semaphore, #tpu.memory_space<semaphore_mem>>)
    %dma_wait3A_69 = arith.constant 0 : i32
    %dma_wait3A_70 = tpu.memref_slice %arg5[%dma_wait3A_69] : memref<512xi32, #tpu.memory_space<vmem>> -> memref<128xi32, #tpu.memory_space<vmem>>
    %dma_wait3A_71 = arith.constant 0 : i32
    %dma_wait3A_72 = arith.constant 0 : i32
    %dma_wait3A_73 = tpu.memref_slice %arg3[%dma_wait3A_71, %dma_wait3A_72] : memref<1000000x128xf32, #tpu.memory_space<hbm>> -> memref<1000000x128xf32, #tpu.memory_space<hbm>>
    tpu.wait_indirect_dma semaphore(%arg17 : memref<!tpu.dma_semaphore, #tpu.memory_space<semaphore_mem>>) src(%dma_wait3A_73 : memref<1000000x128xf32, #tpu.memory_space<hbm>>) dst(%arg9 : memref<128x128xf32, #tpu.memory_space<vmem>>)
    %dma_wait3A_74 = arith.constant 0 : i32
    %dma_wait3A_75 = tpu.memref_slice %arg2[%dma_wait3A_74, %mul3A_2] : memref<50x16384xi32, #tpu.memory_space<hbm>> -> memref<1x512xi32, #tpu.memory_space<hbm>>
    %dma_wait3A_76 = tpu.memref_squeeze %dma_wait3A_75 : memref<1x512xi32, #tpu.memory_space<hbm>> -> memref<512xi32, #tpu.memory_space<hbm>>
    %dma_wait3A_77 = tpu.memref_slice %arg2[%dma_wait3A_74, %mul3A_2] : memref<50x16384xi32, #tpu.memory_space<hbm>> -> memref<1x512xi32, #tpu.memory_space<hbm>>
    %dma_wait3A_78 = tpu.memref_squeeze %dma_wait3A_77 : memref<1x512xi32, #tpu.memory_space<hbm>> -> memref<512xi32, #tpu.memory_space<hbm>>
    tpu.wait_dma2 semaphore(%arg14 : memref<!tpu.dma_semaphore, #tpu.memory_space<semaphore_mem>>) src(%dma_wait3A_78 : memref<512xi32, #tpu.memory_space<hbm>>) dst(%arg6 : memref<512xi32, #tpu.memory_space<vmem>>)
    %dma_start3A_79 = arith.constant 0 : i32
    %dma_start3A_80 = tpu.memref_slice %arg6[%dma_start3A_79] : memref<512xi32, #tpu.memory_space<vmem>> -> memref<128xi32, #tpu.memory_space<vmem>>
    %dma_start3A_81 = arith.constant 0 : i32
    %dma_start3A_82 = arith.constant 0 : i32
    %dma_start3A_83 = tpu.memref_slice %arg3[%dma_start3A_81, %dma_start3A_82] : memref<1000000x128xf32, #tpu.memory_space<hbm>> -> memref<1000000x128xf32, #tpu.memory_space<hbm>>
    tpu.enqueue_indirect_dma source(%dma_start3A_83 : memref<1000000x128xf32, #tpu.memory_space<hbm>>) target(%arg7 : memref<128x128xf32, #tpu.memory_space<vmem>>) offsets(%dma_start3A_80 : memref<128xi32, #tpu.memory_space<vmem>>) semaphore(%arg15 : memref<!tpu.dma_semaphore, #tpu.memory_space<semaphore_mem>>)
    %dma_wait3A_84 = arith.constant 0 : i32
    %dma_wait3A_85 = arith.constant 0 : i32
    %dma_wait3A_86 = tpu.memref_slice %arg4[%dma_wait3A_84, %dma_wait3A_85, %mul3A_2] : memref<50x64x16384xf32, #tpu.memory_space<hbm>> -> memref<1x64x128xf32, #tpu.memory_space<hbm>>
    %dma_wait3A_87 = tpu.memref_squeeze %dma_wait3A_86 : memref<1x64x128xf32, #tpu.memory_space<hbm>> -> memref<64x128xf32, #tpu.memory_space<hbm>>
    %dma_wait3A_88 = arith.constant 0 : i32
    %dma_wait3A_89 = tpu.memref_slice %arg4[%dma_wait3A_84, %dma_wait3A_88, %mul3A_2] : memref<50x64x16384xf32, #tpu.memory_space<hbm>> -> memref<1x64x128xf32, #tpu.memory_space<hbm>>
    %dma_wait3A_90 = tpu.memref_squeeze %dma_wait3A_89 : memref<1x64x128xf32, #tpu.memory_space<hbm>> -> memref<64x128xf32, #tpu.memory_space<hbm>>
    tpu.wait_dma2 semaphore(%arg19 : memref<!tpu.dma_semaphore, #tpu.memory_space<semaphore_mem>>) src(%arg11 : memref<64x128xf32, #tpu.memory_space<vmem>>) dst(%dma_wait3A_90 : memref<64x128xf32, #tpu.memory_space<hbm>>)
    %parallel_loop3A_91 = arith.constant 0 : i32
    %parallel_loop3A_92 = arith.constant 8 : i32
    %parallel_loop3A_93 = arith.constant 1 : i32
    scf.for %parallel_loop3A_257 = %parallel_loop3A_91 to %parallel_loop3A_92 step %parallel_loop3A_93  : i32 {
      %parallel_loop3A_258 = tpu.iota {dimensions = array<i32: 0>} : vector<16xi32>
      %parallel_loop3A_259 = arith.constant 16 : i32
      %parallel_loop3A_260 = arith.muli %parallel_loop3A_257, %parallel_loop3A_259 : i32
      %parallel_loop3A_261 = vector.broadcast %parallel_loop3A_260 : i32 to vector<16xi32>
      %parallel_loop3A_262 = arith.addi %parallel_loop3A_258, %parallel_loop3A_261 : vector<16xi32>
      %parallel_loop3A_263 = arith.constant 0 : i32
      %parallel_loop3A_264 = arith.constant 64 : i32
      %parallel_loop3A_265 = arith.constant 1 : i32
      scf.for %parallel_loop3A_266 = %parallel_loop3A_263 to %parallel_loop3A_264 step %parallel_loop3A_265  : i32 {
        %parallel_loop3A_267 = vector.broadcast %parallel_loop3A_266 : i32 to vector<16xi32>
        %parallel_loop3A_268 = tpu.vector_load_idx %arg9[%parallel_loop3A_262, %parallel_loop3A_267] : memref<128x128xf32, #tpu.memory_space<vmem>>[vector<16xi32>, vector<16xi32>], vector<16xf32>,
        %parallel_loop3A_269 = arith.constant 16 : i32
        %parallel_loop3A_270 = arith.muli %parallel_loop3A_257, %parallel_loop3A_269 : i32
        %parallel_loop3A_271 = arith.index_cast %parallel_loop3A_266 : i32 to index
        %parallel_loop3A_272 = arith.index_cast %parallel_loop3A_270 : i32 to index
        %parallel_loop3A_273 = tpu.vector_load %arg11[%parallel_loop3A_271, %parallel_loop3A_272] {strides = array<i32>} : memref<64x128xf32, #tpu.memory_space<vmem>>, vector<16xf32>,
        tpu.vector_store %arg11[%parallel_loop3A_271, %parallel_loop3A_272], %parallel_loop3A_268 {strides = array<i32>} : memref<64x128xf32, #tpu.memory_space<vmem>>, vector<16xf32>,
      } {sc.loop_unroll_factor = 8 : i64, sc.parallel_access}
    } {sc.loop_unroll_factor = 1 : i64, sc.parallel_access}
    %add3A_94 = arith.constant 256 : i32
    %add3A_95 = arith.addi %mul3A_2, %add3A_94 : i32
    %dma_start3A_96 = arith.constant 0 : i32
    %dma_start3A_97 = arith.constant 0 : i32
    %dma_start3A_98 = tpu.memref_slice %arg4[%dma_start3A_96, %dma_start3A_97, %add3A_95] : memref<50x64x16384xf32, #tpu.memory_space<hbm>> -> memref<1x64x128xf32, #tpu.memory_space<hbm>>
    %dma_start3A_99 = tpu.memref_squeeze %dma_start3A_98 : memref<1x64x128xf32, #tpu.memory_space<hbm>> -> memref<64x128xf32, #tpu.memory_space<hbm>>
    %dma_start3A_100 = arith.constant 0 : i32
    %dma_start3A_101 = tpu.memref_slice %arg4[%dma_start3A_96, %dma_start3A_100, %add3A_95] : memref<50x64x16384xf32, #tpu.memory_space<hbm>> -> memref<1x64x128xf32, #tpu.memory_space<hbm>>
    %dma_start3A_102 = tpu.memref_squeeze %dma_start3A_101 : memref<1x64x128xf32, #tpu.memory_space<hbm>> -> memref<64x128xf32, #tpu.memory_space<hbm>>
    tpu.enqueue_dma source(%arg11 : memref<64x128xf32, #tpu.memory_space<vmem>>) target(%dma_start3A_102 : memref<64x128xf32, #tpu.memory_space<hbm>>) target_semaphore(%arg19 : memref<!tpu.dma_semaphore, #tpu.memory_space<semaphore_mem>>)
    %dma_wait3A_103 = arith.constant 0 : i32
    %dma_wait3A_104 = tpu.memref_slice %arg5[%dma_wait3A_103] : memref<512xi32, #tpu.memory_space<vmem>> -> memref<128xi32, #tpu.memory_space<vmem>>
    %dma_wait3A_105 = arith.constant 0 : i32
    %dma_wait3A_106 = arith.constant 0 : i32
    %dma_wait3A_107 = tpu.memref_slice %arg3[%dma_wait3A_105, %dma_wait3A_106] : memref<1000000x128xf32, #tpu.memory_space<hbm>> -> memref<1000000x128xf32, #tpu.memory_space<hbm>>
    tpu.wait_indirect_dma semaphore(%arg18 : memref<!tpu.dma_semaphore, #tpu.memory_space<semaphore_mem>>) src(%dma_wait3A_107 : memref<1000000x128xf32, #tpu.memory_space<hbm>>) dst(%arg10 : memref<128x128xf32, #tpu.memory_space<vmem>>)
    %dma_start3A_108 = arith.constant 128 : i32
    %dma_start3A_109 = tpu.memref_slice %arg6[%dma_start3A_108] : memref<512xi32, #tpu.memory_space<vmem>> -> memref<128xi32, #tpu.memory_space<vmem>>
    %dma_start3A_110 = arith.constant 0 : i32
    %dma_start3A_111 = arith.constant 0 : i32
    %dma_start3A_112 = tpu.memref_slice %arg3[%dma_start3A_110, %dma_start3A_111] : memref<1000000x128xf32, #tpu.memory_space<hbm>> -> memref<1000000x128xf32, #tpu.memory_space<hbm>>
    tpu.enqueue_indirect_dma source(%dma_start3A_112 : memref<1000000x128xf32, #tpu.memory_space<hbm>>) target(%arg8 : memref<128x128xf32, #tpu.memory_space<vmem>>) offsets(%dma_start3A_109 : memref<128xi32, #tpu.memory_space<vmem>>) semaphore(%arg16 : memref<!tpu.dma_semaphore, #tpu.memory_space<semaphore_mem>>)
    %dma_wait3A_113 = arith.constant 0 : i32
    %dma_wait3A_114 = arith.constant 0 : i32
    %dma_wait3A_115 = tpu.memref_slice %arg4[%dma_wait3A_113, %dma_wait3A_114, %mul3A_2] : memref<50x64x16384xf32, #tpu.memory_space<hbm>> -> memref<1x64x128xf32, #tpu.memory_space<hbm>>
    %dma_wait3A_116 = tpu.memref_squeeze %dma_wait3A_115 : memref<1x64x128xf32, #tpu.memory_space<hbm>> -> memref<64x128xf32, #tpu.memory_space<hbm>>
    %dma_wait3A_117 = arith.constant 0 : i32
    %dma_wait3A_118 = tpu.memref_slice %arg4[%dma_wait3A_113, %dma_wait3A_117, %mul3A_2] : memref<50x64x16384xf32, #tpu.memory_space<hbm>> -> memref<1x64x128xf32, #tpu.memory_space<hbm>>
    %dma_wait3A_119 = tpu.memref_squeeze %dma_wait3A_118 : memref<1x64x128xf32, #tpu.memory_space<hbm>> -> memref<64x128xf32, #tpu.memory_space<hbm>>
    tpu.wait_dma2 semaphore(%arg20 : memref<!tpu.dma_semaphore, #tpu.memory_space<semaphore_mem>>) src(%arg12 : memref<64x128xf32, #tpu.memory_space<vmem>>) dst(%dma_wait3A_119 : memref<64x128xf32, #tpu.memory_space<hbm>>)
    %parallel_loop3A_120 = arith.constant 0 : i32
    %parallel_loop3A_121 = arith.constant 8 : i32
    %parallel_loop3A_122 = arith.constant 1 : i32
    scf.for %parallel_loop3A_257 = %parallel_loop3A_120 to %parallel_loop3A_121 step %parallel_loop3A_122  : i32 {
      %parallel_loop3A_258 = tpu.iota {dimensions = array<i32: 0>} : vector<16xi32>
      %parallel_loop3A_259 = arith.constant 16 : i32
      %parallel_loop3A_260 = arith.muli %parallel_loop3A_257, %parallel_loop3A_259 : i32
      %parallel_loop3A_261 = vector.broadcast %parallel_loop3A_260 : i32 to vector<16xi32>
      %parallel_loop3A_262 = arith.addi %parallel_loop3A_258, %parallel_loop3A_261 : vector<16xi32>
      %parallel_loop3A_263 = arith.constant 0 : i32
      %parallel_loop3A_264 = arith.constant 64 : i32
      %parallel_loop3A_265 = arith.constant 1 : i32
      scf.for %parallel_loop3A_266 = %parallel_loop3A_263 to %parallel_loop3A_264 step %parallel_loop3A_265  : i32 {
        %parallel_loop3A_267 = vector.broadcast %parallel_loop3A_266 : i32 to vector<16xi32>
        %parallel_loop3A_268 = tpu.vector_load_idx %arg10[%parallel_loop3A_262, %parallel_loop3A_267] : memref<128x128xf32, #tpu.memory_space<vmem>>[vector<16xi32>, vector<16xi32>], vector<16xf32>,
        %parallel_loop3A_269 = arith.constant 16 : i32
        %parallel_loop3A_270 = arith.muli %parallel_loop3A_257, %parallel_loop3A_269 : i32
        %parallel_loop3A_271 = arith.index_cast %parallel_loop3A_266 : i32 to index
        %parallel_loop3A_272 = arith.index_cast %parallel_loop3A_270 : i32 to index
        %parallel_loop3A_273 = tpu.vector_load %arg12[%parallel_loop3A_271, %parallel_loop3A_272] {strides = array<i32>} : memref<64x128xf32, #tpu.memory_space<vmem>>, vector<16xf32>,
        tpu.vector_store %arg12[%parallel_loop3A_271, %parallel_loop3A_272], %parallel_loop3A_268 {strides = array<i32>} : memref<64x128xf32, #tpu.memory_space<vmem>>, vector<16xf32>,
      } {sc.loop_unroll_factor = 8 : i64, sc.parallel_access}
    } {sc.loop_unroll_factor = 1 : i64, sc.parallel_access}
    %add3A_123 = arith.constant 384 : i32
    %add3A_124 = arith.addi %mul3A_2, %add3A_123 : i32
    %dma_start3A_125 = arith.constant 0 : i32
    %dma_start3A_126 = arith.constant 0 : i32
    %dma_start3A_127 = tpu.memref_slice %arg4[%dma_start3A_125, %dma_start3A_126, %add3A_124] : memref<50x64x16384xf32, #tpu.memory_space<hbm>> -> memref<1x64x128xf32, #tpu.memory_space<hbm>>
    %dma_start3A_128 = tpu.memref_squeeze %dma_start3A_127 : memref<1x64x128xf32, #tpu.memory_space<hbm>> -> memref<64x128xf32, #tpu.memory_space<hbm>>
    %dma_start3A_129 = arith.constant 0 : i32
    %dma_start3A_130 = tpu.memref_slice %arg4[%dma_start3A_125, %dma_start3A_129, %add3A_124] : memref<50x64x16384xf32, #tpu.memory_space<hbm>> -> memref<1x64x128xf32, #tpu.memory_space<hbm>>
    %dma_start3A_131 = tpu.memref_squeeze %dma_start3A_130 : memref<1x64x128xf32, #tpu.memory_space<hbm>> -> memref<64x128xf32, #tpu.memory_space<hbm>>
    tpu.enqueue_dma source(%arg12 : memref<64x128xf32, #tpu.memory_space<vmem>>) target(%dma_start3A_131 : memref<64x128xf32, #tpu.memory_space<hbm>>) target_semaphore(%arg20 : memref<!tpu.dma_semaphore, #tpu.memory_space<semaphore_mem>>)
    %scan3A = arith.constant 0 : i32
    %scan3A_132 = arith.constant 0 : i32
    %scan3A_133 = arith.constant 24 : i32
    %scan3A_134 = arith.addi %scan3A_132, %scan3A_133 : i32
    %scan3A_135 = arith.constant 1 : i32
    scf.for %scan3A_257 = %scan3A_132 to %scan3A_134 step %scan3A_135  : i32 {
      %mul3A_258 = arith.constant 2 : i32
      %mul3A_259 = arith.muli %mul3A_258, %scan3A_257 : i32
      %add3A_260 = arith.constant 1 : i32
      %add3A_261 = arith.addi %mul3A_259, %add3A_260 : i32
      %add3A_262 = arith.constant 1 : i32
      %add3A_263 = arith.addi %add3A_261, %add3A_262 : i32
      %dma_start3A_264 = tpu.memref_slice %arg2[%add3A_263, %mul3A_2] : memref<50x16384xi32, #tpu.memory_space<hbm>> -> memref<1x512xi32, #tpu.memory_space<hbm>>
      %dma_start3A_265 = tpu.memref_squeeze %dma_start3A_264 : memref<1x512xi32, #tpu.memory_space<hbm>> -> memref<512xi32, #tpu.memory_space<hbm>>
      %dma_start3A_266 = tpu.memref_slice %arg2[%add3A_263, %mul3A_2] : memref<50x16384xi32, #tpu.memory_space<hbm>> -> memref<1x512xi32, #tpu.memory_space<hbm>>
      %dma_start3A_267 = tpu.memref_squeeze %dma_start3A_266 : memref<1x512xi32, #tpu.memory_space<hbm>> -> memref<512xi32, #tpu.memory_space<hbm>>
      tpu.enqueue_dma source(%dma_start3A_267 : memref<512xi32, #tpu.memory_space<hbm>>) target(%arg5 : memref<512xi32, #tpu.memory_space<vmem>>) target_semaphore(%arg13 : memref<!tpu.dma_semaphore, #tpu.memory_space<semaphore_mem>>)
      %dma_wait3A_268 = arith.constant 0 : i32
      %dma_wait3A_269 = tpu.memref_slice %arg5[%dma_wait3A_268] : memref<512xi32, #tpu.memory_space<vmem>> -> memref<128xi32, #tpu.memory_space<vmem>>
      %dma_wait3A_270 = arith.constant 0 : i32
      %dma_wait3A_271 = arith.constant 0 : i32
      %dma_wait3A_272 = tpu.memref_slice %arg3[%dma_wait3A_270, %dma_wait3A_271] : memref<1000000x128xf32, #tpu.memory_space<hbm>> -> memref<1000000x128xf32, #tpu.memory_space<hbm>>
      tpu.wait_indirect_dma semaphore(%arg15 : memref<!tpu.dma_semaphore, #tpu.memory_space<semaphore_mem>>) src(%dma_wait3A_272 : memref<1000000x128xf32, #tpu.memory_space<hbm>>) dst(%arg7 : memref<128x128xf32, #tpu.memory_space<vmem>>)
      %dma_start3A_273 = arith.constant 256 : i32
      %dma_start3A_274 = tpu.memref_slice %arg6[%dma_start3A_273] : memref<512xi32, #tpu.memory_space<vmem>> -> memref<128xi32, #tpu.memory_space<vmem>>
      %dma_start3A_275 = arith.constant 0 : i32
      %dma_start3A_276 = arith.constant 0 : i32
      %dma_start3A_277 = tpu.memref_slice %arg3[%dma_start3A_275, %dma_start3A_276] : memref<1000000x128xf32, #tpu.memory_space<hbm>> -> memref<1000000x128xf32, #tpu.memory_space<hbm>>
      tpu.enqueue_indirect_dma source(%dma_start3A_277 : memref<1000000x128xf32, #tpu.memory_space<hbm>>) target(%arg9 : memref<128x128xf32, #tpu.memory_space<vmem>>) offsets(%dma_start3A_274 : memref<128xi32, #tpu.memory_space<vmem>>) semaphore(%arg17 : memref<!tpu.dma_semaphore, #tpu.memory_space<semaphore_mem>>)
      %dma_wait3A_278 = arith.constant 0 : i32
      %dma_wait3A_279 = arith.constant 0 : i32
      %dma_wait3A_280 = tpu.memref_slice %arg4[%dma_wait3A_278, %dma_wait3A_279, %mul3A_2] : memref<50x64x16384xf32, #tpu.memory_space<hbm>> -> memref<1x64x128xf32, #tpu.memory_space<hbm>>
      %dma_wait3A_281 = tpu.memref_squeeze %dma_wait3A_280 : memref<1x64x128xf32, #tpu.memory_space<hbm>> -> memref<64x128xf32, #tpu.memory_space<hbm>>
      %dma_wait3A_282 = arith.constant 0 : i32
      %dma_wait3A_283 = tpu.memref_slice %arg4[%dma_wait3A_278, %dma_wait3A_282, %mul3A_2] : memref<50x64x16384xf32, #tpu.memory_space<hbm>> -> memref<1x64x128xf32, #tpu.memory_space<hbm>>
      %dma_wait3A_284 = tpu.memref_squeeze %dma_wait3A_283 : memref<1x64x128xf32, #tpu.memory_space<hbm>> -> memref<64x128xf32, #tpu.memory_space<hbm>>
      tpu.wait_dma2 semaphore(%arg19 : memref<!tpu.dma_semaphore, #tpu.memory_space<semaphore_mem>>) src(%arg11 : memref<64x128xf32, #tpu.memory_space<vmem>>) dst(%dma_wait3A_284 : memref<64x128xf32, #tpu.memory_space<hbm>>)
      %parallel_loop3A_285 = arith.constant 0 : i32
      %parallel_loop3A_286 = arith.constant 8 : i32
      %parallel_loop3A_287 = arith.constant 1 : i32
      scf.for %parallel_loop3A_512 = %parallel_loop3A_285 to %parallel_loop3A_286 step %parallel_loop3A_287  : i32 {
        %parallel_loop3A_513 = tpu.iota {dimensions = array<i32: 0>} : vector<16xi32>
        %parallel_loop3A_514 = arith.constant 16 : i32
        %parallel_loop3A_515 = arith.muli %parallel_loop3A_512, %parallel_loop3A_514 : i32
        %parallel_loop3A_516 = vector.broadcast %parallel_loop3A_515 : i32 to vector<16xi32>
        %parallel_loop3A_517 = arith.addi %parallel_loop3A_513, %parallel_loop3A_516 : vector<16xi32>
        %parallel_loop3A_518 = arith.constant 0 : i32
        %parallel_loop3A_519 = arith.constant 64 : i32
        %parallel_loop3A_520 = arith.constant 1 : i32
        scf.for %parallel_loop3A_521 = %parallel_loop3A_518 to %parallel_loop3A_519 step %parallel_loop3A_520  : i32 {
          %parallel_loop3A_522 = vector.broadcast %parallel_loop3A_521 : i32 to vector<16xi32>
          %parallel_loop3A_523 = tpu.vector_load_idx %arg7[%parallel_loop3A_517, %parallel_loop3A_522] : memref<128x128xf32, #tpu.memory_space<vmem>>[vector<16xi32>, vector<16xi32>], vector<16xf32>,
          %parallel_loop3A_524 = arith.constant 16 : i32
          %parallel_loop3A_525 = arith.muli %parallel_loop3A_512, %parallel_loop3A_524 : i32
          %parallel_loop3A_526 = arith.index_cast %parallel_loop3A_521 : i32 to index
          %parallel_loop3A_527 = arith.index_cast %parallel_loop3A_525 : i32 to index
          %parallel_loop3A_528 = tpu.vector_load %arg11[%parallel_loop3A_526, %parallel_loop3A_527] {strides = array<i32>} : memref<64x128xf32, #tpu.memory_space<vmem>>, vector<16xf32>,
          tpu.vector_store %arg11[%parallel_loop3A_526, %parallel_loop3A_527], %parallel_loop3A_523 {strides = array<i32>} : memref<64x128xf32, #tpu.memory_space<vmem>>, vector<16xf32>,
        } {sc.loop_unroll_factor = 8 : i64, sc.parallel_access}
      } {sc.loop_unroll_factor = 1 : i64, sc.parallel_access}
      %add3A_288 = arith.constant 0 : i32
      %add3A_289 = arith.addi %mul3A_2, %add3A_288 : i32
      %dma_start3A_290 = arith.constant 0 : i32
      %dma_start3A_291 = tpu.memref_slice %arg4[%add3A_261, %dma_start3A_290, %add3A_289] : memref<50x64x16384xf32, #tpu.memory_space<hbm>> -> memref<1x64x128xf32, #tpu.memory_space<hbm>>
      %dma_start3A_292 = tpu.memref_squeeze %dma_start3A_291 : memref<1x64x128xf32, #tpu.memory_space<hbm>> -> memref<64x128xf32, #tpu.memory_space<hbm>>
      %dma_start3A_293 = arith.constant 0 : i32
      %dma_start3A_294 = tpu.memref_slice %arg4[%add3A_261, %dma_start3A_293, %add3A_289] : memref<50x64x16384xf32, #tpu.memory_space<hbm>> -> memref<1x64x128xf32, #tpu.memory_space<hbm>>
      %dma_start3A_295 = tpu.memref_squeeze %dma_start3A_294 : memref<1x64x128xf32, #tpu.memory_space<hbm>> -> memref<64x128xf32, #tpu.memory_space<hbm>>
      tpu.enqueue_dma source(%arg11 : memref<64x128xf32, #tpu.memory_space<vmem>>) target(%dma_start3A_295 : memref<64x128xf32, #tpu.memory_space<hbm>>) target_semaphore(%arg19 : memref<!tpu.dma_semaphore, #tpu.memory_space<semaphore_mem>>)
      %dma_wait3A_296 = arith.constant 0 : i32
      %dma_wait3A_297 = tpu.memref_slice %arg5[%dma_wait3A_296] : memref<512xi32, #tpu.memory_space<vmem>> -> memref<128xi32, #tpu.memory_space<vmem>>
      %dma_wait3A_298 = arith.constant 0 : i32
      %dma_wait3A_299 = arith.constant 0 : i32
      %dma_wait3A_300 = tpu.memref_slice %arg3[%dma_wait3A_298, %dma_wait3A_299] : memref<1000000x128xf32, #tpu.memory_space<hbm>> -> memref<1000000x128xf32, #tpu.memory_space<hbm>>
      tpu.wait_indirect_dma semaphore(%arg16 : memref<!tpu.dma_semaphore, #tpu.memory_space<semaphore_mem>>) src(%dma_wait3A_300 : memref<1000000x128xf32, #tpu.memory_space<hbm>>) dst(%arg8 : memref<128x128xf32, #tpu.memory_space<vmem>>)
      %dma_start3A_301 = arith.constant 384 : i32
      %dma_start3A_302 = tpu.memref_slice %arg6[%dma_start3A_301] : memref<512xi32, #tpu.memory_space<vmem>> -> memref<128xi32, #tpu.memory_space<vmem>>
      %dma_start3A_303 = arith.constant 0 : i32
      %dma_start3A_304 = arith.constant 0 : i32
      %dma_start3A_305 = tpu.memref_slice %arg3[%dma_start3A_303, %dma_start3A_304] : memref<1000000x128xf32, #tpu.memory_space<hbm>> -> memref<1000000x128xf32, #tpu.memory_space<hbm>>
      tpu.enqueue_indirect_dma source(%dma_start3A_305 : memref<1000000x128xf32, #tpu.memory_space<hbm>>) target(%arg10 : memref<128x128xf32, #tpu.memory_space<vmem>>) offsets(%dma_start3A_302 : memref<128xi32, #tpu.memory_space<vmem>>) semaphore(%arg18 : memref<!tpu.dma_semaphore, #tpu.memory_space<semaphore_mem>>)
      %dma_wait3A_306 = arith.constant 0 : i32
      %dma_wait3A_307 = arith.constant 0 : i32
      %dma_wait3A_308 = tpu.memref_slice %arg4[%dma_wait3A_306, %dma_wait3A_307, %mul3A_2] : memref<50x64x16384xf32, #tpu.memory_space<hbm>> -> memref<1x64x128xf32, #tpu.memory_space<hbm>>
      %dma_wait3A_309 = tpu.memref_squeeze %dma_wait3A_308 : memref<1x64x128xf32, #tpu.memory_space<hbm>> -> memref<64x128xf32, #tpu.memory_space<hbm>>
      %dma_wait3A_310 = arith.constant 0 : i32
      %dma_wait3A_311 = tpu.memref_slice %arg4[%dma_wait3A_306, %dma_wait3A_310, %mul3A_2] : memref<50x64x16384xf32, #tpu.memory_space<hbm>> -> memref<1x64x128xf32, #tpu.memory_space<hbm>>
      %dma_wait3A_312 = tpu.memref_squeeze %dma_wait3A_311 : memref<1x64x128xf32, #tpu.memory_space<hbm>> -> memref<64x128xf32, #tpu.memory_space<hbm>>
      tpu.wait_dma2 semaphore(%arg20 : memref<!tpu.dma_semaphore, #tpu.memory_space<semaphore_mem>>) src(%arg12 : memref<64x128xf32, #tpu.memory_space<vmem>>) dst(%dma_wait3A_312 : memref<64x128xf32, #tpu.memory_space<hbm>>)
      %parallel_loop3A_313 = arith.constant 0 : i32
      %parallel_loop3A_314 = arith.constant 8 : i32
      %parallel_loop3A_315 = arith.constant 1 : i32
      scf.for %parallel_loop3A_512 = %parallel_loop3A_313 to %parallel_loop3A_314 step %parallel_loop3A_315  : i32 {
        %parallel_loop3A_513 = tpu.iota {dimensions = array<i32: 0>} : vector<16xi32>
        %parallel_loop3A_514 = arith.constant 16 : i32
        %parallel_loop3A_515 = arith.muli %parallel_loop3A_512, %parallel_loop3A_514 : i32
        %parallel_loop3A_516 = vector.broadcast %parallel_loop3A_515 : i32 to vector<16xi32>
        %parallel_loop3A_517 = arith.addi %parallel_loop3A_513, %parallel_loop3A_516 : vector<16xi32>
        %parallel_loop3A_518 = arith.constant 0 : i32
        %parallel_loop3A_519 = arith.constant 64 : i32
        %parallel_loop3A_520 = arith.constant 1 : i32
        scf.for %parallel_loop3A_521 = %parallel_loop3A_518 to %parallel_loop3A_519 step %parallel_loop3A_520  : i32 {
          %parallel_loop3A_522 = vector.broadcast %parallel_loop3A_521 : i32 to vector<16xi32>
          %parallel_loop3A_523 = tpu.vector_load_idx %arg8[%parallel_loop3A_517, %parallel_loop3A_522] : memref<128x128xf32, #tpu.memory_space<vmem>>[vector<16xi32>, vector<16xi32>], vector<16xf32>,
          %parallel_loop3A_524 = arith.constant 16 : i32
          %parallel_loop3A_525 = arith.muli %parallel_loop3A_512, %parallel_loop3A_524 : i32
          %parallel_loop3A_526 = arith.index_cast %parallel_loop3A_521 : i32 to index
          %parallel_loop3A_527 = arith.index_cast %parallel_loop3A_525 : i32 to index
          %parallel_loop3A_528 = tpu.vector_load %arg12[%parallel_loop3A_526, %parallel_loop3A_527] {strides = array<i32>} : memref<64x128xf32, #tpu.memory_space<vmem>>, vector<16xf32>,
          tpu.vector_store %arg12[%parallel_loop3A_526, %parallel_loop3A_527], %parallel_loop3A_523 {strides = array<i32>} : memref<64x128xf32, #tpu.memory_space<vmem>>, vector<16xf32>,
        } {sc.loop_unroll_factor = 8 : i64, sc.parallel_access}
      } {sc.loop_unroll_factor = 1 : i64, sc.parallel_access}
      %add3A_316 = arith.constant 128 : i32
      %add3A_317 = arith.addi %mul3A_2, %add3A_316 : i32
      %dma_start3A_318 = arith.constant 0 : i32
      %dma_start3A_319 = tpu.memref_slice %arg4[%add3A_261, %dma_start3A_318, %add3A_317] : memref<50x64x16384xf32, #tpu.memory_space<hbm>> -> memref<1x64x128xf32, #tpu.memory_space<hbm>>
      %dma_start3A_320 = tpu.memref_squeeze %dma_start3A_319 : memref<1x64x128xf32, #tpu.memory_space<hbm>> -> memref<64x128xf32, #tpu.memory_space<hbm>>
      %dma_start3A_321 = arith.constant 0 : i32
      %dma_start3A_322 = tpu.memref_slice %arg4[%add3A_261, %dma_start3A_321, %add3A_317] : memref<50x64x16384xf32, #tpu.memory_space<hbm>> -> memref<1x64x128xf32, #tpu.memory_space<hbm>>
      %dma_start3A_323 = tpu.memref_squeeze %dma_start3A_322 : memref<1x64x128xf32, #tpu.memory_space<hbm>> -> memref<64x128xf32, #tpu.memory_space<hbm>>
      tpu.enqueue_dma source(%arg12 : memref<64x128xf32, #tpu.memory_space<vmem>>) target(%dma_start3A_323 : memref<64x128xf32, #tpu.memory_space<hbm>>) target_semaphore(%arg20 : memref<!tpu.dma_semaphore, #tpu.memory_space<semaphore_mem>>)
      %dma_wait3A_324 = arith.constant 0 : i32
      %dma_wait3A_325 = tpu.memref_slice %arg5[%dma_wait3A_324] : memref<512xi32, #tpu.memory_space<vmem>> -> memref<128xi32, #tpu.memory_space<vmem>>
      %dma_wait3A_326 = arith.constant 0 : i32
      %dma_wait3A_327 = arith.constant 0 : i32
      %dma_wait3A_328 = tpu.memref_slice %arg3[%dma_wait3A_326, %dma_wait3A_327] : memref<1000000x128xf32, #tpu.memory_space<hbm>> -> memref<1000000x128xf32, #tpu.memory_space<hbm>>
      tpu.wait_indirect_dma semaphore(%arg17 : memref<!tpu.dma_semaphore, #tpu.memory_space<semaphore_mem>>) src(%dma_wait3A_328 : memref<1000000x128xf32, #tpu.memory_space<hbm>>) dst(%arg9 : memref<128x128xf32, #tpu.memory_space<vmem>>)
      %dma_wait3A_329 = arith.constant 0 : i32
      %dma_wait3A_330 = tpu.memref_slice %arg2[%dma_wait3A_329, %mul3A_2] : memref<50x16384xi32, #tpu.memory_space<hbm>> -> memref<1x512xi32, #tpu.memory_space<hbm>>
      %dma_wait3A_331 = tpu.memref_squeeze %dma_wait3A_330 : memref<1x512xi32, #tpu.memory_space<hbm>> -> memref<512xi32, #tpu.memory_space<hbm>>
      %dma_wait3A_332 = tpu.memref_slice %arg2[%dma_wait3A_329, %mul3A_2] : memref<50x16384xi32, #tpu.memory_space<hbm>> -> memref<1x512xi32, #tpu.memory_space<hbm>>
      %dma_wait3A_333 = tpu.memref_squeeze %dma_wait3A_332 : memref<1x512xi32, #tpu.memory_space<hbm>> -> memref<512xi32, #tpu.memory_space<hbm>>
      tpu.wait_dma2 semaphore(%arg13 : memref<!tpu.dma_semaphore, #tpu.memory_space<semaphore_mem>>) src(%dma_wait3A_333 : memref<512xi32, #tpu.memory_space<hbm>>) dst(%arg5 : memref<512xi32, #tpu.memory_space<vmem>>)
      %dma_start3A_334 = arith.constant 0 : i32
      %dma_start3A_335 = tpu.memref_slice %arg5[%dma_start3A_334] : memref<512xi32, #tpu.memory_space<vmem>> -> memref<128xi32, #tpu.memory_space<vmem>>
      %dma_start3A_336 = arith.constant 0 : i32
      %dma_start3A_337 = arith.constant 0 : i32
      %dma_start3A_338 = tpu.memref_slice %arg3[%dma_start3A_336, %dma_start3A_337] : memref<1000000x128xf32, #tpu.memory_space<hbm>> -> memref<1000000x128xf32, #tpu.memory_space<hbm>>
      tpu.enqueue_indirect_dma source(%dma_start3A_338 : memref<1000000x128xf32, #tpu.memory_space<hbm>>) target(%arg7 : memref<128x128xf32, #tpu.memory_space<vmem>>) offsets(%dma_start3A_335 : memref<128xi32, #tpu.memory_space<vmem>>) semaphore(%arg15 : memref<!tpu.dma_semaphore, #tpu.memory_space<semaphore_mem>>)
      %dma_wait3A_339 = arith.constant 0 : i32
      %dma_wait3A_340 = arith.constant 0 : i32
      %dma_wait3A_341 = tpu.memref_slice %arg4[%dma_wait3A_339, %dma_wait3A_340, %mul3A_2] : memref<50x64x16384xf32, #tpu.memory_space<hbm>> -> memref<1x64x128xf32, #tpu.memory_space<hbm>>
      %dma_wait3A_342 = tpu.memref_squeeze %dma_wait3A_341 : memref<1x64x128xf32, #tpu.memory_space<hbm>> -> memref<64x128xf32, #tpu.memory_space<hbm>>
      %dma_wait3A_343 = arith.constant 0 : i32
      %dma_wait3A_344 = tpu.memref_slice %arg4[%dma_wait3A_339, %dma_wait3A_343, %mul3A_2] : memref<50x64x16384xf32, #tpu.memory_space<hbm>> -> memref<1x64x128xf32, #tpu.memory_space<hbm>>
      %dma_wait3A_345 = tpu.memref_squeeze %dma_wait3A_344 : memref<1x64x128xf32, #tpu.memory_space<hbm>> -> memref<64x128xf32, #tpu.memory_space<hbm>>
      tpu.wait_dma2 semaphore(%arg19 : memref<!tpu.dma_semaphore, #tpu.memory_space<semaphore_mem>>) src(%arg11 : memref<64x128xf32, #tpu.memory_space<vmem>>) dst(%dma_wait3A_345 : memref<64x128xf32, #tpu.memory_space<hbm>>)
      %parallel_loop3A_346 = arith.constant 0 : i32
      %parallel_loop3A_347 = arith.constant 8 : i32
      %parallel_loop3A_348 = arith.constant 1 : i32
      scf.for %parallel_loop3A_512 = %parallel_loop3A_346 to %parallel_loop3A_347 step %parallel_loop3A_348  : i32 {
        %parallel_loop3A_513 = tpu.iota {dimensions = array<i32: 0>} : vector<16xi32>
        %parallel_loop3A_514 = arith.constant 16 : i32
        %parallel_loop3A_515 = arith.muli %parallel_loop3A_512, %parallel_loop3A_514 : i32
        %parallel_loop3A_516 = vector.broadcast %parallel_loop3A_515 : i32 to vector<16xi32>
        %parallel_loop3A_517 = arith.addi %parallel_loop3A_513, %parallel_loop3A_516 : vector<16xi32>
        %parallel_loop3A_518 = arith.constant 0 : i32
        %parallel_loop3A_519 = arith.constant 64 : i32
        %parallel_loop3A_520 = arith.constant 1 : i32
        scf.for %parallel_loop3A_521 = %parallel_loop3A_518 to %parallel_loop3A_519 step %parallel_loop3A_520  : i32 {
          %parallel_loop3A_522 = vector.broadcast %parallel_loop3A_521 : i32 to vector<16xi32>
          %parallel_loop3A_523 = tpu.vector_load_idx %arg9[%parallel_loop3A_517, %parallel_loop3A_522] : memref<128x128xf32, #tpu.memory_space<vmem>>[vector<16xi32>, vector<16xi32>], vector<16xf32>,
          %parallel_loop3A_524 = arith.constant 16 : i32
          %parallel_loop3A_525 = arith.muli %parallel_loop3A_512, %parallel_loop3A_524 : i32
          %parallel_loop3A_526 = arith.index_cast %parallel_loop3A_521 : i32 to index
          %parallel_loop3A_527 = arith.index_cast %parallel_loop3A_525 : i32 to index
          %parallel_loop3A_528 = tpu.vector_load %arg11[%parallel_loop3A_526, %parallel_loop3A_527] {strides = array<i32>} : memref<64x128xf32, #tpu.memory_space<vmem>>, vector<16xf32>,
          tpu.vector_store %arg11[%parallel_loop3A_526, %parallel_loop3A_527], %parallel_loop3A_523 {strides = array<i32>} : memref<64x128xf32, #tpu.memory_space<vmem>>, vector<16xf32>,
        } {sc.loop_unroll_factor = 8 : i64, sc.parallel_access}
      } {sc.loop_unroll_factor = 1 : i64, sc.parallel_access}
      %add3A_349 = arith.constant 256 : i32
      %add3A_350 = arith.addi %mul3A_2, %add3A_349 : i32
      %dma_start3A_351 = arith.constant 0 : i32
      %dma_start3A_352 = tpu.memref_slice %arg4[%add3A_261, %dma_start3A_351, %add3A_350] : memref<50x64x16384xf32, #tpu.memory_space<hbm>> -> memref<1x64x128xf32, #tpu.memory_space<hbm>>
      %dma_start3A_353 = tpu.memref_squeeze %dma_start3A_352 : memref<1x64x128xf32, #tpu.memory_space<hbm>> -> memref<64x128xf32, #tpu.memory_space<hbm>>
      %dma_start3A_354 = arith.constant 0 : i32
      %dma_start3A_355 = tpu.memref_slice %arg4[%add3A_261, %dma_start3A_354, %add3A_350] : memref<50x64x16384xf32, #tpu.memory_space<hbm>> -> memref<1x64x128xf32, #tpu.memory_space<hbm>>
      %dma_start3A_356 = tpu.memref_squeeze %dma_start3A_355 : memref<1x64x128xf32, #tpu.memory_space<hbm>> -> memref<64x128xf32, #tpu.memory_space<hbm>>
      tpu.enqueue_dma source(%arg11 : memref<64x128xf32, #tpu.memory_space<vmem>>) target(%dma_start3A_356 : memref<64x128xf32, #tpu.memory_space<hbm>>) target_semaphore(%arg19 : memref<!tpu.dma_semaphore, #tpu.memory_space<semaphore_mem>>)
      %dma_wait3A_357 = arith.constant 0 : i32
      %dma_wait3A_358 = tpu.memref_slice %arg5[%dma_wait3A_357] : memref<512xi32, #tpu.memory_space<vmem>> -> memref<128xi32, #tpu.memory_space<vmem>>
      %dma_wait3A_359 = arith.constant 0 : i32
      %dma_wait3A_360 = arith.constant 0 : i32
      %dma_wait3A_361 = tpu.memref_slice %arg3[%dma_wait3A_359, %dma_wait3A_360] : memref<1000000x128xf32, #tpu.memory_space<hbm>> -> memref<1000000x128xf32, #tpu.memory_space<hbm>>
      tpu.wait_indirect_dma semaphore(%arg18 : memref<!tpu.dma_semaphore, #tpu.memory_space<semaphore_mem>>) src(%dma_wait3A_361 : memref<1000000x128xf32, #tpu.memory_space<hbm>>) dst(%arg10 : memref<128x128xf32, #tpu.memory_space<vmem>>)
      %dma_start3A_362 = arith.constant 128 : i32
      %dma_start3A_363 = tpu.memref_slice %arg5[%dma_start3A_362] : memref<512xi32, #tpu.memory_space<vmem>> -> memref<128xi32, #tpu.memory_space<vmem>>
      %dma_start3A_364 = arith.constant 0 : i32
      %dma_start3A_365 = arith.constant 0 : i32
      %dma_start3A_366 = tpu.memref_slice %arg3[%dma_start3A_364, %dma_start3A_365] : memref<1000000x128xf32, #tpu.memory_space<hbm>> -> memref<1000000x128xf32, #tpu.memory_space<hbm>>
      tpu.enqueue_indirect_dma source(%dma_start3A_366 : memref<1000000x128xf32, #tpu.memory_space<hbm>>) target(%arg8 : memref<128x128xf32, #tpu.memory_space<vmem>>) offsets(%dma_start3A_363 : memref<128xi32, #tpu.memory_space<vmem>>) semaphore(%arg16 : memref<!tpu.dma_semaphore, #tpu.memory_space<semaphore_mem>>)
      %dma_wait3A_367 = arith.constant 0 : i32
      %dma_wait3A_368 = arith.constant 0 : i32
      %dma_wait3A_369 = tpu.memref_slice %arg4[%dma_wait3A_367, %dma_wait3A_368, %mul3A_2] : memref<50x64x16384xf32, #tpu.memory_space<hbm>> -> memref<1x64x128xf32, #tpu.memory_space<hbm>>
      %dma_wait3A_370 = tpu.memref_squeeze %dma_wait3A_369 : memref<1x64x128xf32, #tpu.memory_space<hbm>> -> memref<64x128xf32, #tpu.memory_space<hbm>>
      %dma_wait3A_371 = arith.constant 0 : i32
      %dma_wait3A_372 = tpu.memref_slice %arg4[%dma_wait3A_367, %dma_wait3A_371, %mul3A_2] : memref<50x64x16384xf32, #tpu.memory_space<hbm>> -> memref<1x64x128xf32, #tpu.memory_space<hbm>>
      %dma_wait3A_373 = tpu.memref_squeeze %dma_wait3A_372 : memref<1x64x128xf32, #tpu.memory_space<hbm>> -> memref<64x128xf32, #tpu.memory_space<hbm>>
      tpu.wait_dma2 semaphore(%arg20 : memref<!tpu.dma_semaphore, #tpu.memory_space<semaphore_mem>>) src(%arg12 : memref<64x128xf32, #tpu.memory_space<vmem>>) dst(%dma_wait3A_373 : memref<64x128xf32, #tpu.memory_space<hbm>>)
      %parallel_loop3A_374 = arith.constant 0 : i32
      %parallel_loop3A_375 = arith.constant 8 : i32
      %parallel_loop3A_376 = arith.constant 1 : i32
      scf.for %parallel_loop3A_512 = %parallel_loop3A_374 to %parallel_loop3A_375 step %parallel_loop3A_376  : i32 {
        %parallel_loop3A_513 = tpu.iota {dimensions = array<i32: 0>} : vector<16xi32>
        %parallel_loop3A_514 = arith.constant 16 : i32
        %parallel_loop3A_515 = arith.muli %parallel_loop3A_512, %parallel_loop3A_514 : i32
        %parallel_loop3A_516 = vector.broadcast %parallel_loop3A_515 : i32 to vector<16xi32>
        %parallel_loop3A_517 = arith.addi %parallel_loop3A_513, %parallel_loop3A_516 : vector<16xi32>
        %parallel_loop3A_518 = arith.constant 0 : i32
        %parallel_loop3A_519 = arith.constant 64 : i32
        %parallel_loop3A_520 = arith.constant 1 : i32
        scf.for %parallel_loop3A_521 = %parallel_loop3A_518 to %parallel_loop3A_519 step %parallel_loop3A_520  : i32 {
          %parallel_loop3A_522 = vector.broadcast %parallel_loop3A_521 : i32 to vector<16xi32>
          %parallel_loop3A_523 = tpu.vector_load_idx %arg10[%parallel_loop3A_517, %parallel_loop3A_522] : memref<128x128xf32, #tpu.memory_space<vmem>>[vector<16xi32>, vector<16xi32>], vector<16xf32>,
          %parallel_loop3A_524 = arith.constant 16 : i32
          %parallel_loop3A_525 = arith.muli %parallel_loop3A_512, %parallel_loop3A_524 : i32
          %parallel_loop3A_526 = arith.index_cast %parallel_loop3A_521 : i32 to index
          %parallel_loop3A_527 = arith.index_cast %parallel_loop3A_525 : i32 to index
          %parallel_loop3A_528 = tpu.vector_load %arg12[%parallel_loop3A_526, %parallel_loop3A_527] {strides = array<i32>} : memref<64x128xf32, #tpu.memory_space<vmem>>, vector<16xf32>,
          tpu.vector_store %arg12[%parallel_loop3A_526, %parallel_loop3A_527], %parallel_loop3A_523 {strides = array<i32>} : memref<64x128xf32, #tpu.memory_space<vmem>>, vector<16xf32>,
        } {sc.loop_unroll_factor = 8 : i64, sc.parallel_access}
      } {sc.loop_unroll_factor = 1 : i64, sc.parallel_access}
      %add3A_377 = arith.constant 384 : i32
      %add3A_378 = arith.addi %mul3A_2, %add3A_377 : i32
      %dma_start3A_379 = arith.constant 0 : i32
      %dma_start3A_380 = tpu.memref_slice %arg4[%add3A_261, %dma_start3A_379, %add3A_378] : memref<50x64x16384xf32, #tpu.memory_space<hbm>> -> memref<1x64x128xf32, #tpu.memory_space<hbm>>
      %dma_start3A_381 = tpu.memref_squeeze %dma_start3A_380 : memref<1x64x128xf32, #tpu.memory_space<hbm>> -> memref<64x128xf32, #tpu.memory_space<hbm>>
      %dma_start3A_382 = arith.constant 0 : i32
      %dma_start3A_383 = tpu.memref_slice %arg4[%add3A_261, %dma_start3A_382, %add3A_378] : memref<50x64x16384xf32, #tpu.memory_space<hbm>> -> memref<1x64x128xf32, #tpu.memory_space<hbm>>
      %dma_start3A_384 = tpu.memref_squeeze %dma_start3A_383 : memref<1x64x128xf32, #tpu.memory_space<hbm>> -> memref<64x128xf32, #tpu.memory_space<hbm>>
      tpu.enqueue_dma source(%arg12 : memref<64x128xf32, #tpu.memory_space<vmem>>) target(%dma_start3A_384 : memref<64x128xf32, #tpu.memory_space<hbm>>) target_semaphore(%arg20 : memref<!tpu.dma_semaphore, #tpu.memory_space<semaphore_mem>>)
      %mul3A_385 = arith.constant 2 : i32
      %mul3A_386 = arith.muli %mul3A_385, %scan3A_257 : i32
      %add3A_387 = arith.constant 2 : i32
      %add3A_388 = arith.addi %mul3A_386, %add3A_387 : i32
      %add3A_389 = arith.constant 1 : i32
      %add3A_390 = arith.addi %add3A_388, %add3A_389 : i32
      %dma_start3A_391 = tpu.memref_slice %arg2[%add3A_390, %mul3A_2] : memref<50x16384xi32, #tpu.memory_space<hbm>> -> memref<1x512xi32, #tpu.memory_space<hbm>>
      %dma_start3A_392 = tpu.memref_squeeze %dma_start3A_391 : memref<1x512xi32, #tpu.memory_space<hbm>> -> memref<512xi32, #tpu.memory_space<hbm>>
      %dma_start3A_393 = tpu.memref_slice %arg2[%add3A_390, %mul3A_2] : memref<50x16384xi32, #tpu.memory_space<hbm>> -> memref<1x512xi32, #tpu.memory_space<hbm>>
      %dma_start3A_394 = tpu.memref_squeeze %dma_start3A_393 : memref<1x512xi32, #tpu.memory_space<hbm>> -> memref<512xi32, #tpu.memory_space<hbm>>
      tpu.enqueue_dma source(%dma_start3A_394 : memref<512xi32, #tpu.memory_space<hbm>>) target(%arg6 : memref<512xi32, #tpu.memory_space<vmem>>) target_semaphore(%arg14 : memref<!tpu.dma_semaphore, #tpu.memory_space<semaphore_mem>>)
      %dma_wait3A_395 = arith.constant 0 : i32
      %dma_wait3A_396 = tpu.memref_slice %arg5[%dma_wait3A_395] : memref<512xi32, #tpu.memory_space<vmem>> -> memref<128xi32, #tpu.memory_space<vmem>>
      %dma_wait3A_397 = arith.constant 0 : i32
      %dma_wait3A_398 = arith.constant 0 : i32
      %dma_wait3A_399 = tpu.memref_slice %arg3[%dma_wait3A_397, %dma_wait3A_398] : memref<1000000x128xf32, #tpu.memory_space<hbm>> -> memref<1000000x128xf32, #tpu.memory_space<hbm>>
      tpu.wait_indirect_dma semaphore(%arg15 : memref<!tpu.dma_semaphore, #tpu.memory_space<semaphore_mem>>) src(%dma_wait3A_399 : memref<1000000x128xf32, #tpu.memory_space<hbm>>) dst(%arg7 : memref<128x128xf32, #tpu.memory_space<vmem>>)
      %dma_start3A_400 = arith.constant 256 : i32
      %dma_start3A_401 = tpu.memref_slice %arg5[%dma_start3A_400] : memref<512xi32, #tpu.memory_space<vmem>> -> memref<128xi32, #tpu.memory_space<vmem>>
      %dma_start3A_402 = arith.constant 0 : i32
      %dma_start3A_403 = arith.constant 0 : i32
      %dma_start3A_404 = tpu.memref_slice %arg3[%dma_start3A_402, %dma_start3A_403] : memref<1000000x128xf32, #tpu.memory_space<hbm>> -> memref<1000000x128xf32, #tpu.memory_space<hbm>>
      tpu.enqueue_indirect_dma source(%dma_start3A_404 : memref<1000000x128xf32, #tpu.memory_space<hbm>>) target(%arg9 : memref<128x128xf32, #tpu.memory_space<vmem>>) offsets(%dma_start3A_401 : memref<128xi32, #tpu.memory_space<vmem>>) semaphore(%arg17 : memref<!tpu.dma_semaphore, #tpu.memory_space<semaphore_mem>>)
      %dma_wait3A_405 = arith.constant 0 : i32
      %dma_wait3A_406 = arith.constant 0 : i32
      %dma_wait3A_407 = tpu.memref_slice %arg4[%dma_wait3A_405, %dma_wait3A_406, %mul3A_2] : memref<50x64x16384xf32, #tpu.memory_space<hbm>> -> memref<1x64x128xf32, #tpu.memory_space<hbm>>
      %dma_wait3A_408 = tpu.memref_squeeze %dma_wait3A_407 : memref<1x64x128xf32, #tpu.memory_space<hbm>> -> memref<64x128xf32, #tpu.memory_space<hbm>>
      %dma_wait3A_409 = arith.constant 0 : i32
      %dma_wait3A_410 = tpu.memref_slice %arg4[%dma_wait3A_405, %dma_wait3A_409, %mul3A_2] : memref<50x64x16384xf32, #tpu.memory_space<hbm>> -> memref<1x64x128xf32, #tpu.memory_space<hbm>>
      %dma_wait3A_411 = tpu.memref_squeeze %dma_wait3A_410 : memref<1x64x128xf32, #tpu.memory_space<hbm>> -> memref<64x128xf32, #tpu.memory_space<hbm>>
      tpu.wait_dma2 semaphore(%arg19 : memref<!tpu.dma_semaphore, #tpu.memory_space<semaphore_mem>>) src(%arg11 : memref<64x128xf32, #tpu.memory_space<vmem>>) dst(%dma_wait3A_411 : memref<64x128xf32, #tpu.memory_space<hbm>>)
      %parallel_loop3A_412 = arith.constant 0 : i32
      %parallel_loop3A_413 = arith.constant 8 : i32
      %parallel_loop3A_414 = arith.constant 1 : i32
      scf.for %parallel_loop3A_512 = %parallel_loop3A_412 to %parallel_loop3A_413 step %parallel_loop3A_414  : i32 {
        %parallel_loop3A_513 = tpu.iota {dimensions = array<i32: 0>} : vector<16xi32>
        %parallel_loop3A_514 = arith.constant 16 : i32
        %parallel_loop3A_515 = arith.muli %parallel_loop3A_512, %parallel_loop3A_514 : i32
        %parallel_loop3A_516 = vector.broadcast %parallel_loop3A_515 : i32 to vector<16xi32>
        %parallel_loop3A_517 = arith.addi %parallel_loop3A_513, %parallel_loop3A_516 : vector<16xi32>
        %parallel_loop3A_518 = arith.constant 0 : i32
        %parallel_loop3A_519 = arith.constant 64 : i32
        %parallel_loop3A_520 = arith.constant 1 : i32
        scf.for %parallel_loop3A_521 = %parallel_loop3A_518 to %parallel_loop3A_519 step %parallel_loop3A_520  : i32 {
          %parallel_loop3A_522 = vector.broadcast %parallel_loop3A_521 : i32 to vector<16xi32>
          %parallel_loop3A_523 = tpu.vector_load_idx %arg7[%parallel_loop3A_517, %parallel_loop3A_522] : memref<128x128xf32, #tpu.memory_space<vmem>>[vector<16xi32>, vector<16xi32>], vector<16xf32>,
          %parallel_loop3A_524 = arith.constant 16 : i32
          %parallel_loop3A_525 = arith.muli %parallel_loop3A_512, %parallel_loop3A_524 : i32
          %parallel_loop3A_526 = arith.index_cast %parallel_loop3A_521 : i32 to index
          %parallel_loop3A_527 = arith.index_cast %parallel_loop3A_525 : i32 to index
          %parallel_loop3A_528 = tpu.vector_load %arg11[%parallel_loop3A_526, %parallel_loop3A_527] {strides = array<i32>} : memref<64x128xf32, #tpu.memory_space<vmem>>, vector<16xf32>,
          tpu.vector_store %arg11[%parallel_loop3A_526, %parallel_loop3A_527], %parallel_loop3A_523 {strides = array<i32>} : memref<64x128xf32, #tpu.memory_space<vmem>>, vector<16xf32>,
        } {sc.loop_unroll_factor = 8 : i64, sc.parallel_access}
      } {sc.loop_unroll_factor = 1 : i64, sc.parallel_access}
      %add3A_415 = arith.constant 0 : i32
      %add3A_416 = arith.addi %mul3A_2, %add3A_415 : i32
      %dma_start3A_417 = arith.constant 0 : i32
      %dma_start3A_418 = tpu.memref_slice %arg4[%add3A_388, %dma_start3A_417, %add3A_416] : memref<50x64x16384xf32, #tpu.memory_space<hbm>> -> memref<1x64x128xf32, #tpu.memory_space<hbm>>
      %dma_start3A_419 = tpu.memref_squeeze %dma_start3A_418 : memref<1x64x128xf32, #tpu.memory_space<hbm>> -> memref<64x128xf32, #tpu.memory_space<hbm>>
      %dma_start3A_420 = arith.constant 0 : i32
      %dma_start3A_421 = tpu.memref_slice %arg4[%add3A_388, %dma_start3A_420, %add3A_416] : memref<50x64x16384xf32, #tpu.memory_space<hbm>> -> memref<1x64x128xf32, #tpu.memory_space<hbm>>
      %dma_start3A_422 = tpu.memref_squeeze %dma_start3A_421 : memref<1x64x128xf32, #tpu.memory_space<hbm>> -> memref<64x128xf32, #tpu.memory_space<hbm>>
      tpu.enqueue_dma source(%arg11 : memref<64x128xf32, #tpu.memory_space<vmem>>) target(%dma_start3A_422 : memref<64x128xf32, #tpu.memory_space<hbm>>) target_semaphore(%arg19 : memref<!tpu.dma_semaphore, #tpu.memory_space<semaphore_mem>>)
      %dma_wait3A_423 = arith.constant 0 : i32
      %dma_wait3A_424 = tpu.memref_slice %arg5[%dma_wait3A_423] : memref<512xi32, #tpu.memory_space<vmem>> -> memref<128xi32, #tpu.memory_space<vmem>>
      %dma_wait3A_425 = arith.constant 0 : i32
      %dma_wait3A_426 = arith.constant 0 : i32
      %dma_wait3A_427 = tpu.memref_slice %arg3[%dma_wait3A_425, %dma_wait3A_426] : memref<1000000x128xf32, #tpu.memory_space<hbm>> -> memref<1000000x128xf32, #tpu.memory_space<hbm>>
      tpu.wait_indirect_dma semaphore(%arg16 : memref<!tpu.dma_semaphore, #tpu.memory_space<semaphore_mem>>) src(%dma_wait3A_427 : memref<1000000x128xf32, #tpu.memory_space<hbm>>) dst(%arg8 : memref<128x128xf32, #tpu.memory_space<vmem>>)
      %dma_start3A_428 = arith.constant 384 : i32
      %dma_start3A_429 = tpu.memref_slice %arg5[%dma_start3A_428] : memref<512xi32, #tpu.memory_space<vmem>> -> memref<128xi32, #tpu.memory_space<vmem>>
      %dma_start3A_430 = arith.constant 0 : i32
      %dma_start3A_431 = arith.constant 0 : i32
      %dma_start3A_432 = tpu.memref_slice %arg3[%dma_start3A_430, %dma_start3A_431] : memref<1000000x128xf32, #tpu.memory_space<hbm>> -> memref<1000000x128xf32, #tpu.memory_space<hbm>>
      tpu.enqueue_indirect_dma source(%dma_start3A_432 : memref<1000000x128xf32, #tpu.memory_space<hbm>>) target(%arg10 : memref<128x128xf32, #tpu.memory_space<vmem>>) offsets(%dma_start3A_429 : memref<128xi32, #tpu.memory_space<vmem>>) semaphore(%arg18 : memref<!tpu.dma_semaphore, #tpu.memory_space<semaphore_mem>>)
      %dma_wait3A_433 = arith.constant 0 : i32
      %dma_wait3A_434 = arith.constant 0 : i32
      %dma_wait3A_435 = tpu.memref_slice %arg4[%dma_wait3A_433, %dma_wait3A_434, %mul3A_2] : memref<50x64x16384xf32, #tpu.memory_space<hbm>> -> memref<1x64x128xf32, #tpu.memory_space<hbm>>
      %dma_wait3A_436 = tpu.memref_squeeze %dma_wait3A_435 : memref<1x64x128xf32, #tpu.memory_space<hbm>> -> memref<64x128xf32, #tpu.memory_space<hbm>>
      %dma_wait3A_437 = arith.constant 0 : i32
      %dma_wait3A_438 = tpu.memref_slice %arg4[%dma_wait3A_433, %dma_wait3A_437, %mul3A_2] : memref<50x64x16384xf32, #tpu.memory_space<hbm>> -> memref<1x64x128xf32, #tpu.memory_space<hbm>>
      %dma_wait3A_439 = tpu.memref_squeeze %dma_wait3A_438 : memref<1x64x128xf32, #tpu.memory_space<hbm>> -> memref<64x128xf32, #tpu.memory_space<hbm>>
      tpu.wait_dma2 semaphore(%arg20 : memref<!tpu.dma_semaphore, #tpu.memory_space<semaphore_mem>>) src(%arg12 : memref<64x128xf32, #tpu.memory_space<vmem>>) dst(%dma_wait3A_439 : memref<64x128xf32, #tpu.memory_space<hbm>>)
      %parallel_loop3A_440 = arith.constant 0 : i32
      %parallel_loop3A_441 = arith.constant 8 : i32
      %parallel_loop3A_442 = arith.constant 1 : i32
      scf.for %parallel_loop3A_512 = %parallel_loop3A_440 to %parallel_loop3A_441 step %parallel_loop3A_442  : i32 {
        %parallel_loop3A_513 = tpu.iota {dimensions = array<i32: 0>} : vector<16xi32>
        %parallel_loop3A_514 = arith.constant 16 : i32
        %parallel_loop3A_515 = arith.muli %parallel_loop3A_512, %parallel_loop3A_514 : i32
        %parallel_loop3A_516 = vector.broadcast %parallel_loop3A_515 : i32 to vector<16xi32>
        %parallel_loop3A_517 = arith.addi %parallel_loop3A_513, %parallel_loop3A_516 : vector<16xi32>
        %parallel_loop3A_518 = arith.constant 0 : i32
        %parallel_loop3A_519 = arith.constant 64 : i32
        %parallel_loop3A_520 = arith.constant 1 : i32
        scf.for %parallel_loop3A_521 = %parallel_loop3A_518 to %parallel_loop3A_519 step %parallel_loop3A_520  : i32 {
          %parallel_loop3A_522 = vector.broadcast %parallel_loop3A_521 : i32 to vector<16xi32>
          %parallel_loop3A_523 = tpu.vector_load_idx %arg8[%parallel_loop3A_517, %parallel_loop3A_522] : memref<128x128xf32, #tpu.memory_space<vmem>>[vector<16xi32>, vector<16xi32>], vector<16xf32>,
          %parallel_loop3A_524 = arith.constant 16 : i32
          %parallel_loop3A_525 = arith.muli %parallel_loop3A_512, %parallel_loop3A_524 : i32
          %parallel_loop3A_526 = arith.index_cast %parallel_loop3A_521 : i32 to index
          %parallel_loop3A_527 = arith.index_cast %parallel_loop3A_525 : i32 to index
          %parallel_loop3A_528 = tpu.vector_load %arg12[%parallel_loop3A_526, %parallel_loop3A_527] {strides = array<i32>} : memref<64x128xf32, #tpu.memory_space<vmem>>, vector<16xf32>,
          tpu.vector_store %arg12[%parallel_loop3A_526, %parallel_loop3A_527], %parallel_loop3A_523 {strides = array<i32>} : memref<64x128xf32, #tpu.memory_space<vmem>>, vector<16xf32>,
        } {sc.loop_unroll_factor = 8 : i64, sc.parallel_access}
      } {sc.loop_unroll_factor = 1 : i64, sc.parallel_access}
      %add3A_443 = arith.constant 128 : i32
      %add3A_444 = arith.addi %mul3A_2, %add3A_443 : i32
      %dma_start3A_445 = arith.constant 0 : i32
      %dma_start3A_446 = tpu.memref_slice %arg4[%add3A_388, %dma_start3A_445, %add3A_444] : memref<50x64x16384xf32, #tpu.memory_space<hbm>> -> memref<1x64x128xf32, #tpu.memory_space<hbm>>
      %dma_start3A_447 = tpu.memref_squeeze %dma_start3A_446 : memref<1x64x128xf32, #tpu.memory_space<hbm>> -> memref<64x128xf32, #tpu.memory_space<hbm>>
      %dma_start3A_448 = arith.constant 0 : i32
      %dma_start3A_449 = tpu.memref_slice %arg4[%add3A_388, %dma_start3A_448, %add3A_444] : memref<50x64x16384xf32, #tpu.memory_space<hbm>> -> memref<1x64x128xf32, #tpu.memory_space<hbm>>
      %dma_start3A_450 = tpu.memref_squeeze %dma_start3A_449 : memref<1x64x128xf32, #tpu.memory_space<hbm>> -> memref<64x128xf32, #tpu.memory_space<hbm>>
      tpu.enqueue_dma source(%arg12 : memref<64x128xf32, #tpu.memory_space<vmem>>) target(%dma_start3A_450 : memref<64x128xf32, #tpu.memory_space<hbm>>) target_semaphore(%arg20 : memref<!tpu.dma_semaphore, #tpu.memory_space<semaphore_mem>>)
      %dma_wait3A_451 = arith.constant 0 : i32
      %dma_wait3A_452 = tpu.memref_slice %arg5[%dma_wait3A_451] : memref<512xi32, #tpu.memory_space<vmem>> -> memref<128xi32, #tpu.memory_space<vmem>>
      %dma_wait3A_453 = arith.constant 0 : i32
      %dma_wait3A_454 = arith.constant 0 : i32
      %dma_wait3A_455 = tpu.memref_slice %arg3[%dma_wait3A_453, %dma_wait3A_454] : memref<1000000x128xf32, #tpu.memory_space<hbm>> -> memref<1000000x128xf32, #tpu.memory_space<hbm>>
      tpu.wait_indirect_dma semaphore(%arg17 : memref<!tpu.dma_semaphore, #tpu.memory_space<semaphore_mem>>) src(%dma_wait3A_455 : memref<1000000x128xf32, #tpu.memory_space<hbm>>) dst(%arg9 : memref<128x128xf32, #tpu.memory_space<vmem>>)
      %dma_wait3A_456 = arith.constant 0 : i32
      %dma_wait3A_457 = tpu.memref_slice %arg2[%dma_wait3A_456, %mul3A_2] : memref<50x16384xi32, #tpu.memory_space<hbm>> -> memref<1x512xi32, #tpu.memory_space<hbm>>
      %dma_wait3A_458 = tpu.memref_squeeze %dma_wait3A_457 : memref<1x512xi32, #tpu.memory_space<hbm>> -> memref<512xi32, #tpu.memory_space<hbm>>
      %dma_wait3A_459 = tpu.memref_slice %arg2[%dma_wait3A_456, %mul3A_2] : memref<50x16384xi32, #tpu.memory_space<hbm>> -> memref<1x512xi32, #tpu.memory_space<hbm>>
      %dma_wait3A_460 = tpu.memref_squeeze %dma_wait3A_459 : memref<1x512xi32, #tpu.memory_space<hbm>> -> memref<512xi32, #tpu.memory_space<hbm>>
      tpu.wait_dma2 semaphore(%arg14 : memref<!tpu.dma_semaphore, #tpu.memory_space<semaphore_mem>>) src(%dma_wait3A_460 : memref<512xi32, #tpu.memory_space<hbm>>) dst(%arg6 : memref<512xi32, #tpu.memory_space<vmem>>)
      %dma_start3A_461 = arith.constant 0 : i32
      %dma_start3A_462 = tpu.memref_slice %arg6[%dma_start3A_461] : memref<512xi32, #tpu.memory_space<vmem>> -> memref<128xi32, #tpu.memory_space<vmem>>
      %dma_start3A_463 = arith.constant 0 : i32
      %dma_start3A_464 = arith.constant 0 : i32
      %dma_start3A_465 = tpu.memref_slice %arg3[%dma_start3A_463, %dma_start3A_464] : memref<1000000x128xf32, #tpu.memory_space<hbm>> -> memref<1000000x128xf32, #tpu.memory_space<hbm>>
      tpu.enqueue_indirect_dma source(%dma_start3A_465 : memref<1000000x128xf32, #tpu.memory_space<hbm>>) target(%arg7 : memref<128x128xf32, #tpu.memory_space<vmem>>) offsets(%dma_start3A_462 : memref<128xi32, #tpu.memory_space<vmem>>) semaphore(%arg15 : memref<!tpu.dma_semaphore, #tpu.memory_space<semaphore_mem>>)
      %dma_wait3A_466 = arith.constant 0 : i32
      %dma_wait3A_467 = arith.constant 0 : i32
      %dma_wait3A_468 = tpu.memref_slice %arg4[%dma_wait3A_466, %dma_wait3A_467, %mul3A_2] : memref<50x64x16384xf32, #tpu.memory_space<hbm>> -> memref<1x64x128xf32, #tpu.memory_space<hbm>>
      %dma_wait3A_469 = tpu.memref_squeeze %dma_wait3A_468 : memref<1x64x128xf32, #tpu.memory_space<hbm>> -> memref<64x128xf32, #tpu.memory_space<hbm>>
      %dma_wait3A_470 = arith.constant 0 : i32
      %dma_wait3A_471 = tpu.memref_slice %arg4[%dma_wait3A_466, %dma_wait3A_470, %mul3A_2] : memref<50x64x16384xf32, #tpu.memory_space<hbm>> -> memref<1x64x128xf32, #tpu.memory_space<hbm>>
      %dma_wait3A_472 = tpu.memref_squeeze %dma_wait3A_471 : memref<1x64x128xf32, #tpu.memory_space<hbm>> -> memref<64x128xf32, #tpu.memory_space<hbm>>
      tpu.wait_dma2 semaphore(%arg19 : memref<!tpu.dma_semaphore, #tpu.memory_space<semaphore_mem>>) src(%arg11 : memref<64x128xf32, #tpu.memory_space<vmem>>) dst(%dma_wait3A_472 : memref<64x128xf32, #tpu.memory_space<hbm>>)
      %parallel_loop3A_473 = arith.constant 0 : i32
      %parallel_loop3A_474 = arith.constant 8 : i32
      %parallel_loop3A_475 = arith.constant 1 : i32
      scf.for %parallel_loop3A_512 = %parallel_loop3A_473 to %parallel_loop3A_474 step %parallel_loop3A_475  : i32 {
        %parallel_loop3A_513 = tpu.iota {dimensions = array<i32: 0>} : vector<16xi32>
        %parallel_loop3A_514 = arith.constant 16 : i32
        %parallel_loop3A_515 = arith.muli %parallel_loop3A_512, %parallel_loop3A_514 : i32
        %parallel_loop3A_516 = vector.broadcast %parallel_loop3A_515 : i32 to vector<16xi32>
        %parallel_loop3A_517 = arith.addi %parallel_loop3A_513, %parallel_loop3A_516 : vector<16xi32>
        %parallel_loop3A_518 = arith.constant 0 : i32
        %parallel_loop3A_519 = arith.constant 64 : i32
        %parallel_loop3A_520 = arith.constant 1 : i32
        scf.for %parallel_loop3A_521 = %parallel_loop3A_518 to %parallel_loop3A_519 step %parallel_loop3A_520  : i32 {
          %parallel_loop3A_522 = vector.broadcast %parallel_loop3A_521 : i32 to vector<16xi32>
          %parallel_loop3A_523 = tpu.vector_load_idx %arg9[%parallel_loop3A_517, %parallel_loop3A_522] : memref<128x128xf32, #tpu.memory_space<vmem>>[vector<16xi32>, vector<16xi32>], vector<16xf32>,
          %parallel_loop3A_524 = arith.constant 16 : i32
          %parallel_loop3A_525 = arith.muli %parallel_loop3A_512, %parallel_loop3A_524 : i32
          %parallel_loop3A_526 = arith.index_cast %parallel_loop3A_521 : i32 to index
          %parallel_loop3A_527 = arith.index_cast %parallel_loop3A_525 : i32 to index
          %parallel_loop3A_528 = tpu.vector_load %arg11[%parallel_loop3A_526, %parallel_loop3A_527] {strides = array<i32>} : memref<64x128xf32, #tpu.memory_space<vmem>>, vector<16xf32>,
          tpu.vector_store %arg11[%parallel_loop3A_526, %parallel_loop3A_527], %parallel_loop3A_523 {strides = array<i32>} : memref<64x128xf32, #tpu.memory_space<vmem>>, vector<16xf32>,
        } {sc.loop_unroll_factor = 8 : i64, sc.parallel_access}
      } {sc.loop_unroll_factor = 1 : i64, sc.parallel_access}
      %add3A_476 = arith.constant 256 : i32
      %add3A_477 = arith.addi %mul3A_2, %add3A_476 : i32
      %dma_start3A_478 = arith.constant 0 : i32
      %dma_start3A_479 = tpu.memref_slice %arg4[%add3A_388, %dma_start3A_478, %add3A_477] : memref<50x64x16384xf32, #tpu.memory_space<hbm>> -> memref<1x64x128xf32, #tpu.memory_space<hbm>>
      %dma_start3A_480 = tpu.memref_squeeze %dma_start3A_479 : memref<1x64x128xf32, #tpu.memory_space<hbm>> -> memref<64x128xf32, #tpu.memory_space<hbm>>
      %dma_start3A_481 = arith.constant 0 : i32
      %dma_start3A_482 = tpu.memref_slice %arg4[%add3A_388, %dma_start3A_481, %add3A_477] : memref<50x64x16384xf32, #tpu.memory_space<hbm>> -> memref<1x64x128xf32, #tpu.memory_space<hbm>>
      %dma_start3A_483 = tpu.memref_squeeze %dma_start3A_482 : memref<1x64x128xf32, #tpu.memory_space<hbm>> -> memref<64x128xf32, #tpu.memory_space<hbm>>
      tpu.enqueue_dma source(%arg11 : memref<64x128xf32, #tpu.memory_space<vmem>>) target(%dma_start3A_483 : memref<64x128xf32, #tpu.memory_space<hbm>>) target_semaphore(%arg19 : memref<!tpu.dma_semaphore, #tpu.memory_space<semaphore_mem>>)
      %dma_wait3A_484 = arith.constant 0 : i32
      %dma_wait3A_485 = tpu.memref_slice %arg5[%dma_wait3A_484] : memref<512xi32, #tpu.memory_space<vmem>> -> memref<128xi32, #tpu.memory_space<vmem>>
      %dma_wait3A_486 = arith.constant 0 : i32
      %dma_wait3A_487 = arith.constant 0 : i32
      %dma_wait3A_488 = tpu.memref_slice %arg3[%dma_wait3A_486, %dma_wait3A_487] : memref<1000000x128xf32, #tpu.memory_space<hbm>> -> memref<1000000x128xf32, #tpu.memory_space<hbm>>
      tpu.wait_indirect_dma semaphore(%arg18 : memref<!tpu.dma_semaphore, #tpu.memory_space<semaphore_mem>>) src(%dma_wait3A_488 : memref<1000000x128xf32, #tpu.memory_space<hbm>>) dst(%arg10 : memref<128x128xf32, #tpu.memory_space<vmem>>)
      %dma_start3A_489 = arith.constant 128 : i32
      %dma_start3A_490 = tpu.memref_slice %arg6[%dma_start3A_489] : memref<512xi32, #tpu.memory_space<vmem>> -> memref<128xi32, #tpu.memory_space<vmem>>
      %dma_start3A_491 = arith.constant 0 : i32
      %dma_start3A_492 = arith.constant 0 : i32
      %dma_start3A_493 = tpu.memref_slice %arg3[%dma_start3A_491, %dma_start3A_492] : memref<1000000x128xf32, #tpu.memory_space<hbm>> -> memref<1000000x128xf32, #tpu.memory_space<hbm>>
      tpu.enqueue_indirect_dma source(%dma_start3A_493 : memref<1000000x128xf32, #tpu.memory_space<hbm>>) target(%arg8 : memref<128x128xf32, #tpu.memory_space<vmem>>) offsets(%dma_start3A_490 : memref<128xi32, #tpu.memory_space<vmem>>) semaphore(%arg16 : memref<!tpu.dma_semaphore, #tpu.memory_space<semaphore_mem>>)
      %dma_wait3A_494 = arith.constant 0 : i32
      %dma_wait3A_495 = arith.constant 0 : i32
      %dma_wait3A_496 = tpu.memref_slice %arg4[%dma_wait3A_494, %dma_wait3A_495, %mul3A_2] : memref<50x64x16384xf32, #tpu.memory_space<hbm>> -> memref<1x64x128xf32, #tpu.memory_space<hbm>>
      %dma_wait3A_497 = tpu.memref_squeeze %dma_wait3A_496 : memref<1x64x128xf32, #tpu.memory_space<hbm>> -> memref<64x128xf32, #tpu.memory_space<hbm>>
      %dma_wait3A_498 = arith.constant 0 : i32
      %dma_wait3A_499 = tpu.memref_slice %arg4[%dma_wait3A_494, %dma_wait3A_498, %mul3A_2] : memref<50x64x16384xf32, #tpu.memory_space<hbm>> -> memref<1x64x128xf32, #tpu.memory_space<hbm>>
      %dma_wait3A_500 = tpu.memref_squeeze %dma_wait3A_499 : memref<1x64x128xf32, #tpu.memory_space<hbm>> -> memref<64x128xf32, #tpu.memory_space<hbm>>
      tpu.wait_dma2 semaphore(%arg20 : memref<!tpu.dma_semaphore, #tpu.memory_space<semaphore_mem>>) src(%arg12 : memref<64x128xf32, #tpu.memory_space<vmem>>) dst(%dma_wait3A_500 : memref<64x128xf32, #tpu.memory_space<hbm>>)
      %parallel_loop3A_501 = arith.constant 0 : i32
      %parallel_loop3A_502 = arith.constant 8 : i32
      %parallel_loop3A_503 = arith.constant 1 : i32
      scf.for %parallel_loop3A_512 = %parallel_loop3A_501 to %parallel_loop3A_502 step %parallel_loop3A_503  : i32 {
        %parallel_loop3A_513 = tpu.iota {dimensions = array<i32: 0>} : vector<16xi32>
        %parallel_loop3A_514 = arith.constant 16 : i32
        %parallel_loop3A_515 = arith.muli %parallel_loop3A_512, %parallel_loop3A_514 : i32
        %parallel_loop3A_516 = vector.broadcast %parallel_loop3A_515 : i32 to vector<16xi32>
        %parallel_loop3A_517 = arith.addi %parallel_loop3A_513, %parallel_loop3A_516 : vector<16xi32>
        %parallel_loop3A_518 = arith.constant 0 : i32
        %parallel_loop3A_519 = arith.constant 64 : i32
        %parallel_loop3A_520 = arith.constant 1 : i32
        scf.for %parallel_loop3A_521 = %parallel_loop3A_518 to %parallel_loop3A_519 step %parallel_loop3A_520  : i32 {
          %parallel_loop3A_522 = vector.broadcast %parallel_loop3A_521 : i32 to vector<16xi32>
          %parallel_loop3A_523 = tpu.vector_load_idx %arg10[%parallel_loop3A_517, %parallel_loop3A_522] : memref<128x128xf32, #tpu.memory_space<vmem>>[vector<16xi32>, vector<16xi32>], vector<16xf32>,
          %parallel_loop3A_524 = arith.constant 16 : i32
          %parallel_loop3A_525 = arith.muli %parallel_loop3A_512, %parallel_loop3A_524 : i32
          %parallel_loop3A_526 = arith.index_cast %parallel_loop3A_521 : i32 to index
          %parallel_loop3A_527 = arith.index_cast %parallel_loop3A_525 : i32 to index
          %parallel_loop3A_528 = tpu.vector_load %arg12[%parallel_loop3A_526, %parallel_loop3A_527] {strides = array<i32>} : memref<64x128xf32, #tpu.memory_space<vmem>>, vector<16xf32>,
          tpu.vector_store %arg12[%parallel_loop3A_526, %parallel_loop3A_527], %parallel_loop3A_523 {strides = array<i32>} : memref<64x128xf32, #tpu.memory_space<vmem>>, vector<16xf32>,
        } {sc.loop_unroll_factor = 8 : i64, sc.parallel_access}
      } {sc.loop_unroll_factor = 1 : i64, sc.parallel_access}
      %add3A_504 = arith.constant 384 : i32
      %add3A_505 = arith.addi %mul3A_2, %add3A_504 : i32
      %dma_start3A_506 = arith.constant 0 : i32
      %dma_start3A_507 = tpu.memref_slice %arg4[%add3A_388, %dma_start3A_506, %add3A_505] : memref<50x64x16384xf32, #tpu.memory_space<hbm>> -> memref<1x64x128xf32, #tpu.memory_space<hbm>>
      %dma_start3A_508 = tpu.memref_squeeze %dma_start3A_507 : memref<1x64x128xf32, #tpu.memory_space<hbm>> -> memref<64x128xf32, #tpu.memory_space<hbm>>
      %dma_start3A_509 = arith.constant 0 : i32
      %dma_start3A_510 = tpu.memref_slice %arg4[%add3A_388, %dma_start3A_509, %add3A_505] : memref<50x64x16384xf32, #tpu.memory_space<hbm>> -> memref<1x64x128xf32, #tpu.memory_space<hbm>>
      %dma_start3A_511 = tpu.memref_squeeze %dma_start3A_510 : memref<1x64x128xf32, #tpu.memory_space<hbm>> -> memref<64x128xf32, #tpu.memory_space<hbm>>
      tpu.enqueue_dma source(%arg12 : memref<64x128xf32, #tpu.memory_space<vmem>>) target(%dma_start3A_511 : memref<64x128xf32, #tpu.memory_space<hbm>>) target_semaphore(%arg20 : memref<!tpu.dma_semaphore, #tpu.memory_space<semaphore_mem>>)
    }
    %scan3A_136 = arith.constant 24 : i32
    %dma_wait3A_137 = arith.constant 0 : i32
    %dma_wait3A_138 = tpu.memref_slice %arg5[%dma_wait3A_137] : memref<512xi32, #tpu.memory_space<vmem>> -> memref<128xi32, #tpu.memory_space<vmem>>
    %dma_wait3A_139 = arith.constant 0 : i32
    %dma_wait3A_140 = arith.constant 0 : i32
    %dma_wait3A_141 = tpu.memref_slice %arg3[%dma_wait3A_139, %dma_wait3A_140] : memref<1000000x128xf32, #tpu.memory_space<hbm>> -> memref<1000000x128xf32, #tpu.memory_space<hbm>>
    tpu.wait_indirect_dma semaphore(%arg15 : memref<!tpu.dma_semaphore, #tpu.memory_space<semaphore_mem>>) src(%dma_wait3A_141 : memref<1000000x128xf32, #tpu.memory_space<hbm>>) dst(%arg7 : memref<128x128xf32, #tpu.memory_space<vmem>>)
    %dma_start3A_142 = arith.constant 256 : i32
    %dma_start3A_143 = tpu.memref_slice %arg6[%dma_start3A_142] : memref<512xi32, #tpu.memory_space<vmem>> -> memref<128xi32, #tpu.memory_space<vmem>>
    %dma_start3A_144 = arith.constant 0 : i32
    %dma_start3A_145 = arith.constant 0 : i32
    %dma_start3A_146 = tpu.memref_slice %arg3[%dma_start3A_144, %dma_start3A_145] : memref<1000000x128xf32, #tpu.memory_space<hbm>> -> memref<1000000x128xf32, #tpu.memory_space<hbm>>
    tpu.enqueue_indirect_dma source(%dma_start3A_146 : memref<1000000x128xf32, #tpu.memory_space<hbm>>) target(%arg9 : memref<128x128xf32, #tpu.memory_space<vmem>>) offsets(%dma_start3A_143 : memref<128xi32, #tpu.memory_space<vmem>>) semaphore(%arg17 : memref<!tpu.dma_semaphore, #tpu.memory_space<semaphore_mem>>)
    %dma_wait3A_147 = arith.constant 0 : i32
    %dma_wait3A_148 = arith.constant 0 : i32
    %dma_wait3A_149 = tpu.memref_slice %arg4[%dma_wait3A_147, %dma_wait3A_148, %mul3A_2] : memref<50x64x16384xf32, #tpu.memory_space<hbm>> -> memref<1x64x128xf32, #tpu.memory_space<hbm>>
    %dma_wait3A_150 = tpu.memref_squeeze %dma_wait3A_149 : memref<1x64x128xf32, #tpu.memory_space<hbm>> -> memref<64x128xf32, #tpu.memory_space<hbm>>
    %dma_wait3A_151 = arith.constant 0 : i32
    %dma_wait3A_152 = tpu.memref_slice %arg4[%dma_wait3A_147, %dma_wait3A_151, %mul3A_2] : memref<50x64x16384xf32, #tpu.memory_space<hbm>> -> memref<1x64x128xf32, #tpu.memory_space<hbm>>
    %dma_wait3A_153 = tpu.memref_squeeze %dma_wait3A_152 : memref<1x64x128xf32, #tpu.memory_space<hbm>> -> memref<64x128xf32, #tpu.memory_space<hbm>>
    tpu.wait_dma2 semaphore(%arg19 : memref<!tpu.dma_semaphore, #tpu.memory_space<semaphore_mem>>) src(%arg11 : memref<64x128xf32, #tpu.memory_space<vmem>>) dst(%dma_wait3A_153 : memref<64x128xf32, #tpu.memory_space<hbm>>)
    %parallel_loop3A_154 = arith.constant 0 : i32
    %parallel_loop3A_155 = arith.constant 8 : i32
    %parallel_loop3A_156 = arith.constant 1 : i32
    scf.for %parallel_loop3A_257 = %parallel_loop3A_154 to %parallel_loop3A_155 step %parallel_loop3A_156  : i32 {
      %parallel_loop3A_258 = tpu.iota {dimensions = array<i32: 0>} : vector<16xi32>
      %parallel_loop3A_259 = arith.constant 16 : i32
      %parallel_loop3A_260 = arith.muli %parallel_loop3A_257, %parallel_loop3A_259 : i32
      %parallel_loop3A_261 = vector.broadcast %parallel_loop3A_260 : i32 to vector<16xi32>
      %parallel_loop3A_262 = arith.addi %parallel_loop3A_258, %parallel_loop3A_261 : vector<16xi32>
      %parallel_loop3A_263 = arith.constant 0 : i32
      %parallel_loop3A_264 = arith.constant 64 : i32
      %parallel_loop3A_265 = arith.constant 1 : i32
      scf.for %parallel_loop3A_266 = %parallel_loop3A_263 to %parallel_loop3A_264 step %parallel_loop3A_265  : i32 {
        %parallel_loop3A_267 = vector.broadcast %parallel_loop3A_266 : i32 to vector<16xi32>
        %parallel_loop3A_268 = tpu.vector_load_idx %arg7[%parallel_loop3A_262, %parallel_loop3A_267] : memref<128x128xf32, #tpu.memory_space<vmem>>[vector<16xi32>, vector<16xi32>], vector<16xf32>,
        %parallel_loop3A_269 = arith.constant 16 : i32
        %parallel_loop3A_270 = arith.muli %parallel_loop3A_257, %parallel_loop3A_269 : i32
        %parallel_loop3A_271 = arith.index_cast %parallel_loop3A_266 : i32 to index
        %parallel_loop3A_272 = arith.index_cast %parallel_loop3A_270 : i32 to index
        %parallel_loop3A_273 = tpu.vector_load %arg11[%parallel_loop3A_271, %parallel_loop3A_272] {strides = array<i32>} : memref<64x128xf32, #tpu.memory_space<vmem>>, vector<16xf32>,
        tpu.vector_store %arg11[%parallel_loop3A_271, %parallel_loop3A_272], %parallel_loop3A_268 {strides = array<i32>} : memref<64x128xf32, #tpu.memory_space<vmem>>, vector<16xf32>,
      } {sc.loop_unroll_factor = 8 : i64, sc.parallel_access}
    } {sc.loop_unroll_factor = 1 : i64, sc.parallel_access}
    %add3A_157 = arith.constant 0 : i32
    %add3A_158 = arith.addi %mul3A_2, %add3A_157 : i32
    %dma_start3A_159 = arith.constant 49 : i32
    %dma_start3A_160 = arith.constant 0 : i32
    %dma_start3A_161 = tpu.memref_slice %arg4[%dma_start3A_159, %dma_start3A_160, %add3A_158] : memref<50x64x16384xf32, #tpu.memory_space<hbm>> -> memref<1x64x128xf32, #tpu.memory_space<hbm>>
    %dma_start3A_162 = tpu.memref_squeeze %dma_start3A_161 : memref<1x64x128xf32, #tpu.memory_space<hbm>> -> memref<64x128xf32, #tpu.memory_space<hbm>>
    %dma_start3A_163 = arith.constant 0 : i32
    %dma_start3A_164 = tpu.memref_slice %arg4[%dma_start3A_159, %dma_start3A_163, %add3A_158] : memref<50x64x16384xf32, #tpu.memory_space<hbm>> -> memref<1x64x128xf32, #tpu.memory_space<hbm>>
    %dma_start3A_165 = tpu.memref_squeeze %dma_start3A_164 : memref<1x64x128xf32, #tpu.memory_space<hbm>> -> memref<64x128xf32, #tpu.memory_space<hbm>>
    tpu.enqueue_dma source(%arg11 : memref<64x128xf32, #tpu.memory_space<vmem>>) target(%dma_start3A_165 : memref<64x128xf32, #tpu.memory_space<hbm>>) target_semaphore(%arg19 : memref<!tpu.dma_semaphore, #tpu.memory_space<semaphore_mem>>)
    %dma_wait3A_166 = arith.constant 0 : i32
    %dma_wait3A_167 = tpu.memref_slice %arg5[%dma_wait3A_166] : memref<512xi32, #tpu.memory_space<vmem>> -> memref<128xi32, #tpu.memory_space<vmem>>
    %dma_wait3A_168 = arith.constant 0 : i32
    %dma_wait3A_169 = arith.constant 0 : i32
    %dma_wait3A_170 = tpu.memref_slice %arg3[%dma_wait3A_168, %dma_wait3A_169] : memref<1000000x128xf32, #tpu.memory_space<hbm>> -> memref<1000000x128xf32, #tpu.memory_space<hbm>>
    tpu.wait_indirect_dma semaphore(%arg16 : memref<!tpu.dma_semaphore, #tpu.memory_space<semaphore_mem>>) src(%dma_wait3A_170 : memref<1000000x128xf32, #tpu.memory_space<hbm>>) dst(%arg8 : memref<128x128xf32, #tpu.memory_space<vmem>>)
    %dma_start3A_171 = arith.constant 384 : i32
    %dma_start3A_172 = tpu.memref_slice %arg6[%dma_start3A_171] : memref<512xi32, #tpu.memory_space<vmem>> -> memref<128xi32, #tpu.memory_space<vmem>>
    %dma_start3A_173 = arith.constant 0 : i32
    %dma_start3A_174 = arith.constant 0 : i32
    %dma_start3A_175 = tpu.memref_slice %arg3[%dma_start3A_173, %dma_start3A_174] : memref<1000000x128xf32, #tpu.memory_space<hbm>> -> memref<1000000x128xf32, #tpu.memory_space<hbm>>
    tpu.enqueue_indirect_dma source(%dma_start3A_175 : memref<1000000x128xf32, #tpu.memory_space<hbm>>) target(%arg10 : memref<128x128xf32, #tpu.memory_space<vmem>>) offsets(%dma_start3A_172 : memref<128xi32, #tpu.memory_space<vmem>>) semaphore(%arg18 : memref<!tpu.dma_semaphore, #tpu.memory_space<semaphore_mem>>)
    %dma_wait3A_176 = arith.constant 0 : i32
    %dma_wait3A_177 = arith.constant 0 : i32
    %dma_wait3A_178 = tpu.memref_slice %arg4[%dma_wait3A_176, %dma_wait3A_177, %mul3A_2] : memref<50x64x16384xf32, #tpu.memory_space<hbm>> -> memref<1x64x128xf32, #tpu.memory_space<hbm>>
    %dma_wait3A_179 = tpu.memref_squeeze %dma_wait3A_178 : memref<1x64x128xf32, #tpu.memory_space<hbm>> -> memref<64x128xf32, #tpu.memory_space<hbm>>
    %dma_wait3A_180 = arith.constant 0 : i32
    %dma_wait3A_181 = tpu.memref_slice %arg4[%dma_wait3A_176, %dma_wait3A_180, %mul3A_2] : memref<50x64x16384xf32, #tpu.memory_space<hbm>> -> memref<1x64x128xf32, #tpu.memory_space<hbm>>
    %dma_wait3A_182 = tpu.memref_squeeze %dma_wait3A_181 : memref<1x64x128xf32, #tpu.memory_space<hbm>> -> memref<64x128xf32, #tpu.memory_space<hbm>>
    tpu.wait_dma2 semaphore(%arg20 : memref<!tpu.dma_semaphore, #tpu.memory_space<semaphore_mem>>) src(%arg12 : memref<64x128xf32, #tpu.memory_space<vmem>>) dst(%dma_wait3A_182 : memref<64x128xf32, #tpu.memory_space<hbm>>)
    %parallel_loop3A_183 = arith.constant 0 : i32
    %parallel_loop3A_184 = arith.constant 8 : i32
    %parallel_loop3A_185 = arith.constant 1 : i32
    scf.for %parallel_loop3A_257 = %parallel_loop3A_183 to %parallel_loop3A_184 step %parallel_loop3A_185  : i32 {
      %parallel_loop3A_258 = tpu.iota {dimensions = array<i32: 0>} : vector<16xi32>
      %parallel_loop3A_259 = arith.constant 16 : i32
      %parallel_loop3A_260 = arith.muli %parallel_loop3A_257, %parallel_loop3A_259 : i32
      %parallel_loop3A_261 = vector.broadcast %parallel_loop3A_260 : i32 to vector<16xi32>
      %parallel_loop3A_262 = arith.addi %parallel_loop3A_258, %parallel_loop3A_261 : vector<16xi32>
      %parallel_loop3A_263 = arith.constant 0 : i32
      %parallel_loop3A_264 = arith.constant 64 : i32
      %parallel_loop3A_265 = arith.constant 1 : i32
      scf.for %parallel_loop3A_266 = %parallel_loop3A_263 to %parallel_loop3A_264 step %parallel_loop3A_265  : i32 {
        %parallel_loop3A_267 = vector.broadcast %parallel_loop3A_266 : i32 to vector<16xi32>
        %parallel_loop3A_268 = tpu.vector_load_idx %arg8[%parallel_loop3A_262, %parallel_loop3A_267] : memref<128x128xf32, #tpu.memory_space<vmem>>[vector<16xi32>, vector<16xi32>], vector<16xf32>,
        %parallel_loop3A_269 = arith.constant 16 : i32
        %parallel_loop3A_270 = arith.muli %parallel_loop3A_257, %parallel_loop3A_269 : i32
        %parallel_loop3A_271 = arith.index_cast %parallel_loop3A_266 : i32 to index
        %parallel_loop3A_272 = arith.index_cast %parallel_loop3A_270 : i32 to index
        %parallel_loop3A_273 = tpu.vector_load %arg12[%parallel_loop3A_271, %parallel_loop3A_272] {strides = array<i32>} : memref<64x128xf32, #tpu.memory_space<vmem>>, vector<16xf32>,
        tpu.vector_store %arg12[%parallel_loop3A_271, %parallel_loop3A_272], %parallel_loop3A_268 {strides = array<i32>} : memref<64x128xf32, #tpu.memory_space<vmem>>, vector<16xf32>,
      } {sc.loop_unroll_factor = 8 : i64, sc.parallel_access}
    } {sc.loop_unroll_factor = 1 : i64, sc.parallel_access}
    %add3A_186 = arith.constant 128 : i32
    %add3A_187 = arith.addi %mul3A_2, %add3A_186 : i32
    %dma_start3A_188 = arith.constant 49 : i32
    %dma_start3A_189 = arith.constant 0 : i32
    %dma_start3A_190 = tpu.memref_slice %arg4[%dma_start3A_188, %dma_start3A_189, %add3A_187] : memref<50x64x16384xf32, #tpu.memory_space<hbm>> -> memref<1x64x128xf32, #tpu.memory_space<hbm>>
    %dma_start3A_191 = tpu.memref_squeeze %dma_start3A_190 : memref<1x64x128xf32, #tpu.memory_space<hbm>> -> memref<64x128xf32, #tpu.memory_space<hbm>>
    %dma_start3A_192 = arith.constant 0 : i32
    %dma_start3A_193 = tpu.memref_slice %arg4[%dma_start3A_188, %dma_start3A_192, %add3A_187] : memref<50x64x16384xf32, #tpu.memory_space<hbm>> -> memref<1x64x128xf32, #tpu.memory_space<hbm>>
    %dma_start3A_194 = tpu.memref_squeeze %dma_start3A_193 : memref<1x64x128xf32, #tpu.memory_space<hbm>> -> memref<64x128xf32, #tpu.memory_space<hbm>>
    tpu.enqueue_dma source(%arg12 : memref<64x128xf32, #tpu.memory_space<vmem>>) target(%dma_start3A_194 : memref<64x128xf32, #tpu.memory_space<hbm>>) target_semaphore(%arg20 : memref<!tpu.dma_semaphore, #tpu.memory_space<semaphore_mem>>)
    %dma_wait3A_195 = arith.constant 0 : i32
    %dma_wait3A_196 = tpu.memref_slice %arg5[%dma_wait3A_195] : memref<512xi32, #tpu.memory_space<vmem>> -> memref<128xi32, #tpu.memory_space<vmem>>
    %dma_wait3A_197 = arith.constant 0 : i32
    %dma_wait3A_198 = arith.constant 0 : i32
    %dma_wait3A_199 = tpu.memref_slice %arg3[%dma_wait3A_197, %dma_wait3A_198] : memref<1000000x128xf32, #tpu.memory_space<hbm>> -> memref<1000000x128xf32, #tpu.memory_space<hbm>>
    tpu.wait_indirect_dma semaphore(%arg17 : memref<!tpu.dma_semaphore, #tpu.memory_space<semaphore_mem>>) src(%dma_wait3A_199 : memref<1000000x128xf32, #tpu.memory_space<hbm>>) dst(%arg9 : memref<128x128xf32, #tpu.memory_space<vmem>>)
    %dma_wait3A_200 = arith.constant 0 : i32
    %dma_wait3A_201 = arith.constant 0 : i32
    %dma_wait3A_202 = tpu.memref_slice %arg4[%dma_wait3A_200, %dma_wait3A_201, %mul3A_2] : memref<50x64x16384xf32, #tpu.memory_space<hbm>> -> memref<1x64x128xf32, #tpu.memory_space<hbm>>
    %dma_wait3A_203 = tpu.memref_squeeze %dma_wait3A_202 : memref<1x64x128xf32, #tpu.memory_space<hbm>> -> memref<64x128xf32, #tpu.memory_space<hbm>>
    %dma_wait3A_204 = arith.constant 0 : i32
    %dma_wait3A_205 = tpu.memref_slice %arg4[%dma_wait3A_200, %dma_wait3A_204, %mul3A_2] : memref<50x64x16384xf32, #tpu.memory_space<hbm>> -> memref<1x64x128xf32, #tpu.memory_space<hbm>>
    %dma_wait3A_206 = tpu.memref_squeeze %dma_wait3A_205 : memref<1x64x128xf32, #tpu.memory_space<hbm>> -> memref<64x128xf32, #tpu.memory_space<hbm>>
    tpu.wait_dma2 semaphore(%arg19 : memref<!tpu.dma_semaphore, #tpu.memory_space<semaphore_mem>>) src(%arg11 : memref<64x128xf32, #tpu.memory_space<vmem>>) dst(%dma_wait3A_206 : memref<64x128xf32, #tpu.memory_space<hbm>>)
    %parallel_loop3A_207 = arith.constant 0 : i32
    %parallel_loop3A_208 = arith.constant 8 : i32
    %parallel_loop3A_209 = arith.constant 1 : i32
    scf.for %parallel_loop3A_257 = %parallel_loop3A_207 to %parallel_loop3A_208 step %parallel_loop3A_209  : i32 {
      %parallel_loop3A_258 = tpu.iota {dimensions = array<i32: 0>} : vector<16xi32>
      %parallel_loop3A_259 = arith.constant 16 : i32
      %parallel_loop3A_260 = arith.muli %parallel_loop3A_257, %parallel_loop3A_259 : i32
      %parallel_loop3A_261 = vector.broadcast %parallel_loop3A_260 : i32 to vector<16xi32>
      %parallel_loop3A_262 = arith.addi %parallel_loop3A_258, %parallel_loop3A_261 : vector<16xi32>
      %parallel_loop3A_263 = arith.constant 0 : i32
      %parallel_loop3A_264 = arith.constant 64 : i32
      %parallel_loop3A_265 = arith.constant 1 : i32
      scf.for %parallel_loop3A_266 = %parallel_loop3A_263 to %parallel_loop3A_264 step %parallel_loop3A_265  : i32 {
        %parallel_loop3A_267 = vector.broadcast %parallel_loop3A_266 : i32 to vector<16xi32>
        %parallel_loop3A_268 = tpu.vector_load_idx %arg9[%parallel_loop3A_262, %parallel_loop3A_267] : memref<128x128xf32, #tpu.memory_space<vmem>>[vector<16xi32>, vector<16xi32>], vector<16xf32>,
        %parallel_loop3A_269 = arith.constant 16 : i32
        %parallel_loop3A_270 = arith.muli %parallel_loop3A_257, %parallel_loop3A_269 : i32
        %parallel_loop3A_271 = arith.index_cast %parallel_loop3A_266 : i32 to index
        %parallel_loop3A_272 = arith.index_cast %parallel_loop3A_270 : i32 to index
        %parallel_loop3A_273 = tpu.vector_load %arg11[%parallel_loop3A_271, %parallel_loop3A_272] {strides = array<i32>} : memref<64x128xf32, #tpu.memory_space<vmem>>, vector<16xf32>,
        tpu.vector_store %arg11[%parallel_loop3A_271, %parallel_loop3A_272], %parallel_loop3A_268 {strides = array<i32>} : memref<64x128xf32, #tpu.memory_space<vmem>>, vector<16xf32>,
      } {sc.loop_unroll_factor = 8 : i64, sc.parallel_access}
    } {sc.loop_unroll_factor = 1 : i64, sc.parallel_access}
    %add3A_210 = arith.constant 256 : i32
    %add3A_211 = arith.addi %mul3A_2, %add3A_210 : i32
    %dma_start3A_212 = arith.constant 49 : i32
    %dma_start3A_213 = arith.constant 0 : i32
    %dma_start3A_214 = tpu.memref_slice %arg4[%dma_start3A_212, %dma_start3A_213, %add3A_211] : memref<50x64x16384xf32, #tpu.memory_space<hbm>> -> memref<1x64x128xf32, #tpu.memory_space<hbm>>
    %dma_start3A_215 = tpu.memref_squeeze %dma_start3A_214 : memref<1x64x128xf32, #tpu.memory_space<hbm>> -> memref<64x128xf32, #tpu.memory_space<hbm>>
    %dma_start3A_216 = arith.constant 0 : i32
    %dma_start3A_217 = tpu.memref_slice %arg4[%dma_start3A_212, %dma_start3A_216, %add3A_211] : memref<50x64x16384xf32, #tpu.memory_space<hbm>> -> memref<1x64x128xf32, #tpu.memory_space<hbm>>
    %dma_start3A_218 = tpu.memref_squeeze %dma_start3A_217 : memref<1x64x128xf32, #tpu.memory_space<hbm>> -> memref<64x128xf32, #tpu.memory_space<hbm>>
    tpu.enqueue_dma source(%arg11 : memref<64x128xf32, #tpu.memory_space<vmem>>) target(%dma_start3A_218 : memref<64x128xf32, #tpu.memory_space<hbm>>) target_semaphore(%arg19 : memref<!tpu.dma_semaphore, #tpu.memory_space<semaphore_mem>>)
    %dma_wait3A_219 = arith.constant 0 : i32
    %dma_wait3A_220 = tpu.memref_slice %arg5[%dma_wait3A_219] : memref<512xi32, #tpu.memory_space<vmem>> -> memref<128xi32, #tpu.memory_space<vmem>>
    %dma_wait3A_221 = arith.constant 0 : i32
    %dma_wait3A_222 = arith.constant 0 : i32
    %dma_wait3A_223 = tpu.memref_slice %arg3[%dma_wait3A_221, %dma_wait3A_222] : memref<1000000x128xf32, #tpu.memory_space<hbm>> -> memref<1000000x128xf32, #tpu.memory_space<hbm>>
    tpu.wait_indirect_dma semaphore(%arg18 : memref<!tpu.dma_semaphore, #tpu.memory_space<semaphore_mem>>) src(%dma_wait3A_223 : memref<1000000x128xf32, #tpu.memory_space<hbm>>) dst(%arg10 : memref<128x128xf32, #tpu.memory_space<vmem>>)
    %dma_wait3A_224 = arith.constant 0 : i32
    %dma_wait3A_225 = arith.constant 0 : i32
    %dma_wait3A_226 = tpu.memref_slice %arg4[%dma_wait3A_224, %dma_wait3A_225, %mul3A_2] : memref<50x64x16384xf32, #tpu.memory_space<hbm>> -> memref<1x64x128xf32, #tpu.memory_space<hbm>>
    %dma_wait3A_227 = tpu.memref_squeeze %dma_wait3A_226 : memref<1x64x128xf32, #tpu.memory_space<hbm>> -> memref<64x128xf32, #tpu.memory_space<hbm>>
    %dma_wait3A_228 = arith.constant 0 : i32
    %dma_wait3A_229 = tpu.memref_slice %arg4[%dma_wait3A_224, %dma_wait3A_228, %mul3A_2] : memref<50x64x16384xf32, #tpu.memory_space<hbm>> -> memref<1x64x128xf32, #tpu.memory_space<hbm>>
    %dma_wait3A_230 = tpu.memref_squeeze %dma_wait3A_229 : memref<1x64x128xf32, #tpu.memory_space<hbm>> -> memref<64x128xf32, #tpu.memory_space<hbm>>
    tpu.wait_dma2 semaphore(%arg20 : memref<!tpu.dma_semaphore, #tpu.memory_space<semaphore_mem>>) src(%arg12 : memref<64x128xf32, #tpu.memory_space<vmem>>) dst(%dma_wait3A_230 : memref<64x128xf32, #tpu.memory_space<hbm>>)
    %parallel_loop3A_231 = arith.constant 0 : i32
    %parallel_loop3A_232 = arith.constant 8 : i32
    %parallel_loop3A_233 = arith.constant 1 : i32
    scf.for %parallel_loop3A_257 = %parallel_loop3A_231 to %parallel_loop3A_232 step %parallel_loop3A_233  : i32 {
      %parallel_loop3A_258 = tpu.iota {dimensions = array<i32: 0>} : vector<16xi32>
      %parallel_loop3A_259 = arith.constant 16 : i32
      %parallel_loop3A_260 = arith.muli %parallel_loop3A_257, %parallel_loop3A_259 : i32
      %parallel_loop3A_261 = vector.broadcast %parallel_loop3A_260 : i32 to vector<16xi32>
      %parallel_loop3A_262 = arith.addi %parallel_loop3A_258, %parallel_loop3A_261 : vector<16xi32>
      %parallel_loop3A_263 = arith.constant 0 : i32
      %parallel_loop3A_264 = arith.constant 64 : i32
      %parallel_loop3A_265 = arith.constant 1 : i32
      scf.for %parallel_loop3A_266 = %parallel_loop3A_263 to %parallel_loop3A_264 step %parallel_loop3A_265  : i32 {
        %parallel_loop3A_267 = vector.broadcast %parallel_loop3A_266 : i32 to vector<16xi32>
        %parallel_loop3A_268 = tpu.vector_load_idx %arg10[%parallel_loop3A_262, %parallel_loop3A_267] : memref<128x128xf32, #tpu.memory_space<vmem>>[vector<16xi32>, vector<16xi32>], vector<16xf32>,
        %parallel_loop3A_269 = arith.constant 16 : i32
        %parallel_loop3A_270 = arith.muli %parallel_loop3A_257, %parallel_loop3A_269 : i32
        %parallel_loop3A_271 = arith.index_cast %parallel_loop3A_266 : i32 to index
        %parallel_loop3A_272 = arith.index_cast %parallel_loop3A_270 : i32 to index
        %parallel_loop3A_273 = tpu.vector_load %arg12[%parallel_loop3A_271, %parallel_loop3A_272] {strides = array<i32>} : memref<64x128xf32, #tpu.memory_space<vmem>>, vector<16xf32>,
        tpu.vector_store %arg12[%parallel_loop3A_271, %parallel_loop3A_272], %parallel_loop3A_268 {strides = array<i32>} : memref<64x128xf32, #tpu.memory_space<vmem>>, vector<16xf32>,
      } {sc.loop_unroll_factor = 8 : i64, sc.parallel_access}
    } {sc.loop_unroll_factor = 1 : i64, sc.parallel_access}
    %add3A_234 = arith.constant 384 : i32
    %add3A_235 = arith.addi %mul3A_2, %add3A_234 : i32
    %dma_start3A_236 = arith.constant 49 : i32
    %dma_start3A_237 = arith.constant 0 : i32
    %dma_start3A_238 = tpu.memref_slice %arg4[%dma_start3A_236, %dma_start3A_237, %add3A_235] : memref<50x64x16384xf32, #tpu.memory_space<hbm>> -> memref<1x64x128xf32, #tpu.memory_space<hbm>>
    %dma_start3A_239 = tpu.memref_squeeze %dma_start3A_238 : memref<1x64x128xf32, #tpu.memory_space<hbm>> -> memref<64x128xf32, #tpu.memory_space<hbm>>
    %dma_start3A_240 = arith.constant 0 : i32
    %dma_start3A_241 = tpu.memref_slice %arg4[%dma_start3A_236, %dma_start3A_240, %add3A_235] : memref<50x64x16384xf32, #tpu.memory_space<hbm>> -> memref<1x64x128xf32, #tpu.memory_space<hbm>>
    %dma_start3A_242 = tpu.memref_squeeze %dma_start3A_241 : memref<1x64x128xf32, #tpu.memory_space<hbm>> -> memref<64x128xf32, #tpu.memory_space<hbm>>
    tpu.enqueue_dma source(%arg12 : memref<64x128xf32, #tpu.memory_space<vmem>>) target(%dma_start3A_242 : memref<64x128xf32, #tpu.memory_space<hbm>>) target_semaphore(%arg20 : memref<!tpu.dma_semaphore, #tpu.memory_space<semaphore_mem>>)
    %dma_wait3A_243 = arith.constant 0 : i32
    %dma_wait3A_244 = arith.constant 0 : i32
    %dma_wait3A_245 = tpu.memref_slice %arg4[%dma_wait3A_243, %dma_wait3A_244, %mul3A_2] : memref<50x64x16384xf32, #tpu.memory_space<hbm>> -> memref<1x64x128xf32, #tpu.memory_space<hbm>>
    %dma_wait3A_246 = tpu.memref_squeeze %dma_wait3A_245 : memref<1x64x128xf32, #tpu.memory_space<hbm>> -> memref<64x128xf32, #tpu.memory_space<hbm>>
    %dma_wait3A_247 = arith.constant 0 : i32
    %dma_wait3A_248 = tpu.memref_slice %arg4[%dma_wait3A_243, %dma_wait3A_247, %mul3A_2] : memref<50x64x16384xf32, #tpu.memory_space<hbm>> -> memref<1x64x128xf32, #tpu.memory_space<hbm>>
    %dma_wait3A_249 = tpu.memref_squeeze %dma_wait3A_248 : memref<1x64x128xf32, #tpu.memory_space<hbm>> -> memref<64x128xf32, #tpu.memory_space<hbm>>
    tpu.wait_dma2 semaphore(%arg19 : memref<!tpu.dma_semaphore, #tpu.memory_space<semaphore_mem>>) src(%arg11 : memref<64x128xf32, #tpu.memory_space<vmem>>) dst(%dma_wait3A_249 : memref<64x128xf32, #tpu.memory_space<hbm>>)
    %dma_wait3A_250 = arith.constant 0 : i32
    %dma_wait3A_251 = arith.constant 0 : i32
    %dma_wait3A_252 = tpu.memref_slice %arg4[%dma_wait3A_250, %dma_wait3A_251, %mul3A_2] : memref<50x64x16384xf32, #tpu.memory_space<hbm>> -> memref<1x64x128xf32, #tpu.memory_space<hbm>>
    %dma_wait3A_253 = tpu.memref_squeeze %dma_wait3A_252 : memref<1x64x128xf32, #tpu.memory_space<hbm>> -> memref<64x128xf32, #tpu.memory_space<hbm>>
    %dma_wait3A_254 = arith.constant 0 : i32
    %dma_wait3A_255 = tpu.memref_slice %arg4[%dma_wait3A_250, %dma_wait3A_254, %mul3A_2] : memref<50x64x16384xf32, #tpu.memory_space<hbm>> -> memref<1x64x128xf32, #tpu.memory_space<hbm>>
    %dma_wait3A_256 = tpu.memref_squeeze %dma_wait3A_255 : memref<1x64x128xf32, #tpu.memory_space<hbm>> -> memref<64x128xf32, #tpu.memory_space<hbm>>
    tpu.wait_dma2 semaphore(%arg20 : memref<!tpu.dma_semaphore, #tpu.memory_space<semaphore_mem>>) src(%arg12 : memref<64x128xf32, #tpu.memory_space<vmem>>) dst(%dma_wait3A_256 : memref<64x128xf32, #tpu.memory_space<hbm>>)
    return
  }
}

</mosaic_0001>

<sc_bundles>
// kernel: kernel.3.cloned.1.call-start
scs
__scs_entry_jumppad:
0x0: {  	(pc) =	sbr.rel $0x88, $3  }
0x1: {  	(tag) =	ssettag $0x0;
	lr =	simm.s32 $0x1  }
0x2: {  	[smem:$0x3F9F] =	sst lr;
	_ =	strace $0xD0000000  }
0x3: {  	_ = 	snop  }
0x4: {  	_ = 	snop  }
0x5: {  	_ = 	snop  }
0x6: {  	_ = 	snop  }
0x7: {  	_ = 	snop  }
__scs_overlays_trampoline_lowered:
0x8: {  	[smem:$0x3FAE] =	sst s0  }
0x9: {  	[smem:$0x3FAF] =	sst s1  }
0xa: {  	[smem:$0x3FB0] =	sst s2  }
0xb: {  	[smem:$0x3FB1] =	sst s3  }
0xc: {  	[smem:$0x3FB2] =	sst s4  }
0xd: {  	[smem:$0x3FB3] =	sst s5  }
0xe: {  	[smem:$0x3FB4] =	sst s6  }
0xf: {  	[smem:$0x3FB5] =	sst s7  }
0x10: {  	[smem:$0x3FB6] =	sst s8  }
0x11: {  	[smem:$0x3FB7] =	sst s9;
	s0 =	simm.s32 @!p0 $0x0  }
0x12: {  	s1 =	sld [smem:$0x3F9D];
	s0 =	simm.s32 @p0 $0x1  }
0x13: {  	[smem:$0x3FB8] =	sst s0;
	s0 =	simm.s32 @!p1 $0x0  }
0x14: {  	s2 =	sld [smem:$0x3F9C];
	s0 =	simm.s32 @p1 $0x1  }
0x15: {  	[smem:$0x3FB9] =	sst s0;
	s0 =	simm.s32 @!p2 $0x0  }
0x16: {  	s3 =	sld [smem:$0x3FDB];
	s0 =	simm.s32 @p2 $0x1  }
0x17: {  	s4 =	simm.s32 $0x1BF5;
	[smem:$0x3FBB] =	sst s0  }
0x18: {  	s0 =	sld [smem:$0x3F9E];
	_ =	swait.ge [sflag:s4], $0x0  }
0x19: {  	s7 =	sld [smem:$0x3F9F]  }
0x1a: {  	s8 =	sadd.s32 $0xFFFFE003, lr  }
0x1b: {  	s9 =	sadd.s32 $0xFFFFFEF7, lr;
	s5 =	simm.s32 $0xFFFFFFFF;
	p2 =	slt.u32 s8, $0xFFFFF086  }
0x1c: {  	p1 =	slt.u32 s9, $0xF7A;
	s5 =	simm.s32 @!p2 $0x0  }
0x1d: {  	s5 =	simm.s32 @p1 $0x1;
	p0 =	seq.s32 s7, s2  }
0x1e: {  	s7 =	smul.u32 @!p0 $0xF7A, s2;
	p2 =	seq.s32 @!p0 s5, $0x0  }
0x1f: {  	s9 =	smul.u32 $0xF7A, s1;
	s8 =	simm.s32 @!p0 $0x1BF5;
	p2 =	por !p2, p0  }
0x20: {  	[sflag:s8] =	ssyncset.s32 @!p0 $0xFFFFF086;
	s6 =	sadd.s32 @!p0 s3, s7;
	s7 =	simm.s32 @!p0 $0x108  }
0x21: {  	s3 =	sadd.s32 s3, s9;
	s6 =	sadd.s32 @!p0 $0x88, s6;
	s7 =	simm.s32 @p2 $0x1082  }
0x22: {  	[simem:s7], [sflag:s8] =	dma.local @!p0 [hbm:s6], $0xF7A  }
0x23: {  	s9 =	sor.u32 $0xD0000000, s2;
	s6 =	simm.s32 $0x108;
	_ =	swait.ge @!p0 [sflag:s8], $0x0  }
0x24: {  	s3 =	sadd.s32 $0x88, s3;
	s6 =	simm.s32 @!p1 $0x1082;
	[sflag:s4] =	ssyncset.s32 $0xFFFFF086  }
0x25: {  	[simem:s6], [sflag:s4] =	dma.local [hbm:s3], $0xF7A  }
0x26: {  	[smem:$0x3F9F] =	sst s1;
	(tag) =	ssettag s2;
	_ =	strace s9  }
0x27: {  	s1 =	sld [smem:$0x3FAF]  }
0x28: {  	s2 =	sld [smem:$0x3FB0]  }
0x29: {  	s4 =	sld [smem:$0x3FB2]  }
0x2a: {  	p0 =	seq.s32 s5, $0x0;
	s5 =	sld [smem:$0x3FB3]  }
0x2b: {  	s6 =	sld [smem:$0x3FB4]  }
0x2c: {  	s7 =	sld [smem:$0x3FB5]  }
0x2d: {  	s3 =	simm.s32 $0x108;
	s8 =	sld [smem:$0x3FB6]  }
0x2e: {  	s3 =	simm.s32 @!p0 $0x1082;
	s9 =	sld [smem:$0x3FB7]  }
0x2f: {  	lr =	sadd.s32 s0, s3;
	s0 =	sld [smem:$0x3FAE]  }
0x30: {  	s3 =	sld [smem:$0x3FB1]  }
0x31: {  	[smem:$0x3FBA] =	sst s10  }
0x32: {  	s10 =	sld [smem:$0x3FB8];
	_ =	sdelay $0x3  }
0x33: {  	p0 =	seq.s32 s10, $0x1;
	s10 =	sld [smem:$0x3FBA];
	_ =	sdelay $0x3  }
0x34: {  	[smem:$0x3FBA] =	sst s10  }
0x35: {  	s10 =	sld [smem:$0x3FB9];
	_ =	sdelay $0x3  }
0x36: {  	p1 =	seq.s32 s10, $0x1;
	s10 =	sld [smem:$0x3FBA];
	_ =	sdelay $0x3  }
0x37: {  	[smem:$0x3FBA] =	sst s10  }
0x38: {  	s10 =	sld [smem:$0x3FBB]  }
0x39: {  	_ = 	snop;
	(pc) =	sbr.ind lr, $3  }
0x3a: {  	_ = 	snop  }
0x3b: {  	_ = 	snop  }
0x3c: {  	p2 =	seq.s32 s10, $0x1;
	s10 =	sld [smem:$0x3FBA]  }
0x3d: {  	_ =	shalt  }
0x3e: {  	_ =	shalt  }
0x3f: {  	_ =	shalt  }
0x40: {  	_ =	shalt  }
0x41: {  	_ =	shalt  }
0x42: {  	_ =	shalt  }
0x43: {  	_ =	shalt  }
0x44: {  	_ =	shalt  }
0x45: {  	_ =	shalt  }
0x46: {  	_ =	shalt  }
0x47: {  	_ =	shalt  }
0x48: {  	_ =	shalt  }
0x49: {  	_ =	shalt  }
0x4a: {  	_ =	shalt  }
0x4b: {  	_ =	shalt  }
0x4c: {  	_ =	shalt  }
0x4d: {  	_ =	shalt  }
0x4e: {  	_ =	shalt  }
0x4f: {  	_ =	shalt  }
0x50: {  	_ =	shalt  }
0x51: {  	_ =	shalt  }
0x52: {  	_ =	shalt  }
0x53: {  	_ =	shalt  }
0x54: {  	_ =	shalt  }
0x55: {  	_ =	shalt  }
0x56: {  	_ =	shalt  }
0x57: {  	_ =	shalt  }
0x58: {  	_ =	shalt  }
0x59: {  	_ =	shalt  }
0x5a: {  	_ =	shalt  }
0x5b: {  	_ =	shalt  }
0x5c: {  	_ =	shalt  }
0x5d: {  	_ =	shalt  }
0x5e: {  	_ =	shalt  }
0x5f: {  	_ =	shalt  }
0x60: {  	_ =	shalt  }
0x61: {  	_ =	shalt  }
0x62: {  	_ =	shalt  }
0x63: {  	_ =	shalt  }
0x64: {  	_ =	shalt  }
0x65: {  	_ =	shalt  }
0x66: {  	_ =	shalt  }
0x67: {  	_ =	shalt  }
0x68: {  	_ =	shalt  }
0x69: {  	_ =	shalt  }
0x6a: {  	_ =	shalt  }
0x6b: {  	_ =	shalt  }
0x6c: {  	_ =	shalt  }
0x6d: {  	_ =	shalt  }
0x6e: {  	_ =	shalt  }
0x6f: {  	_ =	shalt  }
0x70: {  	_ =	shalt  }
0x71: {  	_ =	shalt  }
0x72: {  	_ =	shalt  }
0x73: {  	_ =	shalt  }
0x74: {  	_ =	shalt  }
0x75: {  	_ =	shalt  }
0x76: {  	_ =	shalt  }
0x77: {  	_ =	shalt  }
0x78: {  	_ =	shalt  }
0x79: {  	_ =	shalt  }
0x7a: {  	_ =	shalt  }
0x7b: {  	_ =	shalt  }
0x7c: {  	_ =	shalt  }
0x7d: {  	_ =	shalt  }
0x7e: {  	_ =	shalt  }
0x7f: {  	_ =	shalt  }
0x80: {  	_ =	shalt  }
0x81: {  	_ =	shalt  }
0x82: {  	_ =	shalt  }
0x83: {  	_ =	shalt  }
0x84: {  	_ =	shalt  }
0x85: {  	_ =	shalt  }
0x86: {  	_ =	shalt  }
0x87: {  	_ =	shalt  }
.Lfunc_end0:
.L_simem_size_0:
called_computation_lowered:
.L_overlay_start_0:
0x88: {  	s2 =	sld [smem:$0x3FD9]  }
0x89: {  	s3 =	sld [smem:$0x3FFE];
	_ =	sdelay $0x1  }
0x8a: {  	s1 =	srdreg.scid  }
0x8b: {  	s0 =	sand.u32 $0x1, s1  }
0x8c: {  	s17 =	sshll.u32 s0, $0xA;
	s2 =	sadd.s32 s3, s2  }
0x8d: {  	s2 =	sadd.s32 s2, s17  }
0x8e: {  	[smem:$0x3FC6] =	sst s2  }
0x8f: {  	_ = 	snop  }
0x90: {  	s2 =	sld [smem:$0x3FC9]  }
0x91: {  	s18 =	sld [smem:$0x3FD0];
	(tm) =	ssettm $0x1  }
0x92: {  	s4 =	sld [smem:$0x3FFB];
	_ =	sdelay $0x3  }
0x93: {  	_ =	strace s4  }
0x94: {  	s4 =	sld [smem:$0x3FFC];
	_ =	sdelay $0x3  }
0x95: {  	_ =	strace s4  }
0x96: {  	s4 =	sld [smem:$0x3FFD];
	_ =	sdelay $0x3  }
0x97: {  	_ =	strace s4  }
0x98: {  	_ =	strace $0x8FFFFFFF  }
0x99: {  	s19 =	sld [smem:$0x3FDB];
	_ =	sdelay $0x1  }
0x9a: {  	s5 =	simm.s32 $_scs_section_size  }
0x9b: {  	s6 =	simm.s32 $_size__tile_overlayer_lowered;
	s7 =	simm.s32 $_tile_overlayer_lowered  }
0x9c: {  	s22 =	simm.s32 $0x1BFF;
	s21 =	sshll.u32 s7, $0x1;
	s4 =	sadd.s32 s5, s19  }
0x9d: {  	s8 =	simm.s32 $0x0;
	s20 =	sshll.u32 s6, $0x1;
	s6 =	sadd.s32 s21, s4  }
0x9e: {  	[timem:s8], [sflag:s22] =	dma.local [hbm:s6], s20  }
0x9f: {  	_ =	swait.ge [sflag:s22], s20  }
0xa0: {  	s5 =	ssub.s32 $0x0, s20;
	[sflag:s22] =	ssyncset.done $0x0  }
0xa1: {  	[sflag:s22] =	ssyncadd.s32 s5;
	_ =	sdelay $0x1  }
0xa2: {  	s23 =	simm.s32 $0x1B8B  }
0xa3: {  	_ =	swait.ge [sflag:s23], $0x1  }
0xa4: {  	[sflag:s23] =	ssyncset.done $0x0  }
0xa5: {  	s25 =	simm.s32 $0x1B8E;
	s24 =	sld [smem:$0x3FFE];
	[sflag:s23] =	ssyncadd.s32 $0xFFFFFFFF  }
0xa6: {  	s26 =	simm.s32 $execute0_lowered;
	[smem:$0x3FD2] =	sst s25  }
0xa7: {  	s6 =	sshll.u32 s26, $0x1;
	_ =	strace $0x80000046;
	[dreg:$0x1] =	wrdreg $0xFFFFFFFF  }
0xa8: {  	s28 =	simm.s32 $_size_execute0_lowered;
	s4 =	sadd.s32 s4, s6;
	[dreg:$0x0] =	wrdreg $0x0  }
0xa9: {  	s6 =	sshll.u32 s28, $0x1;
	[dreg:$0x2] =	wrdreg s4  }
0xaa: {  	[dreg:$0x3] =	wrdreg s6  }
0xab: {  	[dreg:$0x4] =	wrdreg $0xC0  }
0xac: {  	_ =	task [dreg:s8], $0x5FFFF  }
0xad: {  	[dreg:$0x1] =	wrdreg $0xFFFFFFFF  }
0xae: {  	[dreg:$0x0] =	wrdreg $0x60  }
0xaf: {  	[dreg:$0x2] =	wrdreg s2  }
0xb0: {  	[dreg:$0x3] =	wrdreg s24  }
0xb1: {  	[dreg:$0x4] =	wrdreg s18  }
0xb2: {  	[dreg:$0x5] =	wrdreg $0x9  }
0xb3: {  	_ =	task.clear_ibuf [dreg:s8], $0x6FFFF;
	_ =	strace $0x90000046  }
0xb4: {  	s29 =	simm.s32 $0x9;
	_ =	strace $0x80000048  }
0xb5: {  	_ =	swait.ge [sflag:s29], $0x1  }
0xb6: {  	[sflag:s29] =	ssyncadd.s32 $0xFFFFFFFF  }
0xb7: {  	_ =	strace $0x90000048  }
0xb8: {  	_ =	sfence  }
0xb9: {  	s30 =	sld [smem:$0x0];
	_ =	sdelay $0x2  }
0xba: {  	s31 =	sshll.u32 s1, $0xD;
	s1 =	sshrl.u32 s1, $0x2  }
0xbb: {  	s3 =	sand.u32 $0x4000, s31;
	s1 =	sadd.s32 s1, s30  }
0xbc: {  	s0 =	sor.u32 s3, s0;
	s1 =	sshll.u32 s1, $0x11  }
0xbd: {  	s0 =	sor.u32 s1, s0  }
0xbe: {  	s0 =	sadd.s32 $0x8F2B, s0  }
0xbf: {  	[sflag:s0] =	ssyncadd.remote.s32 $0x1  }
0xc0: {  	_ =	sfence.sel $0xFFFF  }
0xc1: {  	[dreg:$0x0] =	wrdreg $0xFFFFFFFF;
	(pc) =	sbr.abs _section_cstart, $3  }
0xc2: {  	[dreg:$0x1] =	wrdreg $0xFFFFFFFF  }
0xc3: {  	_ =	task.clear_ibuf [dreg:s8], $0x2FFFF;
	_ =	strace $0x9FFFFFFF  }
0xc4: {  	(tm) =	ssettm $0x7FFFFFFF  }
0xc5: {  	_ =	shalt  }
tec
execute0_lowered:
.L_overlay_start_1:
0x0: {  	(tag) =	ssettag $0x1  }
0x1: {  	s0 =	rddreg [dreg:$0x0]  }
0x2: {  	s2 =	rddreg [dreg:$0x1]  }
0x3: {  	s1 =	rddreg [dreg:$0x2];
	s3 =	simm.s32 $0x0;
	s14 =	srdreg.scid  }
0x4: {  	s4 =	stileid.u32;
	s31 =	simm.s32 $0x200;
	s28 =	simm.s32 $0x20000  }
0x5: {  	s29 =	simm.s32 $0x10400;
	[smem:$0x7FF] =	sst s3;
	s3 =	sand.u32 $0x1, s14  }
0x6: {  	s6 =	sshll.u32 s4, $0xA;
	s5 =	ssub.s32 $0x2, s3;
	s3 =	sshll.u32 s3, $0x9  }
0x7: {  	s30 =	simm.s32 $0x4;
	s15 =	sshrl.u32 s5, $0x1;
	s3 =	sor.u32 s3, s6  }
0x8: {  	s4 =	sadd.s32 $0xF42800, s2;
	s2 =	ssub.s32 s5, s15;
	s5 =	sadd.s32 s0, s3  }
0x9: {  	s10 =	simm.s32 $0x7;
	s16 =	sshll.u32 s3, $0x3;
	s17 =	sadd.s32 $0x10, s5  }
0xa: {  	_ =	strace $0x80000047;
	s18 =	sor.u32 $0x400, s16;
	[dreg:$0x4] =	wrdreg s17  }
0xb: {  	s11 =	simm.s32 $0x6;
	s7 =	sor.u32 $0x800, s16;
	[dreg:$0x5] =	wrdreg s18  }
0xc: {  	s9 =	sadd.s32 s1, s3;
	s0 =	sor.u32 $0xC00, s16;
	[dreg:$0x6] =	wrdreg s7  }
0xd: {  	s14 =	simm.s32 $0x8;
	s22 =	sadd.s32 $0x620000, s9;
	[dreg:$0x9] =	wrdreg s0  }
0xe: {  	s23 =	sadd.s32 $0x620080, s9;
	s24 =	sadd.s32 $0x620100, s9;
	[dreg:$0xa] =	wrdreg s22  }
0xf: {  	s25 =	sadd.s32 $0x620180, s9;
	s26 =	smax.u32 s2, $0x1;
	[dreg:$0xb] =	wrdreg s23  }
0x10: {  	s2 =	simm.s32 $0x12400;
	s19 =	sshrl.u32 s18, $0x3;
	[dreg:$0xd] =	wrdreg s24  }
0x11: {  	s20 =	sshrl.u32 s7, $0x3;
	s0 =	sshrl.u32 s0, $0x3;
	[dreg:$0xe] =	wrdreg s25  }
0x12: {  	[dreg:$0xf] =	wrdreg s26;
	s22 =	simm.s32 $0x4400;
	s24 =	simm.s32 $0x3  }
0x13: {  	s26 =	simm.s32 $0x8400;
	s7 =	simm.s32 $0x0;
	s3 =	sadd.s32 s1, s19  }
0x14: {  	s21 =	sadd.s32 s1, s20;
	s0 =	sadd.s32 s1, s0;
	[dreg:$0x7] =	wrdreg s3  }
0x15: {  	v0 =	vlaneseq.u32;
	s19 =	simm.s32 $0x80;
	s20 =	simm.s32 $0x400;
	[dreg:$0x8] =	wrdreg s21  }
0x16: {  	v0 =	vmul.u32 $0x80, v0;
	[dreg:$0xc] =	wrdreg s0;
	s0 =	simm.s32 $0xC400;
	s3 =	simm.s32 $0x5  }
.LBB2_1:
0x17: {  	[dreg:$0x10] =	wrdreg s7;
	s6 =	simm.s32 $0x0;
	s21 =	simm.s32 $0x1  }
0x18: {  	[tilespmem:s6], [sflag:$0x1] =	stream.strided.gather [hbm4b:s5+s19], $0x200, s20, s19, $0x38;
	[tilespmem:$0x14400] =	vst v63  }
0x19: {  	_ =	swait.ge [sflag:s21], $0x200  }
0x1a: {  	[sflag:s21] =	ssyncset.done $0x0  }
0x1b: {  	[sflag:s21] =	ssyncadd.s32 $0xFFFFFE00  }
0x1c: {  	[tilespmem:s20], [sflag:$0x3] =	stream.indirect.gather [hbm4b:s4+s19], $0x80, s6, s19, $0xb8;
	[tilespmem:$0x14400] =	vst v63  }
0x1d: {  	_ = 	snop  }
0x1e: {  	[tilespmem:s22], [sflag:$0x4] =	stream.indirect.gather [hbm4b:s4+s19], $0x80, s19, s19, $0xb8;
	[tilespmem:$0x14400] =	vst v63  }
0x1f: {  	s23 =	rddreg [dreg:$0x4]  }
0x20: {  	[tilespmem:s31], [sflag:$0x2] =	stream.strided.gather [hbm4b:s23+s19], $0x200, s20, s19, $0x38;
	[tilespmem:$0x14400] =	vst v63  }
0x21: {  	_ =	swait.ge [sflag:s24], $0x4000  }
0x22: {  	s25 =	simm.s32 $0x100;
	[sflag:s24] =	ssyncset.done $0x0  }
0x23: {  	s13 =	simm.s32 $0x10600;
	s15 =	simm.s32 $0x0;
	[sflag:s24] =	ssyncadd.s32 $0xFFFFC000  }
0x24: {  	[tilespmem:s26], [sflag:$0x5] =	stream.indirect.gather [hbm4b:s4+s19], $0x80, s25, s19, $0xb8;
	[tilespmem:$0x14400] =	vst v63  }
.LBB2_2:
0x25: {  	s6 =	sshll.u32 s15, $0x4;
	s7 =	simm.s32 $0x1;
	s17 =	simm.s32 $0x2  }
0x26: {  	s18 =	simm.s32 $0x7;
	s8 =	simm.s32 $0x3;
	s21 =	simm.s32 $0x4;
	v1 =	vmov s6;
	v3 =	vmov s7;
	v4 =	vmov s17  }
0x27: {  	s23 =	simm.s32 $0x5;
	s25 =	simm.s32 $0x6;
	v5 =	vmov s18;
	v6 =	vmov s8;
	v7 =	vmov s21  }
0x28: {  	v8 =	vmov s23;
	v9 =	vmov s25;
	v5 =	vand.u32 $0x7F, v5  }
0x29: {  	v1 =	vshll.u32 v1, $0x7;
	v3 =	vand.u32 $0x79, v3;
	v5 =	vbroadcast v5, $0x0  }
0x2a: {  	v4 =	vand.u32 $0x7A, v4;
	v1 =	vor.u32 v0, v1;
	v3 =	vbroadcast v3, $0x0  }
0x2b: {  	v6 =	vand.u32 $0x7B, v6;
	v4 =	vbroadcast v4, $0x0;
	v5 =	vor.u32 v1, v5  }
0x2c: {  	v7 =	vand.u32 $0x7C, v7;
	v6 =	vbroadcast v6, $0x0;
	v3 =	vor.u32 v1, v3  }
0x2d: {  	v8 =	vand.u32 $0x7D, v8;
	v7 =	vbroadcast v7, $0x0;
	v4 =	vor.u32 v1, v4  }
0x2e: {  	s16 =	simm.s32 $0x0;
	v9 =	vand.u32 $0x7E, v9;
	v8 =	vbroadcast v8, $0x0;
	v6 =	vor.u32 v1, v6  }
0x2f: {  	s12 =	simm.s32 $0xA;
	v2 =	vmov s16;
	v9 =	vbroadcast v9, $0x0;
	v7 =	vor.u32 v1, v7  }
0x30: {  	s7 =	simm.s32 $0x8;
	v12 =	vmov s12;
	v2 =	vand.u32 $0x78, v2;
	v8 =	vor.u32 v1, v8;
	v5 =	vld.idx.msk [tilespmem:v5+s20+$0x0], $0xffff  }
0x31: {  	s8 =	simm.s32 $0x9;
	s16 =	simm.s32 $0xF;
	s17 =	simm.s32 $0xB;
	v10 =	vmov s7;
	v2 =	vbroadcast v2, $0x0;
	v9 =	vor.u32 v1, v9;
	v3 =	vld.idx.msk [tilespmem:v3+s20+$0x0], $0xffff  }
0x32: {  	s18 =	simm.s32 $0xC;
	v11 =	vmov s8;
	v13 =	vmov s16;
	v14 =	vmov s17;
	v4 =	vld.idx.msk [tilespmem:v4+s20+$0x0], $0xffff  }
0x33: {  	v15 =	vmov s18;
	v13 =	vand.u32 $0x7F, v13;
	v2 =	vor.u32 v1, v2;
	v16 =	vld.idx.msk [tilespmem:v6+s20+$0x0], $0xffff  }
0x34: {  	v12 =	vand.u32 $0x7A, v12;
	v6 =	vand.u32 $0x79, v11;
	v11 =	vbroadcast v13, $0x0;
	v7 =	vld.idx.msk [tilespmem:v7+s20+$0x0], $0xffff  }
0x35: {  	s21 =	simm.s32 $0xD;
	v17 =	vld.idx.msk [tilespmem:v8+s20+$0x0], $0xffff;
	v8 =	vbroadcast v12, $0x0;
	v12 =	vand.u32 $0x7B, v14;
	v6 =	vbroadcast v6, $0x0  }
0x36: {  	v13 =	vmov s21;
	v14 =	vld.idx.msk [tilespmem:v9+s20+$0x0], $0xffff;
	v9 =	vbroadcast v12, $0x0;
	v11 =	vor.u32 v1, v11;
	[tilespmem:s13+$0x180] =	vst v5  }
0x37: {  	s23 =	simm.s32 $0xE;
	v18 =	vor.u32 v1, v6;
	v6 =	vor.u32 v1, v8;
	[tilespmem:s13+$0xFFFFFE80] =	vst v3;
	v3 =	vand.u32 $0x7C, v15  }
0x38: {  	v8 =	vand.u32 $0x7D, v13;
	v5 =	vmov s23;
	[tilespmem:s13+$0xFFFFFF00] =	vst v4;
	v4 =	vld.idx.msk [tilespmem:v2+s20+$0x0], $0xffff;
	v3 =	vbroadcast v3, $0x0  }
0x39: {  	v13 =	vbroadcast v8, $0x0;
	v8 =	vor.u32 v1, v9;
	[tilespmem:s13+$0xFFFFFF80] =	vst v16;
	v5 =	vand.u32 $0x7E, v5  }
0x3a: {  	v2 =	vand.u32 $0x78, v10;
	[tilespmem:s13+$0x0] =	vst v7;
	v10 =	vbroadcast v5, $0x0;
	v9 =	vor.u32 v1, v3  }
0x3b: {  	s25 =	simm.s32 $0x11;
	s6 =	simm.s32 $0x17;
	s16 =	simm.s32 $0x10;
	[tilespmem:s13+$0x80] =	vst v17;
	v12 =	vbroadcast v2, $0x0;
	v7 =	vor.u32 v1, v13;
	v3 =	vld.idx.msk [tilespmem:v11+s20+$0x0], $0xffff  }
0x3c: {  	s7 =	simm.s32 $0x12;
	s18 =	simm.s32 $0x18;
	s17 =	smov.u32 s13;
	[tilespmem:s13+$0x100] =	vst v14;
	v2 =	vmov s16;
	v11 =	vmov s25;
	v5 =	vld.idx.msk [tilespmem:v18+s20+$0x0], $0xffff;
	v10 =	vor.u32 v1, v10  }
.LBB2_3:
0x3d: {  	p0 =	slt.u32 s18, $0x38;
	v13 =	vmov s7;
	s7 =	sadd.s32 $0x3, s16;
	s8 =	sadd.s32 $0x4, s16;
	v14 =	vmov s6;
	v12 =	vor.u32 v1, v12;
	v15 =	vld.idx.msk [tilespmem:v6+s20+$0x0], $0xffff;
	[tilespmem:s17+$0xFFFFFE00] =	vst v4  }
0x3e: {  	s6 =	sadd.s32 $0x5, s16;
	v4 =	vmov s7;
	v6 =	vmov s8;
	v14 =	vand.u32 $0x7F, v14;
	v16 =	vld.idx.msk [tilespmem:v8+s20+$0x0], $0xffff  }
0x3f: {  	v8 =	vand.u32 $0x79, v11;
	v11 =	vmov s6;
	s6 =	sadd.s32 $0x6, s16;
	s16 =	smov.u32 s18;
	v14 =	vbroadcast v14, $0x0;
	v17 =	vld.idx.msk [tilespmem:v9+s20+$0x0], $0xffff  }
0x40: {  	s17 =	sadd.s32 $0x400, s17;
	v8 =	vbroadcast v8, $0x0;
	v9 =	vand.u32 $0x7A, v13;
	v13 =	vmov s6;
	v18 =	vld.idx.msk [tilespmem:v7+s20+$0x0], $0xffff  }
0x41: {  	v4 =	vand.u32 $0x7B, v4;
	v7 =	vbroadcast v9, $0x0;
	v14 =	vor.u32 v1, v14;
	v19 =	vld.idx.msk [tilespmem:v10+s20+$0x0], $0xffff;
	[tilespmem:s17+$0x180] =	vst v3  }
0x42: {  	v10 =	vor.u32 v1, v8;
	v3 =	vbroadcast v4, $0x0;
	v8 =	vand.u32 $0x7C, v6;
	v4 =	vld.idx.msk [tilespmem:v12+s20+$0x0], $0xffff;
	[tilespmem:s17+$0xFFFFFE80] =	vst v5  }
.Ltmp0:
0x43: {  	v6 =	vor.u32 v1, v7;
	v5 =	vbroadcast v8, $0x0;
	v7 =	vand.u32 $0x7D, v11;
	[tilespmem:s17+$0xFFFFFF00] =	vst v15;
	(pc) =	sbr.rel @p0 .LBB2_3-.Ltmp0, $4  }
0x44: {  	v8 =	vor.u32 v1, v3;
	v3 =	vbroadcast v7, $0x0;
	v7 =	vand.u32 $0x7E, v13;
	[tilespmem:s17+$0xFFFFFF80] =	vst v16  }
0x45: {  	v2 =	vand.u32 $0x78, v2;
	v9 =	vor.u32 v1, v5;
	v13 =	vbroadcast v7, $0x0;
	[tilespmem:s17+$0x0] =	vst v17  }
0x46: {  	s6 =	sadd.s32 $0x1, s18;
	v12 =	vbroadcast v2, $0x0;
	v7 =	vor.u32 v1, v3;
	v3 =	vld.idx.msk [tilespmem:v14+s20+$0x0], $0xffff;
	[tilespmem:s17+$0x80] =	vst v18  }
0x47: {  	s7 =	sadd.s32 $0x2, s16;
	s18 =	sadd.s32 $0x8, s18;
	v2 =	vmov s16;
	v11 =	vmov s6;
	s6 =	sadd.s32 $0x7, s16;
	v5 =	vld.idx.msk [tilespmem:v10+s20+$0x0], $0xffff;
	v10 =	vor.u32 v1, v13;
	[tilespmem:s17+$0x100] =	vst v19  }
0x48: {  	_ = 	snop  }
0x49: {  	v13 =	vmov s7;
	s18 =	sadd.s32 $0x3, s16;
	s8 =	sadd.s32 $0x4, s16;
	v14 =	vmov s6;
	v12 =	vor.u32 v1, v12  }
0x4a: {  	s21 =	sadd.s32 $0x5, s16;
	v11 =	vand.u32 $0x79, v11;
	v15 =	vmov s18;
	v16 =	vmov s8  }
0x4b: {  	s23 =	sadd.s32 $0x6, s16;
	v14 =	vand.u32 $0x7F, v14;
	v17 =	vmov s21;
	v11 =	vbroadcast v11, $0x0  }
0x4c: {  	v6 =	vld.idx.msk [tilespmem:v6+s20+$0x0], $0xffff;
	v13 =	vand.u32 $0x7A, v13;
	v18 =	vmov s23;
	v14 =	vbroadcast v14, $0x0  }
0x4d: {  	v8 =	vld.idx.msk [tilespmem:v8+s20+$0x0], $0xffff;
	v13 =	vbroadcast v13, $0x0;
	v15 =	vand.u32 $0x7B, v15;
	v47 =	vor.u32 v1, v11  }
0x4e: {  	[tilespmem:s17+$0xFFFFFE00] =	vst v4;
	v46 =	vld.idx.msk [tilespmem:v9+s20+$0x0], $0xffff;
	s25 =	sadd.s32 $0x400, s17;
	v49 =	vand.u32 $0x7C, v16;
	v48 =	vbroadcast v15, $0x0;
	v14 =	vor.u32 v1, v14  }
0x4f: {  	v7 =	vld.idx.msk [tilespmem:v7+s20+$0x0], $0xffff;
	v51 =	vand.u32 $0x7D, v17;
	[tilespmem:s25+$0x180] =	vst v3;
	v50 =	vbroadcast v49, $0x0;
	v3 =	vor.u32 v1, v13  }
0x50: {  	v10 =	vld.idx.msk [tilespmem:v10+s20+$0x0], $0xffff;
	v54 =	vand.u32 $0x7E, v18;
	v53 =	vbroadcast v51, $0x0;
	[tilespmem:s25+$0xFFFFFE80] =	vst v5;
	v52 =	vor.u32 v1, v48  }
0x51: {  	v2 =	vand.u32 $0x78, v2;
	v56 =	vbroadcast v54, $0x0;
	v12 =	vld.idx.msk [tilespmem:v12+s20+$0x0], $0xffff;
	[tilespmem:s25+$0xFFFFFF00] =	vst v6;
	v55 =	vor.u32 v1, v50  }
0x52: {  	v2 =	vbroadcast v2, $0x0;
	[tilespmem:s25+$0xFFFFFF80] =	vst v8;
	v57 =	vor.u32 v1, v53;
	v59 =	vld.idx.msk [tilespmem:v47+s20+$0x0], $0xffff  }
0x53: {  	[tilespmem:s25+$0x0] =	vst v46;
	v60 =	vor.u32 v1, v56;
	v58 =	vld.idx.msk [tilespmem:v14+s20+$0x0], $0xffff  }
0x54: {  	[tilespmem:s25+$0x80] =	vst v7;
	v1 =	vor.u32 v1, v2;
	v2 =	vld.idx.msk [tilespmem:v3+s20+$0x0], $0xffff  }
0x55: {  	[tilespmem:s25+$0x100] =	vst v10;
	v3 =	vld.idx.msk [tilespmem:v52+s20+$0x0], $0xffff  }
0x56: {  	s6 =	sadd.s32 $0x400, s25;
	[tilespmem:s25+$0xFFFFFE00] =	vst v12;
	v61 =	vld.idx.msk [tilespmem:v55+s20+$0x0], $0xffff  }
0x57: {  	v62 =	vld.idx.msk [tilespmem:v57+s20+$0x0], $0xffff;
	[tilespmem:s6+$0xFFFFFE80] =	vst v59  }
0x58: {  	s15 =	sadd.s32 $0x1, s15;
	v63 =	vld.idx.msk [tilespmem:v60+s20+$0x0], $0xffff;
	[tilespmem:s6+$0x180] =	vst v58  }
0x59: {  	p0 =	sne.s32 s15, $0x8;
	v1 =	vld.idx.msk [tilespmem:v1+s20+$0x0], $0xffff;
	[tilespmem:s6+$0xFFFFFF00] =	vst v2  }
.Ltmp1:
0x5a: {  	[tilespmem:s6+$0xFFFFFF80] =	vst v3;
	(pc) =	sbr.rel @p0 .LBB2_2-.Ltmp1, $4  }
0x5b: {  	[tilespmem:s6+$0x0] =	vst v61  }
0x5c: {  	[tilespmem:s6+$0x80] =	vst v62  }
0x5d: {  	[tilespmem:s6+$0x100] =	vst v63  }
0x5e: {  	s13 =	sadd.s32 $0x10, s13;
	[tilespmem:s6+$0xFFFFFE00] =	vst v1  }
0x5f: {  	[hbm4b:s9+s20] =	stream.strided.scatter [tilespmem:s29], [sflag:$0x7], $0x2000, s28, s20, $0x38;
	[tilespmem:$0x14400] =	vst v63  }
0x60: {  	_ =	swait.ge [sflag:s30], $0x4000  }
0x61: {  	s6 =	simm.s32 $0x180;
	s13 =	simm.s32 $0x0;
	[sflag:s30] =	ssyncset.done $0x0  }
0x62: {  	s15 =	simm.s32 $0x12600;
	s16 =	simm.s32 $0x0;
	[sflag:s30] =	ssyncadd.s32 $0xFFFFC000  }
0x63: {  	[tilespmem:s0], [sflag:$0x6] =	stream.indirect.gather [hbm4b:s4+s19], $0x80, s6, s19, $0xb8;
	[tilespmem:$0x14400] =	vst v63  }
.LBB2_6:
0x64: {  	s6 =	sshll.u32 s16, $0x4;
	s8 =	simm.s32 $0x1;
	s12 =	simm.s32 $0x2  }
0x65: {  	s7 =	simm.s32 $0x7;
	s17 =	simm.s32 $0x4;
	s18 =	simm.s32 $0x5;
	v1 =	vmov s6;
	v3 =	vmov s8;
	v4 =	vmov s12  }
0x66: {  	s21 =	simm.s32 $0x6;
	v5 =	vmov s7;
	v7 =	vmov s17;
	v8 =	vmov s18  }
0x67: {  	s8 =	simm.s32 $0x3;
	v9 =	vmov s21;
	v1 =	vshll.u32 v1, $0x7;
	v5 =	vand.u32 $0x7F, v5  }
0x68: {  	v6 =	vmov s8;
	v3 =	vand.u32 $0x79, v3;
	v5 =	vbroadcast v5, $0x0  }
0x69: {  	v4 =	vand.u32 $0x7A, v4;
	v1 =	vor.u32 v0, v1;
	v3 =	vbroadcast v3, $0x0  }
0x6a: {  	v7 =	vand.u32 $0x7C, v7;
	v4 =	vbroadcast v4, $0x0;
	v5 =	vor.u32 v1, v5  }
0x6b: {  	v6 =	vand.u32 $0x7B, v6;
	v7 =	vbroadcast v7, $0x0;
	v3 =	vor.u32 v1, v3  }
0x6c: {  	v8 =	vand.u32 $0x7D, v8;
	v6 =	vbroadcast v6, $0x0;
	v4 =	vor.u32 v1, v4  }
0x6d: {  	v9 =	vand.u32 $0x7E, v9;
	v8 =	vbroadcast v8, $0x0;
	v7 =	vor.u32 v1, v7  }
0x6e: {  	v2 =	vmov s13;
	s23 =	simm.s32 $0x8;
	v9 =	vbroadcast v9, $0x0;
	v6 =	vor.u32 v1, v6  }
0x6f: {  	s25 =	simm.s32 $0x9;
	v2 =	vand.u32 $0x78, v2;
	v10 =	vmov s23;
	v8 =	vor.u32 v1, v8;
	v5 =	vld.idx.msk [tilespmem:v5+s22+$0x0], $0xffff  }
0x70: {  	v11 =	vmov s25;
	s12 =	simm.s32 $0xF;
	s17 =	simm.s32 $0xB;
	s18 =	simm.s32 $0xC;
	v2 =	vbroadcast v2, $0x0;
	v9 =	vor.u32 v1, v9;
	v3 =	vld.idx.msk [tilespmem:v3+s22+$0x0], $0xffff  }
0x71: {  	s8 =	simm.s32 $0xA;
	v13 =	vmov s12;
	v14 =	vmov s17;
	v15 =	vmov s18;
	v4 =	vld.idx.msk [tilespmem:v4+s22+$0x0], $0xffff  }
0x72: {  	v12 =	vmov s8;
	v13 =	vand.u32 $0x7F, v13;
	v2 =	vor.u32 v1, v2;
	v7 =	vld.idx.msk [tilespmem:v7+s22+$0x0], $0xffff  }
0x73: {  	v12 =	vand.u32 $0x7A, v12;
	v16 =	vld.idx.msk [tilespmem:v6+s22+$0x0], $0xffff;
	v6 =	vand.u32 $0x79, v11;
	v11 =	vbroadcast v13, $0x0  }
0x74: {  	s21 =	simm.s32 $0xD;
	v17 =	vld.idx.msk [tilespmem:v8+s22+$0x0], $0xffff;
	v8 =	vbroadcast v12, $0x0;
	v12 =	vand.u32 $0x7B, v14;
	v6 =	vbroadcast v6, $0x0  }
0x75: {  	v14 =	vld.idx.msk [tilespmem:v9+s22+$0x0], $0xffff;
	v13 =	vmov s21;
	v9 =	vbroadcast v12, $0x0;
	v11 =	vor.u32 v1, v11;
	[tilespmem:s15+$0x180] =	vst v5  }
0x76: {  	s23 =	simm.s32 $0xE;
	v18 =	vor.u32 v1, v6;
	v6 =	vor.u32 v1, v8;
	[tilespmem:s15+$0xFFFFFE80] =	vst v3;
	v3 =	vand.u32 $0x7C, v15  }
0x77: {  	v8 =	vand.u32 $0x7D, v13;
	v5 =	vmov s23;
	[tilespmem:s15+$0xFFFFFF00] =	vst v4;
	v4 =	vld.idx.msk [tilespmem:v2+s22+$0x0], $0xffff;
	v3 =	vbroadcast v3, $0x0  }
0x78: {  	v13 =	vbroadcast v8, $0x0;
	v8 =	vor.u32 v1, v9;
	[tilespmem:s15+$0x0] =	vst v7;
	v5 =	vand.u32 $0x7E, v5  }
0x79: {  	v2 =	vand.u32 $0x78, v10;
	[tilespmem:s15+$0x80] =	vst v17;
	v10 =	vbroadcast v5, $0x0;
	v9 =	vor.u32 v1, v3  }
0x7a: {  	s25 =	simm.s32 $0x11;
	s7 =	simm.s32 $0x12;
	s17 =	simm.s32 $0x10;
	[tilespmem:s15+$0x100] =	vst v14;
	v12 =	vbroadcast v2, $0x0;
	v7 =	vor.u32 v1, v13;
	v3 =	vld.idx.msk [tilespmem:v11+s22+$0x0], $0xffff  }
0x7b: {  	s6 =	simm.s32 $0x17;
	s18 =	smov.u32 s15;
	s21 =	simm.s32 $0x18;
	[tilespmem:s15+$0xFFFFFF80] =	vst v16;
	v2 =	vmov s17;
	v11 =	vmov s25;
	v5 =	vld.idx.msk [tilespmem:v18+s22+$0x0], $0xffff;
	v10 =	vor.u32 v1, v10  }
.LBB2_7:
0x7c: {  	p0 =	slt.u32 s21, $0x38;
	v13 =	vmov s7;
	s7 =	sadd.s32 $0x3, s17;
	s8 =	sadd.s32 $0x4, s17;
	v14 =	vmov s6;
	v12 =	vor.u32 v1, v12;
	v15 =	vld.idx.msk [tilespmem:v6+s22+$0x0], $0xffff;
	[tilespmem:s18+$0xFFFFFE00] =	vst v4  }
0x7d: {  	s6 =	sadd.s32 $0x5, s17;
	v4 =	vmov s7;
	v6 =	vmov s8;
	v14 =	vand.u32 $0x7F, v14;
	v16 =	vld.idx.msk [tilespmem:v8+s22+$0x0], $0xffff  }
0x7e: {  	v8 =	vand.u32 $0x79, v11;
	v11 =	vmov s6;
	s6 =	sadd.s32 $0x6, s17;
	s17 =	smov.u32 s21;
	v14 =	vbroadcast v14, $0x0;
	v17 =	vld.idx.msk [tilespmem:v9+s22+$0x0], $0xffff  }
0x7f: {  	s18 =	sadd.s32 $0x400, s18;
	v8 =	vbroadcast v8, $0x0;
	v9 =	vand.u32 $0x7A, v13;
	v13 =	vmov s6;
	v18 =	vld.idx.msk [tilespmem:v7+s22+$0x0], $0xffff  }
0x80: {  	v4 =	vand.u32 $0x7B, v4;
	v7 =	vbroadcast v9, $0x0;
	v14 =	vor.u32 v1, v14;
	v19 =	vld.idx.msk [tilespmem:v10+s22+$0x0], $0xffff;
	[tilespmem:s18+$0x180] =	vst v3  }
0x81: {  	v10 =	vor.u32 v1, v8;
	v3 =	vbroadcast v4, $0x0;
	v8 =	vand.u32 $0x7C, v6;
	v4 =	vld.idx.msk [tilespmem:v12+s22+$0x0], $0xffff;
	[tilespmem:s18+$0xFFFFFE80] =	vst v5  }
.Ltmp2:
0x82: {  	v6 =	vor.u32 v1, v7;
	v5 =	vbroadcast v8, $0x0;
	v7 =	vand.u32 $0x7D, v11;
	[tilespmem:s18+$0xFFFFFF00] =	vst v15;
	(pc) =	sbr.rel @p0 .LBB2_7-.Ltmp2, $4  }
0x83: {  	v8 =	vor.u32 v1, v3;
	v3 =	vbroadcast v7, $0x0;
	v7 =	vand.u32 $0x7E, v13;
	[tilespmem:s18+$0xFFFFFF80] =	vst v16  }
0x84: {  	v2 =	vand.u32 $0x78, v2;
	v9 =	vor.u32 v1, v5;
	v13 =	vbroadcast v7, $0x0;
	[tilespmem:s18+$0x0] =	vst v17  }
0x85: {  	s6 =	sadd.s32 $0x1, s21;
	v12 =	vbroadcast v2, $0x0;
	v7 =	vor.u32 v1, v3;
	v3 =	vld.idx.msk [tilespmem:v14+s22+$0x0], $0xffff;
	[tilespmem:s18+$0x80] =	vst v18  }
0x86: {  	s7 =	sadd.s32 $0x2, s17;
	s21 =	sadd.s32 $0x8, s21;
	v2 =	vmov s17;
	v11 =	vmov s6;
	s6 =	sadd.s32 $0x7, s17;
	v5 =	vld.idx.msk [tilespmem:v10+s22+$0x0], $0xffff;
	v10 =	vor.u32 v1, v13;
	[tilespmem:s18+$0x100] =	vst v19  }
0x87: {  	_ = 	snop  }
0x88: {  	v13 =	vmov s7;
	s12 =	sadd.s32 $0x3, s17;
	s8 =	sadd.s32 $0x4, s17;
	v14 =	vmov s6;
	v12 =	vor.u32 v1, v12  }
0x89: {  	s21 =	sadd.s32 $0x5, s17;
	v11 =	vand.u32 $0x79, v11;
	v15 =	vmov s12;
	v16 =	vmov s8  }
0x8a: {  	s23 =	sadd.s32 $0x6, s17;
	v14 =	vand.u32 $0x7F, v14;
	v17 =	vmov s21;
	v11 =	vbroadcast v11, $0x0  }
0x8b: {  	v6 =	vld.idx.msk [tilespmem:v6+s22+$0x0], $0xffff;
	v13 =	vand.u32 $0x7A, v13;
	v18 =	vmov s23;
	v14 =	vbroadcast v14, $0x0  }
0x8c: {  	v8 =	vld.idx.msk [tilespmem:v8+s22+$0x0], $0xffff;
	v13 =	vbroadcast v13, $0x0;
	v15 =	vand.u32 $0x7B, v15;
	v47 =	vor.u32 v1, v11  }
0x8d: {  	[tilespmem:s18+$0xFFFFFE00] =	vst v4;
	v46 =	vld.idx.msk [tilespmem:v9+s22+$0x0], $0xffff;
	s25 =	sadd.s32 $0x400, s18;
	v49 =	vand.u32 $0x7C, v16;
	v48 =	vbroadcast v15, $0x0;
	v14 =	vor.u32 v1, v14  }
0x8e: {  	v7 =	vld.idx.msk [tilespmem:v7+s22+$0x0], $0xffff;
	v51 =	vand.u32 $0x7D, v17;
	[tilespmem:s25+$0x180] =	vst v3;
	v50 =	vbroadcast v49, $0x0;
	v3 =	vor.u32 v1, v13  }
0x8f: {  	v10 =	vld.idx.msk [tilespmem:v10+s22+$0x0], $0xffff;
	v54 =	vand.u32 $0x7E, v18;
	v53 =	vbroadcast v51, $0x0;
	[tilespmem:s25+$0xFFFFFE80] =	vst v5;
	v52 =	vor.u32 v1, v48  }
0x90: {  	v2 =	vand.u32 $0x78, v2;
	v56 =	vbroadcast v54, $0x0;
	v12 =	vld.idx.msk [tilespmem:v12+s22+$0x0], $0xffff;
	[tilespmem:s25+$0xFFFFFF00] =	vst v6;
	v55 =	vor.u32 v1, v50  }
0x91: {  	v2 =	vbroadcast v2, $0x0;
	[tilespmem:s25+$0xFFFFFF80] =	vst v8;
	v57 =	vor.u32 v1, v53;
	v59 =	vld.idx.msk [tilespmem:v47+s22+$0x0], $0xffff  }
0x92: {  	[tilespmem:s25+$0x0] =	vst v46;
	v60 =	vor.u32 v1, v56;
	v58 =	vld.idx.msk [tilespmem:v14+s22+$0x0], $0xffff  }
0x93: {  	[tilespmem:s25+$0x80] =	vst v7;
	v1 =	vor.u32 v1, v2;
	v2 =	vld.idx.msk [tilespmem:v3+s22+$0x0], $0xffff  }
0x94: {  	[tilespmem:s25+$0x100] =	vst v10;
	v3 =	vld.idx.msk [tilespmem:v52+s22+$0x0], $0xffff  }
0x95: {  	s6 =	sadd.s32 $0x400, s25;
	[tilespmem:s25+$0xFFFFFE00] =	vst v12;
	v61 =	vld.idx.msk [tilespmem:v55+s22+$0x0], $0xffff  }
0x96: {  	v62 =	vld.idx.msk [tilespmem:v57+s22+$0x0], $0xffff;
	[tilespmem:s6+$0xFFFFFE80] =	vst v59  }
0x97: {  	s16 =	sadd.s32 $0x1, s16;
	v63 =	vld.idx.msk [tilespmem:v60+s22+$0x0], $0xffff;
	[tilespmem:s6+$0x180] =	vst v58  }
0x98: {  	p0 =	sne.s32 s16, $0x8;
	v1 =	vld.idx.msk [tilespmem:v1+s22+$0x0], $0xffff;
	[tilespmem:s6+$0xFFFFFF00] =	vst v2  }
.Ltmp3:
0x99: {  	[tilespmem:s6+$0xFFFFFF80] =	vst v3;
	(pc) =	sbr.rel @p0 .LBB2_6-.Ltmp3, $4  }
0x9a: {  	[tilespmem:s6+$0x0] =	vst v61  }
0x9b: {  	[tilespmem:s6+$0x80] =	vst v62  }
0x9c: {  	[tilespmem:s6+$0x100] =	vst v63  }
0x9d: {  	s15 =	sadd.s32 $0x10, s15;
	[tilespmem:s6+$0xFFFFFE00] =	vst v1  }
0x9e: {  	s6 =	rddreg [dreg:$0x7]  }
0x9f: {  	[hbm4b:s6+s20] =	stream.strided.scatter [tilespmem:s2], [sflag:$0x8], $0x2000, s28, s20, $0x38;
	[tilespmem:$0x14400] =	vst v63  }
0xa0: {  	_ =	swait.ge [sflag:s3], $0x4000  }
0xa1: {  	[sflag:s3] =	ssyncset.done $0x0  }
0xa2: {  	s25 =	simm.s32 $0x2;
	[sflag:s3] =	ssyncadd.s32 $0xFFFFC000  }
0xa3: {  	_ =	swait.ge [sflag:s25], $0x200  }
0xa4: {  	[sflag:s25] =	ssyncset.done $0x0  }
0xa5: {  	[sflag:s25] =	ssyncadd.s32 $0xFFFFFE00  }
0xa6: {  	[tilespmem:s20], [sflag:$0x3] =	stream.indirect.gather [hbm4b:s4+s19], $0x80, s31, s19, $0xb8;
	[tilespmem:$0x14400] =	vst v63  }
0xa7: {  	_ =	swait.ge [sflag:s10], $0x2000  }
0xa8: {  	s13 =	simm.s32 $0x0;
	[sflag:s10] =	ssyncset.done $0x0  }
0xa9: {  	s15 =	simm.s32 $0x10600;
	s16 =	simm.s32 $0x0;
	[sflag:s10] =	ssyncadd.s32 $0xFFFFE000  }
.LBB2_10:
0xaa: {  	s6 =	sshll.u32 s16, $0x4;
	s18 =	simm.s32 $0x1;
	s21 =	simm.s32 $0x2  }
0xab: {  	s7 =	simm.s32 $0x7;
	s8 =	simm.s32 $0x3;
	s23 =	simm.s32 $0x4;
	v1 =	vmov s6;
	v3 =	vmov s18;
	v4 =	vmov s21  }
0xac: {  	s25 =	simm.s32 $0x5;
	s31 =	simm.s32 $0x6;
	v5 =	vmov s7;
	v6 =	vmov s8;
	v7 =	vmov s23  }
0xad: {  	v8 =	vmov s25;
	v9 =	vmov s31;
	v5 =	vand.u32 $0x7F, v5  }
0xae: {  	v1 =	vshll.u32 v1, $0x7;
	v3 =	vand.u32 $0x79, v3;
	v5 =	vbroadcast v5, $0x0  }
0xaf: {  	v4 =	vand.u32 $0x7A, v4;
	v1 =	vor.u32 v0, v1;
	v3 =	vbroadcast v3, $0x0  }
0xb0: {  	v6 =	vand.u32 $0x7B, v6;
	v4 =	vbroadcast v4, $0x0;
	v5 =	vor.u32 v1, v5  }
0xb1: {  	v7 =	vand.u32 $0x7C, v7;
	v6 =	vbroadcast v6, $0x0;
	v3 =	vor.u32 v1, v3  }
0xb2: {  	v8 =	vand.u32 $0x7D, v8;
	v7 =	vbroadcast v7, $0x0;
	v4 =	vor.u32 v1, v4  }
0xb3: {  	v9 =	vand.u32 $0x7E, v9;
	v8 =	vbroadcast v8, $0x0;
	v6 =	vor.u32 v1, v6  }
0xb4: {  	v2 =	vmov s13;
	s12 =	simm.s32 $0xA;
	v9 =	vbroadcast v9, $0x0;
	v7 =	vor.u32 v1, v7  }
0xb5: {  	s17 =	simm.s32 $0xF;
	v2 =	vand.u32 $0x78, v2;
	v12 =	vmov s12;
	v8 =	vor.u32 v1, v8;
	v5 =	vld.idx.msk [tilespmem:v5+s26+$0x0], $0xffff  }
0xb6: {  	s7 =	simm.s32 $0x8;
	s8 =	simm.s32 $0x9;
	s18 =	simm.s32 $0xB;
	v13 =	vmov s17;
	v2 =	vbroadcast v2, $0x0;
	v9 =	vor.u32 v1, v9;
	v3 =	vld.idx.msk [tilespmem:v3+s26+$0x0], $0xffff  }
0xb7: {  	s21 =	simm.s32 $0xC;
	v10 =	vmov s7;
	v11 =	vmov s8;
	v14 =	vmov s18;
	v4 =	vld.idx.msk [tilespmem:v4+s26+$0x0], $0xffff  }
0xb8: {  	v13 =	vand.u32 $0x7F, v13;
	v15 =	vmov s21;
	v2 =	vor.u32 v1, v2;
	v16 =	vld.idx.msk [tilespmem:v6+s26+$0x0], $0xffff  }
0xb9: {  	v12 =	vand.u32 $0x7A, v12;
	v6 =	vand.u32 $0x79, v11;
	v11 =	vbroadcast v13, $0x0;
	v7 =	vld.idx.msk [tilespmem:v7+s26+$0x0], $0xffff  }
0xba: {  	s23 =	simm.s32 $0xD;
	v17 =	vld.idx.msk [tilespmem:v8+s26+$0x0], $0xffff;
	v8 =	vbroadcast v12, $0x0;
	v12 =	vand.u32 $0x7B, v14;
	v6 =	vbroadcast v6, $0x0  }
0xbb: {  	v13 =	vmov s23;
	v14 =	vld.idx.msk [tilespmem:v9+s26+$0x0], $0xffff;
	v9 =	vbroadcast v12, $0x0;
	v11 =	vor.u32 v1, v11;
	[tilespmem:s15+$0x180] =	vst v5  }
0xbc: {  	s25 =	simm.s32 $0xE;
	v18 =	vor.u32 v1, v6;
	v6 =	vor.u32 v1, v8;
	[tilespmem:s15+$0xFFFFFE80] =	vst v3;
	v3 =	vand.u32 $0x7C, v15  }
0xbd: {  	v8 =	vand.u32 $0x7D, v13;
	v5 =	vmov s25;
	[tilespmem:s15+$0xFFFFFF00] =	vst v4;
	v4 =	vld.idx.msk [tilespmem:v2+s26+$0x0], $0xffff;
	v3 =	vbroadcast v3, $0x0  }
0xbe: {  	v13 =	vbroadcast v8, $0x0;
	v8 =	vor.u32 v1, v9;
	[tilespmem:s15+$0xFFFFFF80] =	vst v16;
	v5 =	vand.u32 $0x7E, v5  }
0xbf: {  	v2 =	vand.u32 $0x78, v10;
	[tilespmem:s15+$0x0] =	vst v7;
	v10 =	vbroadcast v5, $0x0;
	v9 =	vor.u32 v1, v3  }
0xc0: {  	s17 =	simm.s32 $0x10;
	s31 =	simm.s32 $0x11;
	s6 =	simm.s32 $0x17;
	[tilespmem:s15+$0x80] =	vst v17;
	v12 =	vbroadcast v2, $0x0;
	v7 =	vor.u32 v1, v13;
	v3 =	vld.idx.msk [tilespmem:v11+s26+$0x0], $0xffff  }
0xc1: {  	s7 =	simm.s32 $0x12;
	s21 =	simm.s32 $0x18;
	s18 =	smov.u32 s15;
	[tilespmem:s15+$0x100] =	vst v14;
	v2 =	vmov s17;
	v11 =	vmov s31;
	v5 =	vld.idx.msk [tilespmem:v18+s26+$0x0], $0xffff;
	v10 =	vor.u32 v1, v10  }
.LBB2_11:
0xc2: {  	p0 =	slt.u32 s21, $0x38;
	v13 =	vmov s7;
	s7 =	sadd.s32 $0x3, s17;
	s8 =	sadd.s32 $0x4, s17;
	v14 =	vmov s6;
	v12 =	vor.u32 v1, v12;
	v15 =	vld.idx.msk [tilespmem:v6+s26+$0x0], $0xffff;
	[tilespmem:s18+$0xFFFFFE00] =	vst v4  }
0xc3: {  	s6 =	sadd.s32 $0x5, s17;
	v4 =	vmov s7;
	v6 =	vmov s8;
	v14 =	vand.u32 $0x7F, v14;
	v16 =	vld.idx.msk [tilespmem:v8+s26+$0x0], $0xffff  }
0xc4: {  	v8 =	vand.u32 $0x79, v11;
	v11 =	vmov s6;
	s6 =	sadd.s32 $0x6, s17;
	s17 =	smov.u32 s21;
	v14 =	vbroadcast v14, $0x0;
	v17 =	vld.idx.msk [tilespmem:v9+s26+$0x0], $0xffff  }
0xc5: {  	s18 =	sadd.s32 $0x400, s18;
	v8 =	vbroadcast v8, $0x0;
	v9 =	vand.u32 $0x7A, v13;
	v13 =	vmov s6;
	v18 =	vld.idx.msk [tilespmem:v7+s26+$0x0], $0xffff  }
0xc6: {  	v4 =	vand.u32 $0x7B, v4;
	v7 =	vbroadcast v9, $0x0;
	v14 =	vor.u32 v1, v14;
	v19 =	vld.idx.msk [tilespmem:v10+s26+$0x0], $0xffff;
	[tilespmem:s18+$0x180] =	vst v3  }
0xc7: {  	v10 =	vor.u32 v1, v8;
	v3 =	vbroadcast v4, $0x0;
	v8 =	vand.u32 $0x7C, v6;
	v4 =	vld.idx.msk [tilespmem:v12+s26+$0x0], $0xffff;
	[tilespmem:s18+$0xFFFFFE80] =	vst v5  }
.Ltmp4:
0xc8: {  	v6 =	vor.u32 v1, v7;
	v5 =	vbroadcast v8, $0x0;
	v7 =	vand.u32 $0x7D, v11;
	[tilespmem:s18+$0xFFFFFF00] =	vst v15;
	(pc) =	sbr.rel @p0 .LBB2_11-.Ltmp4, $4  }
0xc9: {  	v8 =	vor.u32 v1, v3;
	v3 =	vbroadcast v7, $0x0;
	v7 =	vand.u32 $0x7E, v13;
	[tilespmem:s18+$0xFFFFFF80] =	vst v16  }
0xca: {  	v2 =	vand.u32 $0x78, v2;
	v9 =	vor.u32 v1, v5;
	v13 =	vbroadcast v7, $0x0;
	[tilespmem:s18+$0x0] =	vst v17  }
0xcb: {  	s6 =	sadd.s32 $0x1, s21;
	v12 =	vbroadcast v2, $0x0;
	v7 =	vor.u32 v1, v3;
	v3 =	vld.idx.msk [tilespmem:v14+s26+$0x0], $0xffff;
	[tilespmem:s18+$0x80] =	vst v18  }
0xcc: {  	s7 =	sadd.s32 $0x2, s17;
	s21 =	sadd.s32 $0x8, s21;
	v2 =	vmov s17;
	v11 =	vmov s6;
	s6 =	sadd.s32 $0x7, s17;
	v5 =	vld.idx.msk [tilespmem:v10+s26+$0x0], $0xffff;
	v10 =	vor.u32 v1, v13;
	[tilespmem:s18+$0x100] =	vst v19  }
0xcd: {  	_ = 	snop  }
0xce: {  	v13 =	vmov s7;
	s21 =	sadd.s32 $0x3, s17;
	s8 =	sadd.s32 $0x4, s17;
	v14 =	vmov s6;
	v12 =	vor.u32 v1, v12  }
0xcf: {  	s23 =	sadd.s32 $0x5, s17;
	v11 =	vand.u32 $0x79, v11;
	v15 =	vmov s21;
	v16 =	vmov s8  }
0xd0: {  	s25 =	sadd.s32 $0x6, s17;
	v14 =	vand.u32 $0x7F, v14;
	v17 =	vmov s23;
	v11 =	vbroadcast v11, $0x0  }
0xd1: {  	v6 =	vld.idx.msk [tilespmem:v6+s26+$0x0], $0xffff;
	v13 =	vand.u32 $0x7A, v13;
	v18 =	vmov s25;
	v14 =	vbroadcast v14, $0x0  }
0xd2: {  	v8 =	vld.idx.msk [tilespmem:v8+s26+$0x0], $0xffff;
	v13 =	vbroadcast v13, $0x0;
	v15 =	vand.u32 $0x7B, v15;
	v47 =	vor.u32 v1, v11  }
0xd3: {  	[tilespmem:s18+$0xFFFFFE00] =	vst v4;
	v46 =	vld.idx.msk [tilespmem:v9+s26+$0x0], $0xffff;
	s31 =	sadd.s32 $0x400, s18;
	v49 =	vand.u32 $0x7C, v16;
	v48 =	vbroadcast v15, $0x0;
	v14 =	vor.u32 v1, v14  }
0xd4: {  	v7 =	vld.idx.msk [tilespmem:v7+s26+$0x0], $0xffff;
	v51 =	vand.u32 $0x7D, v17;
	[tilespmem:s31+$0x180] =	vst v3;
	v50 =	vbroadcast v49, $0x0;
	v3 =	vor.u32 v1, v13  }
0xd5: {  	v10 =	vld.idx.msk [tilespmem:v10+s26+$0x0], $0xffff;
	v54 =	vand.u32 $0x7E, v18;
	v53 =	vbroadcast v51, $0x0;
	[tilespmem:s31+$0xFFFFFE80] =	vst v5;
	v52 =	vor.u32 v1, v48  }
0xd6: {  	v2 =	vand.u32 $0x78, v2;
	v56 =	vbroadcast v54, $0x0;
	v12 =	vld.idx.msk [tilespmem:v12+s26+$0x0], $0xffff;
	[tilespmem:s31+$0xFFFFFF00] =	vst v6;
	v55 =	vor.u32 v1, v50  }
0xd7: {  	v2 =	vbroadcast v2, $0x0;
	[tilespmem:s31+$0xFFFFFF80] =	vst v8;
	v57 =	vor.u32 v1, v53;
	v59 =	vld.idx.msk [tilespmem:v47+s26+$0x0], $0xffff  }
0xd8: {  	[tilespmem:s31+$0x0] =	vst v46;
	v60 =	vor.u32 v1, v56;
	v58 =	vld.idx.msk [tilespmem:v14+s26+$0x0], $0xffff  }
0xd9: {  	[tilespmem:s31+$0x80] =	vst v7;
	v1 =	vor.u32 v1, v2;
	v2 =	vld.idx.msk [tilespmem:v3+s26+$0x0], $0xffff  }
0xda: {  	[tilespmem:s31+$0x100] =	vst v10;
	v3 =	vld.idx.msk [tilespmem:v52+s26+$0x0], $0xffff  }
0xdb: {  	s6 =	sadd.s32 $0x400, s31;
	[tilespmem:s31+$0xFFFFFE00] =	vst v12;
	v61 =	vld.idx.msk [tilespmem:v55+s26+$0x0], $0xffff  }
0xdc: {  	v62 =	vld.idx.msk [tilespmem:v57+s26+$0x0], $0xffff;
	[tilespmem:s6+$0xFFFFFE80] =	vst v59  }
0xdd: {  	s16 =	sadd.s32 $0x1, s16;
	v63 =	vld.idx.msk [tilespmem:v60+s26+$0x0], $0xffff;
	[tilespmem:s6+$0x180] =	vst v58  }
0xde: {  	p0 =	sne.s32 s16, $0x8;
	v1 =	vld.idx.msk [tilespmem:v1+s26+$0x0], $0xffff;
	[tilespmem:s6+$0xFFFFFF00] =	vst v2  }
.Ltmp5:
0xdf: {  	[tilespmem:s6+$0xFFFFFF80] =	vst v3;
	(pc) =	sbr.rel @p0 .LBB2_10-.Ltmp5, $4  }
0xe0: {  	[tilespmem:s6+$0x0] =	vst v61  }
0xe1: {  	[tilespmem:s6+$0x80] =	vst v62  }
0xe2: {  	[tilespmem:s6+$0x100] =	vst v63  }
0xe3: {  	s15 =	sadd.s32 $0x10, s15;
	[tilespmem:s6+$0xFFFFFE00] =	vst v1  }
0xe4: {  	s6 =	rddreg [dreg:$0x8]  }
0xe5: {  	[hbm4b:s6+s20] =	stream.strided.scatter [tilespmem:s29], [sflag:$0x7], $0x2000, s28, s20, $0x38;
	[tilespmem:$0x14400] =	vst v63  }
0xe6: {  	_ =	swait.ge [sflag:s11], $0x4000  }
0xe7: {  	[sflag:s11] =	ssyncset.done $0x0  }
0xe8: {  	s31 =	simm.s32 $0x280;
	[sflag:s11] =	ssyncadd.s32 $0xFFFFC000  }
0xe9: {  	[tilespmem:s22], [sflag:$0x4] =	stream.indirect.gather [hbm4b:s4+s19], $0x80, s31, s19, $0xb8;
	[tilespmem:$0x14400] =	vst v63  }
0xea: {  	_ =	swait.ge [sflag:s14], $0x2000  }
0xeb: {  	s13 =	simm.s32 $0x0;
	[sflag:s14] =	ssyncset.done $0x0  }
0xec: {  	s15 =	simm.s32 $0x12600;
	s16 =	simm.s32 $0x0;
	[sflag:s14] =	ssyncadd.s32 $0xFFFFE000  }
.LBB2_14:
0xed: {  	s6 =	sshll.u32 s16, $0x4;
	s18 =	simm.s32 $0x1;
	s21 =	simm.s32 $0x2  }
0xee: {  	s7 =	simm.s32 $0x7;
	s8 =	simm.s32 $0x3;
	s23 =	simm.s32 $0x4;
	v1 =	vmov s6;
	v3 =	vmov s18;
	v4 =	vmov s21  }
0xef: {  	s25 =	simm.s32 $0x5;
	s31 =	simm.s32 $0x6;
	v5 =	vmov s7;
	v6 =	vmov s8;
	v7 =	vmov s23  }
0xf0: {  	v8 =	vmov s25;
	v9 =	vmov s31;
	v5 =	vand.u32 $0x7F, v5  }
0xf1: {  	v1 =	vshll.u32 v1, $0x7;
	v3 =	vand.u32 $0x79, v3;
	v5 =	vbroadcast v5, $0x0  }
0xf2: {  	v4 =	vand.u32 $0x7A, v4;
	v1 =	vor.u32 v0, v1;
	v3 =	vbroadcast v3, $0x0  }
0xf3: {  	v6 =	vand.u32 $0x7B, v6;
	v4 =	vbroadcast v4, $0x0;
	v5 =	vor.u32 v1, v5  }
0xf4: {  	v7 =	vand.u32 $0x7C, v7;
	v6 =	vbroadcast v6, $0x0;
	v3 =	vor.u32 v1, v3  }
0xf5: {  	v8 =	vand.u32 $0x7D, v8;
	v7 =	vbroadcast v7, $0x0;
	v4 =	vor.u32 v1, v4  }
0xf6: {  	v9 =	vand.u32 $0x7E, v9;
	v8 =	vbroadcast v8, $0x0;
	v6 =	vor.u32 v1, v6  }
0xf7: {  	v2 =	vmov s13;
	s12 =	simm.s32 $0xA;
	v9 =	vbroadcast v9, $0x0;
	v7 =	vor.u32 v1, v7  }
0xf8: {  	s17 =	simm.s32 $0xF;
	v2 =	vand.u32 $0x78, v2;
	v12 =	vmov s12;
	v8 =	vor.u32 v1, v8;
	v5 =	vld.idx.msk [tilespmem:v5+s0+$0x0], $0xffff  }
0xf9: {  	s7 =	simm.s32 $0x8;
	s8 =	simm.s32 $0x9;
	s18 =	simm.s32 $0xB;
	v13 =	vmov s17;
	v2 =	vbroadcast v2, $0x0;
	v9 =	vor.u32 v1, v9;
	v3 =	vld.idx.msk [tilespmem:v3+s0+$0x0], $0xffff  }
0xfa: {  	s21 =	simm.s32 $0xC;
	v10 =	vmov s7;
	v11 =	vmov s8;
	v14 =	vmov s18;
	v4 =	vld.idx.msk [tilespmem:v4+s0+$0x0], $0xffff  }
0xfb: {  	v13 =	vand.u32 $0x7F, v13;
	v15 =	vmov s21;
	v2 =	vor.u32 v1, v2;
	v16 =	vld.idx.msk [tilespmem:v6+s0+$0x0], $0xffff  }
0xfc: {  	v12 =	vand.u32 $0x7A, v12;
	v6 =	vand.u32 $0x79, v11;
	v11 =	vbroadcast v13, $0x0;
	v7 =	vld.idx.msk [tilespmem:v7+s0+$0x0], $0xffff  }
0xfd: {  	s23 =	simm.s32 $0xD;
	v17 =	vld.idx.msk [tilespmem:v8+s0+$0x0], $0xffff;
	v8 =	vbroadcast v12, $0x0;
	v12 =	vand.u32 $0x7B, v14;
	v6 =	vbroadcast v6, $0x0  }
0xfe: {  	v13 =	vmov s23;
	v14 =	vld.idx.msk [tilespmem:v9+s0+$0x0], $0xffff;
	v9 =	vbroadcast v12, $0x0;
	v11 =	vor.u32 v1, v11;
	[tilespmem:s15+$0x180] =	vst v5  }
0xff: {  	s25 =	simm.s32 $0xE;
	v18 =	vor.u32 v1, v6;
	v6 =	vor.u32 v1, v8;
	[tilespmem:s15+$0xFFFFFE80] =	vst v3;
	v3 =	vand.u32 $0x7C, v15  }
0x100: {  	v8 =	vand.u32 $0x7D, v13;
	v5 =	vmov s25;
	[tilespmem:s15+$0xFFFFFF00] =	vst v4;
	v4 =	vld.idx.msk [tilespmem:v2+s0+$0x0], $0xffff;
	v3 =	vbroadcast v3, $0x0  }
0x101: {  	v13 =	vbroadcast v8, $0x0;
	v8 =	vor.u32 v1, v9;
	[tilespmem:s15+$0xFFFFFF80] =	vst v16;
	v5 =	vand.u32 $0x7E, v5  }
0x102: {  	v2 =	vand.u32 $0x78, v10;
	[tilespmem:s15+$0x0] =	vst v7;
	v10 =	vbroadcast v5, $0x0;
	v9 =	vor.u32 v1, v3  }
0x103: {  	s17 =	simm.s32 $0x10;
	s31 =	simm.s32 $0x11;
	s6 =	simm.s32 $0x17;
	[tilespmem:s15+$0x80] =	vst v17;
	v12 =	vbroadcast v2, $0x0;
	v7 =	vor.u32 v1, v13;
	v3 =	vld.idx.msk [tilespmem:v11+s0+$0x0], $0xffff  }
0x104: {  	s7 =	simm.s32 $0x12;
	s21 =	simm.s32 $0x18;
	s18 =	smov.u32 s15;
	[tilespmem:s15+$0x100] =	vst v14;
	v2 =	vmov s17;
	v11 =	vmov s31;
	v5 =	vld.idx.msk [tilespmem:v18+s0+$0x0], $0xffff;
	v10 =	vor.u32 v1, v10  }
.LBB2_15:
0x105: {  	p0 =	slt.u32 s21, $0x38;
	v13 =	vmov s7;
	s7 =	sadd.s32 $0x3, s17;
	s8 =	sadd.s32 $0x4, s17;
	v14 =	vmov s6;
	v12 =	vor.u32 v1, v12;
	v15 =	vld.idx.msk [tilespmem:v6+s0+$0x0], $0xffff;
	[tilespmem:s18+$0xFFFFFE00] =	vst v4  }
0x106: {  	s6 =	sadd.s32 $0x5, s17;
	v4 =	vmov s7;
	v6 =	vmov s8;
	v14 =	vand.u32 $0x7F, v14;
	v16 =	vld.idx.msk [tilespmem:v8+s0+$0x0], $0xffff  }
0x107: {  	v8 =	vand.u32 $0x79, v11;
	v11 =	vmov s6;
	s6 =	sadd.s32 $0x6, s17;
	s17 =	smov.u32 s21;
	v14 =	vbroadcast v14, $0x0;
	v17 =	vld.idx.msk [tilespmem:v9+s0+$0x0], $0xffff  }
0x108: {  	s18 =	sadd.s32 $0x400, s18;
	v8 =	vbroadcast v8, $0x0;
	v9 =	vand.u32 $0x7A, v13;
	v13 =	vmov s6;
	v18 =	vld.idx.msk [tilespmem:v7+s0+$0x0], $0xffff  }
0x109: {  	v4 =	vand.u32 $0x7B, v4;
	v7 =	vbroadcast v9, $0x0;
	v14 =	vor.u32 v1, v14;
	v19 =	vld.idx.msk [tilespmem:v10+s0+$0x0], $0xffff;
	[tilespmem:s18+$0x180] =	vst v3  }
0x10a: {  	v10 =	vor.u32 v1, v8;
	v3 =	vbroadcast v4, $0x0;
	v8 =	vand.u32 $0x7C, v6;
	v4 =	vld.idx.msk [tilespmem:v12+s0+$0x0], $0xffff;
	[tilespmem:s18+$0xFFFFFE80] =	vst v5  }
.Ltmp6:
0x10b: {  	v6 =	vor.u32 v1, v7;
	v5 =	vbroadcast v8, $0x0;
	v7 =	vand.u32 $0x7D, v11;
	[tilespmem:s18+$0xFFFFFF00] =	vst v15;
	(pc) =	sbr.rel @p0 .LBB2_15-.Ltmp6, $4  }
0x10c: {  	v8 =	vor.u32 v1, v3;
	v3 =	vbroadcast v7, $0x0;
	v7 =	vand.u32 $0x7E, v13;
	[tilespmem:s18+$0xFFFFFF80] =	vst v16  }
0x10d: {  	v2 =	vand.u32 $0x78, v2;
	v9 =	vor.u32 v1, v5;
	v13 =	vbroadcast v7, $0x0;
	[tilespmem:s18+$0x0] =	vst v17  }
0x10e: {  	s6 =	sadd.s32 $0x1, s21;
	v12 =	vbroadcast v2, $0x0;
	v7 =	vor.u32 v1, v3;
	v3 =	vld.idx.msk [tilespmem:v14+s0+$0x0], $0xffff;
	[tilespmem:s18+$0x80] =	vst v18  }
0x10f: {  	s7 =	sadd.s32 $0x2, s17;
	s21 =	sadd.s32 $0x8, s21;
	v2 =	vmov s17;
	v11 =	vmov s6;
	s6 =	sadd.s32 $0x7, s17;
	v5 =	vld.idx.msk [tilespmem:v10+s0+$0x0], $0xffff;
	v10 =	vor.u32 v1, v13;
	[tilespmem:s18+$0x100] =	vst v19  }
0x110: {  	_ = 	snop  }
0x111: {  	v13 =	vmov s7;
	s21 =	sadd.s32 $0x3, s17;
	s8 =	sadd.s32 $0x4, s17;
	v14 =	vmov s6;
	v12 =	vor.u32 v1, v12  }
0x112: {  	s23 =	sadd.s32 $0x5, s17;
	v11 =	vand.u32 $0x79, v11;
	v15 =	vmov s21;
	v16 =	vmov s8  }
0x113: {  	s25 =	sadd.s32 $0x6, s17;
	v14 =	vand.u32 $0x7F, v14;
	v17 =	vmov s23;
	v11 =	vbroadcast v11, $0x0  }
0x114: {  	v6 =	vld.idx.msk [tilespmem:v6+s0+$0x0], $0xffff;
	v13 =	vand.u32 $0x7A, v13;
	v18 =	vmov s25;
	v14 =	vbroadcast v14, $0x0  }
0x115: {  	v8 =	vld.idx.msk [tilespmem:v8+s0+$0x0], $0xffff;
	v13 =	vbroadcast v13, $0x0;
	v15 =	vand.u32 $0x7B, v15;
	v47 =	vor.u32 v1, v11  }
0x116: {  	[tilespmem:s18+$0xFFFFFE00] =	vst v4;
	v46 =	vld.idx.msk [tilespmem:v9+s0+$0x0], $0xffff;
	s31 =	sadd.s32 $0x400, s18;
	v49 =	vand.u32 $0x7C, v16;
	v48 =	vbroadcast v15, $0x0;
	v14 =	vor.u32 v1, v14  }
0x117: {  	v7 =	vld.idx.msk [tilespmem:v7+s0+$0x0], $0xffff;
	v51 =	vand.u32 $0x7D, v17;
	[tilespmem:s31+$0x180] =	vst v3;
	v50 =	vbroadcast v49, $0x0;
	v3 =	vor.u32 v1, v13  }
0x118: {  	v10 =	vld.idx.msk [tilespmem:v10+s0+$0x0], $0xffff;
	v54 =	vand.u32 $0x7E, v18;
	v53 =	vbroadcast v51, $0x0;
	[tilespmem:s31+$0xFFFFFE80] =	vst v5;
	v52 =	vor.u32 v1, v48  }
0x119: {  	v2 =	vand.u32 $0x78, v2;
	v56 =	vbroadcast v54, $0x0;
	v12 =	vld.idx.msk [tilespmem:v12+s0+$0x0], $0xffff;
	[tilespmem:s31+$0xFFFFFF00] =	vst v6;
	v55 =	vor.u32 v1, v50  }
0x11a: {  	v2 =	vbroadcast v2, $0x0;
	[tilespmem:s31+$0xFFFFFF80] =	vst v8;
	v57 =	vor.u32 v1, v53;
	v59 =	vld.idx.msk [tilespmem:v47+s0+$0x0], $0xffff  }
0x11b: {  	[tilespmem:s31+$0x0] =	vst v46;
	v60 =	vor.u32 v1, v56;
	v58 =	vld.idx.msk [tilespmem:v14+s0+$0x0], $0xffff  }
0x11c: {  	[tilespmem:s31+$0x80] =	vst v7;
	v1 =	vor.u32 v1, v2;
	v2 =	vld.idx.msk [tilespmem:v3+s0+$0x0], $0xffff  }
0x11d: {  	[tilespmem:s31+$0x100] =	vst v10;
	v3 =	vld.idx.msk [tilespmem:v52+s0+$0x0], $0xffff  }
0x11e: {  	s6 =	sadd.s32 $0x400, s31;
	[tilespmem:s31+$0xFFFFFE00] =	vst v12;
	v61 =	vld.idx.msk [tilespmem:v55+s0+$0x0], $0xffff  }
0x11f: {  	v62 =	vld.idx.msk [tilespmem:v57+s0+$0x0], $0xffff;
	[tilespmem:s6+$0xFFFFFE80] =	vst v59  }
0x120: {  	s16 =	sadd.s32 $0x1, s16;
	v63 =	vld.idx.msk [tilespmem:v60+s0+$0x0], $0xffff;
	[tilespmem:s6+$0x180] =	vst v58  }
0x121: {  	p0 =	sne.s32 s16, $0x8;
	v1 =	vld.idx.msk [tilespmem:v1+s0+$0x0], $0xffff;
	[tilespmem:s6+$0xFFFFFF00] =	vst v2  }
.Ltmp7:
0x122: {  	[tilespmem:s6+$0xFFFFFF80] =	vst v3;
	(pc) =	sbr.rel @p0 .LBB2_14-.Ltmp7, $4  }
0x123: {  	[tilespmem:s6+$0x0] =	vst v61  }
0x124: {  	[tilespmem:s6+$0x80] =	vst v62  }
0x125: {  	[tilespmem:s6+$0x100] =	vst v63  }
0x126: {  	s15 =	sadd.s32 $0x10, s15;
	[tilespmem:s6+$0xFFFFFE00] =	vst v1  }
0x127: {  	s6 =	rddreg [dreg:$0xc];
	s17 =	simm.s32 $0x0  }
0x128: {  	[hbm4b:s6+s20] =	stream.strided.scatter [tilespmem:s2], [sflag:$0x8], $0x2000, s28, s20, $0x38;
	[tilespmem:$0x14400] =	vst v63  }
.LBB2_18:
0x129: {  	s31 =	sshll.u32 s17, $0x1  }
0x12a: {  	s25 =	sadd.s32 $0x2, s31  }
0x12b: {  	s6 =	sshll.u32 s25, $0x4;
	s7 =	sshll.u32 s25, $0xB  }
0x12c: {  	s6 =	sand.u32 $0x60, s6;
	s7 =	sand.u32 $0x3C000, s7  }
0x12d: {  	s6 =	sor.u32 s6, s7  }
0x12e: {  	s21 =	simm.s32 $0x0;
	s6 =	sadd.s32 s6, s5  }
0x12f: {  	[tilespmem:s21], [sflag:$0x1] =	stream.strided.gather [hbm4b:s6+s19], $0x200, s20, s19, $0x38;
	[tilespmem:$0x14400] =	vst v63  }
0x130: {  	_ =	swait.ge [sflag:s24], $0x4000  }
0x131: {  	[sflag:s24] =	ssyncset.done $0x0  }
0x132: {  	s23 =	simm.s32 $0x300;
	[sflag:s24] =	ssyncadd.s32 $0xFFFFC000  }
0x133: {  	[tilespmem:s26], [sflag:$0x5] =	stream.indirect.gather [hbm4b:s4+s19], $0x80, s23, s19, $0xb8;
	[tilespmem:$0x14400] =	vst v63  }
0x134: {  	_ =	swait.ge [sflag:s10], $0x2000  }
0x135: {  	[sflag:s10] =	ssyncset.done $0x0  }
0x136: {  	s13 =	simm.s32 $0x10600;
	s15 =	simm.s32 $0x0;
	[sflag:s10] =	ssyncadd.s32 $0xFFFFE000  }
.LBB2_19:
0x137: {  	s6 =	sshll.u32 s15, $0x4  }
0x138: {  	s18 =	simm.s32 $0x0;
	s7 =	simm.s32 $0x1;
	s21 =	simm.s32 $0x2;
	v1 =	vmov s6  }
0x139: {  	s23 =	simm.s32 $0x7;
	s8 =	simm.s32 $0x3;
	s12 =	simm.s32 $0x4;
	v2 =	vmov s18;
	v3 =	vmov s7;
	v4 =	vmov s21  }
0x13a: {  	s16 =	simm.s32 $0x5;
	v5 =	vmov s23;
	v6 =	vmov s8;
	v7 =	vmov s12  }
0x13b: {  	v8 =	vmov s16;
	v1 =	vshll.u32 v1, $0x7;
	v5 =	vand.u32 $0x7F, v5  }
0x13c: {  	v3 =	vand.u32 $0x79, v3;
	v4 =	vand.u32 $0x7A, v4;
	v5 =	vbroadcast v5, $0x0  }
0x13d: {  	s18 =	simm.s32 $0x6;
	v6 =	vand.u32 $0x7B, v6;
	v1 =	vor.u32 v0, v1;
	v3 =	vbroadcast v3, $0x0  }
0x13e: {  	v9 =	vmov s18;
	v4 =	vbroadcast v4, $0x0;
	v5 =	vor.u32 v1, v5  }
0x13f: {  	v7 =	vand.u32 $0x7C, v7;
	v6 =	vbroadcast v6, $0x0;
	v3 =	vor.u32 v1, v3  }
0x140: {  	v8 =	vand.u32 $0x7D, v8;
	v7 =	vbroadcast v7, $0x0;
	v4 =	vor.u32 v1, v4  }
0x141: {  	v8 =	vbroadcast v8, $0x0;
	v9 =	vand.u32 $0x7E, v9;
	v6 =	vor.u32 v1, v6  }
0x142: {  	s21 =	simm.s32 $0x8;
	v9 =	vbroadcast v9, $0x0;
	v7 =	vor.u32 v1, v7  }
0x143: {  	s23 =	simm.s32 $0x9;
	v2 =	vand.u32 $0x78, v2;
	v10 =	vmov s21;
	v8 =	vor.u32 v1, v8;
	v5 =	vld.idx.msk [tilespmem:v5+s20+$0x0], $0xffff  }
0x144: {  	s7 =	simm.s32 $0xA;
	s8 =	simm.s32 $0xF;
	s12 =	simm.s32 $0xB;
	v11 =	vmov s23;
	v2 =	vbroadcast v2, $0x0;
	v9 =	vor.u32 v1, v9;
	v3 =	vld.idx.msk [tilespmem:v3+s20+$0x0], $0xffff  }
0x145: {  	s16 =	simm.s32 $0xC;
	v12 =	vmov s7;
	v13 =	vmov s8;
	v14 =	vmov s12;
	v4 =	vld.idx.msk [tilespmem:v4+s20+$0x0], $0xffff  }
0x146: {  	v15 =	vmov s16;
	v13 =	vand.u32 $0x7F, v13;
	v2 =	vor.u32 v1, v2;
	v16 =	vld.idx.msk [tilespmem:v6+s20+$0x0], $0xffff  }
0x147: {  	v12 =	vand.u32 $0x7A, v12;
	v6 =	vand.u32 $0x79, v11;
	v11 =	vbroadcast v13, $0x0;
	v7 =	vld.idx.msk [tilespmem:v7+s20+$0x0], $0xffff  }
0x148: {  	s18 =	simm.s32 $0xD;
	v17 =	vld.idx.msk [tilespmem:v8+s20+$0x0], $0xffff;
	v8 =	vbroadcast v12, $0x0;
	v12 =	vand.u32 $0x7B, v14;
	v6 =	vbroadcast v6, $0x0  }
0x149: {  	v13 =	vmov s18;
	v14 =	vld.idx.msk [tilespmem:v9+s20+$0x0], $0xffff;
	v9 =	vbroadcast v12, $0x0;
	v11 =	vor.u32 v1, v11;
	[tilespmem:s13+$0x180] =	vst v5  }
0x14a: {  	s21 =	simm.s32 $0xE;
	v18 =	vor.u32 v1, v6;
	v6 =	vor.u32 v1, v8;
	[tilespmem:s13+$0xFFFFFE80] =	vst v3;
	v3 =	vand.u32 $0x7C, v15  }
0x14b: {  	v8 =	vand.u32 $0x7D, v13;
	v5 =	vmov s21;
	[tilespmem:s13+$0xFFFFFF00] =	vst v4;
	v4 =	vld.idx.msk [tilespmem:v2+s20+$0x0], $0xffff;
	v3 =	vbroadcast v3, $0x0  }
0x14c: {  	v13 =	vbroadcast v8, $0x0;
	v8 =	vor.u32 v1, v9;
	[tilespmem:s13+$0xFFFFFF80] =	vst v16;
	v5 =	vand.u32 $0x7E, v5  }
0x14d: {  	v2 =	vand.u32 $0x78, v10;
	[tilespmem:s13+$0x0] =	vst v7;
	v10 =	vbroadcast v5, $0x0;
	v9 =	vor.u32 v1, v3  }
0x14e: {  	s6 =	simm.s32 $0x17;
	s16 =	simm.s32 $0x10;
	s23 =	simm.s32 $0x11;
	[tilespmem:s13+$0x80] =	vst v17;
	v12 =	vbroadcast v2, $0x0;
	v7 =	vor.u32 v1, v13;
	v3 =	vld.idx.msk [tilespmem:v11+s20+$0x0], $0xffff  }
0x14f: {  	s7 =	simm.s32 $0x12;
	s18 =	smov.u32 s13;
	s21 =	simm.s32 $0x18;
	v2 =	vmov s16;
	[tilespmem:s13+$0x100] =	vst v14;
	v11 =	vmov s23;
	v5 =	vld.idx.msk [tilespmem:v18+s20+$0x0], $0xffff;
	v10 =	vor.u32 v1, v10  }
.LBB2_20:
0x150: {  	p0 =	slt.u32 s21, $0x38;
	v13 =	vmov s7;
	s7 =	sadd.s32 $0x3, s16;
	s8 =	sadd.s32 $0x4, s16;
	v14 =	vmov s6;
	v12 =	vor.u32 v1, v12;
	v15 =	vld.idx.msk [tilespmem:v6+s20+$0x0], $0xffff;
	[tilespmem:s18+$0xFFFFFE00] =	vst v4  }
0x151: {  	s6 =	sadd.s32 $0x5, s16;
	v4 =	vmov s7;
	v6 =	vmov s8;
	v14 =	vand.u32 $0x7F, v14;
	v16 =	vld.idx.msk [tilespmem:v8+s20+$0x0], $0xffff  }
0x152: {  	v8 =	vand.u32 $0x79, v11;
	v11 =	vmov s6;
	s6 =	sadd.s32 $0x6, s16;
	s16 =	smov.u32 s21;
	v14 =	vbroadcast v14, $0x0;
	v17 =	vld.idx.msk [tilespmem:v9+s20+$0x0], $0xffff  }
0x153: {  	s18 =	sadd.s32 $0x400, s18;
	v8 =	vbroadcast v8, $0x0;
	v9 =	vand.u32 $0x7A, v13;
	v13 =	vmov s6;
	v18 =	vld.idx.msk [tilespmem:v7+s20+$0x0], $0xffff  }
0x154: {  	v4 =	vand.u32 $0x7B, v4;
	v7 =	vbroadcast v9, $0x0;
	v14 =	vor.u32 v1, v14;
	v19 =	vld.idx.msk [tilespmem:v10+s20+$0x0], $0xffff;
	[tilespmem:s18+$0x180] =	vst v3  }
0x155: {  	v10 =	vor.u32 v1, v8;
	v3 =	vbroadcast v4, $0x0;
	v8 =	vand.u32 $0x7C, v6;
	v4 =	vld.idx.msk [tilespmem:v12+s20+$0x0], $0xffff;
	[tilespmem:s18+$0xFFFFFE80] =	vst v5  }
.Ltmp8:
0x156: {  	v6 =	vor.u32 v1, v7;
	v5 =	vbroadcast v8, $0x0;
	v7 =	vand.u32 $0x7D, v11;
	[tilespmem:s18+$0xFFFFFF00] =	vst v15;
	(pc) =	sbr.rel @p0 .LBB2_20-.Ltmp8, $4  }
0x157: {  	v8 =	vor.u32 v1, v3;
	v3 =	vbroadcast v7, $0x0;
	v7 =	vand.u32 $0x7E, v13;
	[tilespmem:s18+$0xFFFFFF80] =	vst v16  }
0x158: {  	v2 =	vand.u32 $0x78, v2;
	v9 =	vor.u32 v1, v5;
	v13 =	vbroadcast v7, $0x0;
	[tilespmem:s18+$0x0] =	vst v17  }
0x159: {  	s6 =	sadd.s32 $0x1, s21;
	v12 =	vbroadcast v2, $0x0;
	v7 =	vor.u32 v1, v3;
	v3 =	vld.idx.msk [tilespmem:v14+s20+$0x0], $0xffff;
	[tilespmem:s18+$0x80] =	vst v18  }
0x15a: {  	s7 =	sadd.s32 $0x2, s16;
	s21 =	sadd.s32 $0x8, s21;
	v2 =	vmov s16;
	v11 =	vmov s6;
	s6 =	sadd.s32 $0x7, s16;
	v5 =	vld.idx.msk [tilespmem:v10+s20+$0x0], $0xffff;
	v10 =	vor.u32 v1, v13;
	[tilespmem:s18+$0x100] =	vst v19  }
0x15b: {  	_ = 	snop  }
0x15c: {  	v13 =	vmov s7;
	s23 =	sadd.s32 $0x3, s16;
	s8 =	sadd.s32 $0x4, s16;
	v14 =	vmov s6;
	v12 =	vor.u32 v1, v12  }
0x15d: {  	s12 =	sadd.s32 $0x5, s16;
	v11 =	vand.u32 $0x79, v11;
	v15 =	vmov s23;
	v16 =	vmov s8  }
0x15e: {  	s21 =	sadd.s32 $0x6, s16;
	v14 =	vand.u32 $0x7F, v14;
	v17 =	vmov s12;
	v11 =	vbroadcast v11, $0x0  }
0x15f: {  	v6 =	vld.idx.msk [tilespmem:v6+s20+$0x0], $0xffff;
	v13 =	vand.u32 $0x7A, v13;
	v18 =	vmov s21;
	v14 =	vbroadcast v14, $0x0  }
0x160: {  	v8 =	vld.idx.msk [tilespmem:v8+s20+$0x0], $0xffff;
	v13 =	vbroadcast v13, $0x0;
	v15 =	vand.u32 $0x7B, v15;
	v47 =	vor.u32 v1, v11  }
0x161: {  	[tilespmem:s18+$0xFFFFFE00] =	vst v4;
	v46 =	vld.idx.msk [tilespmem:v9+s20+$0x0], $0xffff;
	s23 =	sadd.s32 $0x400, s18;
	v49 =	vand.u32 $0x7C, v16;
	v48 =	vbroadcast v15, $0x0;
	v14 =	vor.u32 v1, v14  }
0x162: {  	v7 =	vld.idx.msk [tilespmem:v7+s20+$0x0], $0xffff;
	v51 =	vand.u32 $0x7D, v17;
	[tilespmem:s23+$0x180] =	vst v3;
	v50 =	vbroadcast v49, $0x0;
	v3 =	vor.u32 v1, v13  }
0x163: {  	v10 =	vld.idx.msk [tilespmem:v10+s20+$0x0], $0xffff;
	v54 =	vand.u32 $0x7E, v18;
	v53 =	vbroadcast v51, $0x0;
	[tilespmem:s23+$0xFFFFFE80] =	vst v5;
	v52 =	vor.u32 v1, v48  }
0x164: {  	v2 =	vand.u32 $0x78, v2;
	v56 =	vbroadcast v54, $0x0;
	v12 =	vld.idx.msk [tilespmem:v12+s20+$0x0], $0xffff;
	[tilespmem:s23+$0xFFFFFF00] =	vst v6;
	v55 =	vor.u32 v1, v50  }
0x165: {  	v2 =	vbroadcast v2, $0x0;
	[tilespmem:s23+$0xFFFFFF80] =	vst v8;
	v57 =	vor.u32 v1, v53;
	v59 =	vld.idx.msk [tilespmem:v47+s20+$0x0], $0xffff  }
0x166: {  	[tilespmem:s23+$0x0] =	vst v46;
	v60 =	vor.u32 v1, v56;
	v58 =	vld.idx.msk [tilespmem:v14+s20+$0x0], $0xffff  }
0x167: {  	[tilespmem:s23+$0x80] =	vst v7;
	v1 =	vor.u32 v1, v2;
	v2 =	vld.idx.msk [tilespmem:v3+s20+$0x0], $0xffff  }
0x168: {  	[tilespmem:s23+$0x100] =	vst v10;
	v3 =	vld.idx.msk [tilespmem:v52+s20+$0x0], $0xffff  }
0x169: {  	s6 =	sadd.s32 $0x400, s23;
	[tilespmem:s23+$0xFFFFFE00] =	vst v12;
	v61 =	vld.idx.msk [tilespmem:v55+s20+$0x0], $0xffff  }
0x16a: {  	v62 =	vld.idx.msk [tilespmem:v57+s20+$0x0], $0xffff;
	[tilespmem:s6+$0xFFFFFE80] =	vst v59  }
0x16b: {  	s15 =	sadd.s32 $0x1, s15;
	v63 =	vld.idx.msk [tilespmem:v60+s20+$0x0], $0xffff;
	[tilespmem:s6+$0x180] =	vst v58  }
0x16c: {  	p0 =	sne.s32 s15, $0x8;
	v1 =	vld.idx.msk [tilespmem:v1+s20+$0x0], $0xffff;
	[tilespmem:s6+$0xFFFFFF00] =	vst v2  }
.Ltmp9:
0x16d: {  	[tilespmem:s6+$0xFFFFFF80] =	vst v3;
	(pc) =	sbr.rel @p0 .LBB2_19-.Ltmp9, $4  }
0x16e: {  	[tilespmem:s6+$0x0] =	vst v61  }
0x16f: {  	[tilespmem:s6+$0x80] =	vst v62  }
0x170: {  	[tilespmem:s6+$0x100] =	vst v63  }
0x171: {  	s13 =	sadd.s32 $0x10, s13;
	[tilespmem:s6+$0xFFFFFE00] =	vst v1  }
0x172: {  	s6 =	sshll.u32 s17, $0x15  }
0x173: {  	s13 =	sor.u32 $0x100000, s6  }
0x174: {  	s6 =	sshrl.u32 s13, $0x3  }
0x175: {  	s6 =	sadd.s32 s6, s9  }
0x176: {  	[hbm4b:s6+s20] =	stream.strided.scatter [tilespmem:s29], [sflag:$0x7], $0x2000, s28, s20, $0x38;
	[tilespmem:$0x14400] =	vst v63  }
0x177: {  	_ =	swait.ge [sflag:s30], $0x4000  }
0x178: {  	[sflag:s30] =	ssyncset.done $0x0  }
0x179: {  	s23 =	simm.s32 $0x380;
	[sflag:s30] =	ssyncadd.s32 $0xFFFFC000  }
0x17a: {  	[tilespmem:s0], [sflag:$0x6] =	stream.indirect.gather [hbm4b:s4+s19], $0x80, s23, s19, $0xb8;
	[tilespmem:$0x14400] =	vst v63  }
0x17b: {  	_ =	swait.ge [sflag:s14], $0x2000  }
0x17c: {  	s15 =	simm.s32 $0x0;
	[sflag:s14] =	ssyncset.done $0x0  }
0x17d: {  	s21 =	simm.s32 $0x12600;
	s18 =	simm.s32 $0x0;
	[sflag:s14] =	ssyncadd.s32 $0xFFFFE000  }
.LBB2_23:
0x17e: {  	s6 =	sshll.u32 s18, $0x4;
	s12 =	simm.s32 $0x1;
	v2 =	vmov s15;
	s16 =	simm.s32 $0x2  }
0x17f: {  	s7 =	simm.s32 $0x7;
	s8 =	simm.s32 $0x3;
	s23 =	simm.s32 $0x4;
	v1 =	vmov s6;
	v3 =	vmov s12;
	v4 =	vmov s16  }
0x180: {  	v5 =	vmov s7;
	v6 =	vmov s8;
	v7 =	vmov s23  }
0x181: {  	s8 =	simm.s32 $0x5;
	v1 =	vshll.u32 v1, $0x7;
	v5 =	vand.u32 $0x7F, v5;
	v3 =	vand.u32 $0x79, v3  }
0x182: {  	v8 =	vmov s8;
	v4 =	vand.u32 $0x7A, v4;
	v5 =	vbroadcast v5, $0x0  }
0x183: {  	s12 =	simm.s32 $0x6;
	v6 =	vand.u32 $0x7B, v6;
	v1 =	vor.u32 v0, v1;
	v3 =	vbroadcast v3, $0x0  }
0x184: {  	v9 =	vmov s12;
	v4 =	vbroadcast v4, $0x0;
	v5 =	vor.u32 v1, v5  }
0x185: {  	v7 =	vand.u32 $0x7C, v7;
	v6 =	vbroadcast v6, $0x0;
	v3 =	vor.u32 v1, v3  }
0x186: {  	v7 =	vbroadcast v7, $0x0;
	v8 =	vand.u32 $0x7D, v8;
	v4 =	vor.u32 v1, v4  }
0x187: {  	v9 =	vand.u32 $0x7E, v9;
	v8 =	vbroadcast v8, $0x0;
	v6 =	vor.u32 v1, v6  }
0x188: {  	v2 =	vand.u32 $0x78, v2;
	v9 =	vbroadcast v9, $0x0;
	v7 =	vor.u32 v1, v7  }
0x189: {  	s16 =	simm.s32 $0x8;
	s23 =	simm.s32 $0x9;
	v2 =	vbroadcast v2, $0x0;
	v8 =	vor.u32 v1, v8;
	v5 =	vld.idx.msk [tilespmem:v5+s22+$0x0], $0xffff  }
0x18a: {  	v10 =	vmov s16;
	v11 =	vmov s23;
	s8 =	simm.s32 $0xA;
	s12 =	simm.s32 $0xF;
	s16 =	simm.s32 $0xB;
	v9 =	vor.u32 v1, v9;
	v3 =	vld.idx.msk [tilespmem:v3+s22+$0x0], $0xffff  }
0x18b: {  	s23 =	simm.s32 $0xC;
	v12 =	vmov s8;
	v13 =	vmov s12;
	v14 =	vmov s16;
	v4 =	vld.idx.msk [tilespmem:v4+s22+$0x0], $0xffff  }
0x18c: {  	v15 =	vmov s23;
	v2 =	vor.u32 v1, v2;
	v13 =	vand.u32 $0x7F, v13;
	v16 =	vld.idx.msk [tilespmem:v6+s22+$0x0], $0xffff  }
0x18d: {  	v12 =	vand.u32 $0x7A, v12;
	v6 =	vand.u32 $0x79, v11;
	v11 =	vbroadcast v13, $0x0;
	v7 =	vld.idx.msk [tilespmem:v7+s22+$0x0], $0xffff  }
0x18e: {  	s8 =	simm.s32 $0xD;
	v6 =	vbroadcast v6, $0x0;
	v17 =	vld.idx.msk [tilespmem:v8+s22+$0x0], $0xffff;
	v8 =	vbroadcast v12, $0x0;
	v12 =	vand.u32 $0x7B, v14  }
0x18f: {  	v13 =	vmov s8;
	v14 =	vld.idx.msk [tilespmem:v9+s22+$0x0], $0xffff;
	v11 =	vor.u32 v1, v11;
	v9 =	vbroadcast v12, $0x0;
	[tilespmem:s21+$0x180] =	vst v5  }
0x190: {  	s12 =	simm.s32 $0xE;
	v18 =	vor.u32 v1, v6;
	v6 =	vor.u32 v1, v8;
	[tilespmem:s21+$0xFFFFFE80] =	vst v3;
	v3 =	vand.u32 $0x7C, v15  }
0x191: {  	v8 =	vand.u32 $0x7D, v13;
	v5 =	vmov s12;
	[tilespmem:s21+$0xFFFFFF00] =	vst v4;
	v4 =	vld.idx.msk [tilespmem:v2+s22+$0x0], $0xffff;
	v3 =	vbroadcast v3, $0x0  }
0x192: {  	v13 =	vbroadcast v8, $0x0;
	v8 =	vor.u32 v1, v9;
	[tilespmem:s21+$0xFFFFFF80] =	vst v16;
	v5 =	vand.u32 $0x7E, v5  }
0x193: {  	v2 =	vand.u32 $0x78, v10;
	[tilespmem:s21+$0x0] =	vst v7;
	v10 =	vbroadcast v5, $0x0;
	v9 =	vor.u32 v1, v3  }
0x194: {  	s7 =	simm.s32 $0x17;
	s23 =	simm.s32 $0x10;
	s16 =	simm.s32 $0x11;
	v12 =	vbroadcast v2, $0x0;
	v7 =	vor.u32 v1, v13;
	[tilespmem:s21+$0x80] =	vst v17;
	v3 =	vld.idx.msk [tilespmem:v11+s22+$0x0], $0xffff  }
0x195: {  	s6 =	simm.s32 $0x18;
	s8 =	simm.s32 $0x12;
	v2 =	vmov s23;
	[tilespmem:s21+$0x100] =	vst v14;
	v11 =	vmov s16;
	v5 =	vld.idx.msk [tilespmem:v18+s22+$0x0], $0xffff;
	s16 =	smov.u32 s21;
	v10 =	vor.u32 v1, v10  }
.LBB2_24:
0x196: {  	p0 =	slt.u32 s6, $0x38;
	v13 =	vmov s8;
	s8 =	sadd.s32 $0x3, s23;
	s12 =	sadd.s32 $0x4, s23;
	v14 =	vmov s7;
	v12 =	vor.u32 v1, v12;
	v15 =	vld.idx.msk [tilespmem:v6+s22+$0x0], $0xffff;
	[tilespmem:s16+$0xFFFFFE00] =	vst v4  }
0x197: {  	s7 =	sadd.s32 $0x5, s23;
	v4 =	vmov s8;
	v6 =	vmov s12;
	v14 =	vand.u32 $0x7F, v14;
	v16 =	vld.idx.msk [tilespmem:v8+s22+$0x0], $0xffff  }
0x198: {  	v8 =	vand.u32 $0x79, v11;
	v11 =	vmov s7;
	s7 =	sadd.s32 $0x6, s23;
	s23 =	smov.u32 s6;
	v14 =	vbroadcast v14, $0x0;
	v17 =	vld.idx.msk [tilespmem:v9+s22+$0x0], $0xffff  }
0x199: {  	s16 =	sadd.s32 $0x400, s16;
	v8 =	vbroadcast v8, $0x0;
	v9 =	vand.u32 $0x7A, v13;
	v13 =	vmov s7;
	v18 =	vld.idx.msk [tilespmem:v7+s22+$0x0], $0xffff  }
0x19a: {  	v4 =	vand.u32 $0x7B, v4;
	v7 =	vbroadcast v9, $0x0;
	v14 =	vor.u32 v1, v14;
	v19 =	vld.idx.msk [tilespmem:v10+s22+$0x0], $0xffff;
	[tilespmem:s16+$0x180] =	vst v3  }
0x19b: {  	v10 =	vor.u32 v1, v8;
	v3 =	vbroadcast v4, $0x0;
	v8 =	vand.u32 $0x7C, v6;
	v4 =	vld.idx.msk [tilespmem:v12+s22+$0x0], $0xffff;
	[tilespmem:s16+$0xFFFFFE80] =	vst v5  }
.Ltmp10:
0x19c: {  	v6 =	vor.u32 v1, v7;
	v5 =	vbroadcast v8, $0x0;
	v7 =	vand.u32 $0x7D, v11;
	[tilespmem:s16+$0xFFFFFF00] =	vst v15;
	(pc) =	sbr.rel @p0 .LBB2_24-.Ltmp10, $4  }
0x19d: {  	v8 =	vor.u32 v1, v3;
	v3 =	vbroadcast v7, $0x0;
	v7 =	vand.u32 $0x7E, v13;
	[tilespmem:s16+$0xFFFFFF80] =	vst v16  }
0x19e: {  	v2 =	vand.u32 $0x78, v2;
	v9 =	vor.u32 v1, v5;
	v13 =	vbroadcast v7, $0x0;
	[tilespmem:s16+$0x0] =	vst v17  }
0x19f: {  	s7 =	sadd.s32 $0x1, s6;
	v12 =	vbroadcast v2, $0x0;
	v7 =	vor.u32 v1, v3;
	v3 =	vld.idx.msk [tilespmem:v14+s22+$0x0], $0xffff;
	[tilespmem:s16+$0x80] =	vst v18  }
0x1a0: {  	s8 =	sadd.s32 $0x2, s23;
	s6 =	sadd.s32 $0x8, s6;
	v2 =	vmov s23;
	v11 =	vmov s7;
	s7 =	sadd.s32 $0x7, s23;
	v5 =	vld.idx.msk [tilespmem:v10+s22+$0x0], $0xffff;
	v10 =	vor.u32 v1, v13;
	[tilespmem:s16+$0x100] =	vst v19  }
0x1a1: {  	_ = 	snop  }
0x1a2: {  	v13 =	vmov s8;
	s6 =	sadd.s32 $0x3, s23;
	s12 =	sadd.s32 $0x4, s23;
	v14 =	vmov s7;
	v12 =	vor.u32 v1, v12  }
0x1a3: {  	s8 =	sadd.s32 $0x5, s23;
	v11 =	vand.u32 $0x79, v11;
	v15 =	vmov s6;
	v16 =	vmov s12  }
0x1a4: {  	v14 =	vand.u32 $0x7F, v14;
	v17 =	vmov s8;
	s12 =	sadd.s32 $0x6, s23;
	v11 =	vbroadcast v11, $0x0  }
0x1a5: {  	v6 =	vld.idx.msk [tilespmem:v6+s22+$0x0], $0xffff;
	v13 =	vand.u32 $0x7A, v13;
	v14 =	vbroadcast v14, $0x0;
	v18 =	vmov s12  }
0x1a6: {  	v8 =	vld.idx.msk [tilespmem:v8+s22+$0x0], $0xffff;
	v13 =	vbroadcast v13, $0x0;
	v15 =	vand.u32 $0x7B, v15;
	v47 =	vor.u32 v1, v11  }
0x1a7: {  	[tilespmem:s16+$0xFFFFFE00] =	vst v4;
	v46 =	vld.idx.msk [tilespmem:v9+s22+$0x0], $0xffff;
	s23 =	sadd.s32 $0x400, s16;
	v49 =	vand.u32 $0x7C, v16;
	v48 =	vbroadcast v15, $0x0;
	v14 =	vor.u32 v1, v14  }
0x1a8: {  	v7 =	vld.idx.msk [tilespmem:v7+s22+$0x0], $0xffff;
	v51 =	vand.u32 $0x7D, v17;
	[tilespmem:s23+$0x180] =	vst v3;
	v50 =	vbroadcast v49, $0x0;
	v3 =	vor.u32 v1, v13  }
0x1a9: {  	v10 =	vld.idx.msk [tilespmem:v10+s22+$0x0], $0xffff;
	v53 =	vbroadcast v51, $0x0;
	v54 =	vand.u32 $0x7E, v18;
	[tilespmem:s23+$0xFFFFFE80] =	vst v5;
	v52 =	vor.u32 v1, v48  }
0x1aa: {  	v2 =	vand.u32 $0x78, v2;
	v56 =	vbroadcast v54, $0x0;
	v12 =	vld.idx.msk [tilespmem:v12+s22+$0x0], $0xffff;
	[tilespmem:s23+$0xFFFFFF00] =	vst v6;
	v55 =	vor.u32 v1, v50  }
0x1ab: {  	v2 =	vbroadcast v2, $0x0;
	[tilespmem:s23+$0xFFFFFF80] =	vst v8;
	v57 =	vor.u32 v1, v53;
	v59 =	vld.idx.msk [tilespmem:v47+s22+$0x0], $0xffff  }
0x1ac: {  	[tilespmem:s23+$0x0] =	vst v46;
	v60 =	vor.u32 v1, v56;
	v58 =	vld.idx.msk [tilespmem:v14+s22+$0x0], $0xffff  }
0x1ad: {  	[tilespmem:s23+$0x80] =	vst v7;
	v1 =	vor.u32 v1, v2;
	v2 =	vld.idx.msk [tilespmem:v3+s22+$0x0], $0xffff  }
0x1ae: {  	[tilespmem:s23+$0x100] =	vst v10;
	v3 =	vld.idx.msk [tilespmem:v52+s22+$0x0], $0xffff  }
0x1af: {  	s6 =	sadd.s32 $0x400, s23;
	[tilespmem:s23+$0xFFFFFE00] =	vst v12;
	v61 =	vld.idx.msk [tilespmem:v55+s22+$0x0], $0xffff  }
0x1b0: {  	v62 =	vld.idx.msk [tilespmem:v57+s22+$0x0], $0xffff;
	[tilespmem:s6+$0xFFFFFE80] =	vst v59  }
0x1b1: {  	s18 =	sadd.s32 $0x1, s18;
	v63 =	vld.idx.msk [tilespmem:v60+s22+$0x0], $0xffff;
	[tilespmem:s6+$0x180] =	vst v58  }
0x1b2: {  	p0 =	sne.s32 s18, $0x8;
	v1 =	vld.idx.msk [tilespmem:v1+s22+$0x0], $0xffff;
	[tilespmem:s6+$0xFFFFFF00] =	vst v2  }
.Ltmp11:
0x1b3: {  	[tilespmem:s6+$0xFFFFFF80] =	vst v3;
	(pc) =	sbr.rel @p0 .LBB2_23-.Ltmp11, $4  }
0x1b4: {  	[tilespmem:s6+$0x0] =	vst v61  }
0x1b5: {  	[tilespmem:s6+$0x80] =	vst v62  }
0x1b6: {  	[tilespmem:s6+$0x100] =	vst v63  }
0x1b7: {  	s21 =	sadd.s32 $0x10, s21;
	[tilespmem:s6+$0xFFFFFE00] =	vst v1  }
0x1b8: {  	s6 =	rddreg [dreg:$0x5]  }
0x1b9: {  	s6 =	sor.u32 s6, s13  }
0x1ba: {  	s6 =	sshrl.u32 s6, $0x3  }
0x1bb: {  	s6 =	sadd.s32 s1, s6  }
0x1bc: {  	[hbm4b:s6+s20] =	stream.strided.scatter [tilespmem:s2], [sflag:$0x8], $0x2000, s28, s20, $0x38;
	[tilespmem:$0x14400] =	vst v63  }
0x1bd: {  	_ =	swait.ge [sflag:s3], $0x4000  }
0x1be: {  	[sflag:s3] =	ssyncset.done $0x0  }
0x1bf: {  	s23 =	simm.s32 $0x1;
	[sflag:s3] =	ssyncadd.s32 $0xFFFFC000  }
0x1c0: {  	_ =	swait.ge [sflag:s23], $0x200  }
0x1c1: {  	[sflag:s23] =	ssyncset.done $0x0  }
0x1c2: {  	s15 =	simm.s32 $0x0;
	[sflag:s23] =	ssyncadd.s32 $0xFFFFFE00  }
0x1c3: {  	[tilespmem:s20], [sflag:$0x3] =	stream.indirect.gather [hbm4b:s4+s19], $0x80, s15, s19, $0xb8;
	[tilespmem:$0x14400] =	vst v63  }
0x1c4: {  	_ =	swait.ge [sflag:s10], $0x2000  }
0x1c5: {  	[sflag:s10] =	ssyncset.done $0x0  }
0x1c6: {  	s16 =	simm.s32 $0x10600;
	s18 =	simm.s32 $0x0;
	[sflag:s10] =	ssyncadd.s32 $0xFFFFE000  }
.LBB2_27:
0x1c7: {  	s6 =	sshll.u32 s18, $0x4;
	s12 =	simm.s32 $0x1;
	v2 =	vmov s15;
	s21 =	simm.s32 $0x2  }
0x1c8: {  	s7 =	simm.s32 $0x7;
	s8 =	simm.s32 $0x3;
	s23 =	simm.s32 $0x4;
	v1 =	vmov s6;
	v3 =	vmov s12;
	v4 =	vmov s21  }
0x1c9: {  	v5 =	vmov s7;
	v6 =	vmov s8;
	v7 =	vmov s23  }
0x1ca: {  	s8 =	simm.s32 $0x5;
	v1 =	vshll.u32 v1, $0x7;
	v5 =	vand.u32 $0x7F, v5;
	v3 =	vand.u32 $0x79, v3  }
0x1cb: {  	v8 =	vmov s8;
	v4 =	vand.u32 $0x7A, v4;
	v5 =	vbroadcast v5, $0x0  }
0x1cc: {  	s12 =	simm.s32 $0x6;
	v6 =	vand.u32 $0x7B, v6;
	v1 =	vor.u32 v0, v1;
	v3 =	vbroadcast v3, $0x0  }
0x1cd: {  	v9 =	vmov s12;
	v4 =	vbroadcast v4, $0x0;
	v5 =	vor.u32 v1, v5  }
0x1ce: {  	v7 =	vand.u32 $0x7C, v7;
	v6 =	vbroadcast v6, $0x0;
	v3 =	vor.u32 v1, v3  }
0x1cf: {  	v7 =	vbroadcast v7, $0x0;
	v8 =	vand.u32 $0x7D, v8;
	v4 =	vor.u32 v1, v4  }
0x1d0: {  	v9 =	vand.u32 $0x7E, v9;
	v8 =	vbroadcast v8, $0x0;
	v6 =	vor.u32 v1, v6  }
0x1d1: {  	v2 =	vand.u32 $0x78, v2;
	v9 =	vbroadcast v9, $0x0;
	v7 =	vor.u32 v1, v7  }
0x1d2: {  	s21 =	simm.s32 $0x8;
	s23 =	simm.s32 $0x9;
	v2 =	vbroadcast v2, $0x0;
	v8 =	vor.u32 v1, v8;
	v5 =	vld.idx.msk [tilespmem:v5+s26+$0x0], $0xffff  }
0x1d3: {  	v10 =	vmov s21;
	v11 =	vmov s23;
	s8 =	simm.s32 $0xA;
	s12 =	simm.s32 $0xF;
	s21 =	simm.s32 $0xB;
	v9 =	vor.u32 v1, v9;
	v3 =	vld.idx.msk [tilespmem:v3+s26+$0x0], $0xffff  }
0x1d4: {  	s23 =	simm.s32 $0xC;
	v12 =	vmov s8;
	v13 =	vmov s12;
	v14 =	vmov s21;
	v4 =	vld.idx.msk [tilespmem:v4+s26+$0x0], $0xffff  }
0x1d5: {  	v15 =	vmov s23;
	v2 =	vor.u32 v1, v2;
	v13 =	vand.u32 $0x7F, v13;
	v16 =	vld.idx.msk [tilespmem:v6+s26+$0x0], $0xffff  }
0x1d6: {  	v12 =	vand.u32 $0x7A, v12;
	v6 =	vand.u32 $0x79, v11;
	v11 =	vbroadcast v13, $0x0;
	v7 =	vld.idx.msk [tilespmem:v7+s26+$0x0], $0xffff  }
0x1d7: {  	s8 =	simm.s32 $0xD;
	v6 =	vbroadcast v6, $0x0;
	v17 =	vld.idx.msk [tilespmem:v8+s26+$0x0], $0xffff;
	v8 =	vbroadcast v12, $0x0;
	v12 =	vand.u32 $0x7B, v14  }
0x1d8: {  	v13 =	vmov s8;
	v14 =	vld.idx.msk [tilespmem:v9+s26+$0x0], $0xffff;
	v11 =	vor.u32 v1, v11;
	v9 =	vbroadcast v12, $0x0;
	[tilespmem:s16+$0x180] =	vst v5  }
0x1d9: {  	s12 =	simm.s32 $0xE;
	v18 =	vor.u32 v1, v6;
	v6 =	vor.u32 v1, v8;
	[tilespmem:s16+$0xFFFFFE80] =	vst v3;
	v3 =	vand.u32 $0x7C, v15  }
0x1da: {  	v8 =	vand.u32 $0x7D, v13;
	v5 =	vmov s12;
	[tilespmem:s16+$0xFFFFFF00] =	vst v4;
	v4 =	vld.idx.msk [tilespmem:v2+s26+$0x0], $0xffff;
	v3 =	vbroadcast v3, $0x0  }
0x1db: {  	v13 =	vbroadcast v8, $0x0;
	v8 =	vor.u32 v1, v9;
	[tilespmem:s16+$0xFFFFFF80] =	vst v16;
	v5 =	vand.u32 $0x7E, v5  }
0x1dc: {  	v2 =	vand.u32 $0x78, v10;
	[tilespmem:s16+$0x0] =	vst v7;
	v10 =	vbroadcast v5, $0x0;
	v9 =	vor.u32 v1, v3  }
0x1dd: {  	s7 =	simm.s32 $0x17;
	s23 =	simm.s32 $0x10;
	s21 =	simm.s32 $0x11;
	v12 =	vbroadcast v2, $0x0;
	v7 =	vor.u32 v1, v13;
	[tilespmem:s16+$0x80] =	vst v17;
	v3 =	vld.idx.msk [tilespmem:v11+s26+$0x0], $0xffff  }
0x1de: {  	s6 =	simm.s32 $0x18;
	s8 =	simm.s32 $0x12;
	v2 =	vmov s23;
	[tilespmem:s16+$0x100] =	vst v14;
	v11 =	vmov s21;
	v5 =	vld.idx.msk [tilespmem:v18+s26+$0x0], $0xffff;
	s21 =	smov.u32 s16;
	v10 =	vor.u32 v1, v10  }
.LBB2_28:
0x1df: {  	p0 =	slt.u32 s6, $0x38;
	v13 =	vmov s8;
	s8 =	sadd.s32 $0x3, s23;
	s12 =	sadd.s32 $0x4, s23;
	v14 =	vmov s7;
	v12 =	vor.u32 v1, v12;
	v15 =	vld.idx.msk [tilespmem:v6+s26+$0x0], $0xffff;
	[tilespmem:s21+$0xFFFFFE00] =	vst v4  }
0x1e0: {  	s7 =	sadd.s32 $0x5, s23;
	v4 =	vmov s8;
	v6 =	vmov s12;
	v14 =	vand.u32 $0x7F, v14;
	v16 =	vld.idx.msk [tilespmem:v8+s26+$0x0], $0xffff  }
0x1e1: {  	v8 =	vand.u32 $0x79, v11;
	v11 =	vmov s7;
	s7 =	sadd.s32 $0x6, s23;
	s23 =	smov.u32 s6;
	v14 =	vbroadcast v14, $0x0;
	v17 =	vld.idx.msk [tilespmem:v9+s26+$0x0], $0xffff  }
0x1e2: {  	s21 =	sadd.s32 $0x400, s21;
	v8 =	vbroadcast v8, $0x0;
	v9 =	vand.u32 $0x7A, v13;
	v13 =	vmov s7;
	v18 =	vld.idx.msk [tilespmem:v7+s26+$0x0], $0xffff  }
0x1e3: {  	v4 =	vand.u32 $0x7B, v4;
	v7 =	vbroadcast v9, $0x0;
	v14 =	vor.u32 v1, v14;
	v19 =	vld.idx.msk [tilespmem:v10+s26+$0x0], $0xffff;
	[tilespmem:s21+$0x180] =	vst v3  }
0x1e4: {  	v10 =	vor.u32 v1, v8;
	v3 =	vbroadcast v4, $0x0;
	v8 =	vand.u32 $0x7C, v6;
	v4 =	vld.idx.msk [tilespmem:v12+s26+$0x0], $0xffff;
	[tilespmem:s21+$0xFFFFFE80] =	vst v5  }
.Ltmp12:
0x1e5: {  	v6 =	vor.u32 v1, v7;
	v5 =	vbroadcast v8, $0x0;
	v7 =	vand.u32 $0x7D, v11;
	[tilespmem:s21+$0xFFFFFF00] =	vst v15;
	(pc) =	sbr.rel @p0 .LBB2_28-.Ltmp12, $4  }
0x1e6: {  	v8 =	vor.u32 v1, v3;
	v3 =	vbroadcast v7, $0x0;
	v7 =	vand.u32 $0x7E, v13;
	[tilespmem:s21+$0xFFFFFF80] =	vst v16  }
0x1e7: {  	v2 =	vand.u32 $0x78, v2;
	v9 =	vor.u32 v1, v5;
	v13 =	vbroadcast v7, $0x0;
	[tilespmem:s21+$0x0] =	vst v17  }
0x1e8: {  	s7 =	sadd.s32 $0x1, s6;
	v12 =	vbroadcast v2, $0x0;
	v7 =	vor.u32 v1, v3;
	v3 =	vld.idx.msk [tilespmem:v14+s26+$0x0], $0xffff;
	[tilespmem:s21+$0x80] =	vst v18  }
0x1e9: {  	s8 =	sadd.s32 $0x2, s23;
	s6 =	sadd.s32 $0x8, s6;
	v2 =	vmov s23;
	v11 =	vmov s7;
	s7 =	sadd.s32 $0x7, s23;
	v5 =	vld.idx.msk [tilespmem:v10+s26+$0x0], $0xffff;
	v10 =	vor.u32 v1, v13;
	[tilespmem:s21+$0x100] =	vst v19  }
0x1ea: {  	_ = 	snop  }
0x1eb: {  	v13 =	vmov s8;
	s6 =	sadd.s32 $0x3, s23;
	s12 =	sadd.s32 $0x4, s23;
	v14 =	vmov s7;
	v12 =	vor.u32 v1, v12  }
0x1ec: {  	s8 =	sadd.s32 $0x5, s23;
	v11 =	vand.u32 $0x79, v11;
	v15 =	vmov s6;
	v16 =	vmov s12  }
0x1ed: {  	v14 =	vand.u32 $0x7F, v14;
	v17 =	vmov s8;
	s12 =	sadd.s32 $0x6, s23;
	v11 =	vbroadcast v11, $0x0  }
0x1ee: {  	v6 =	vld.idx.msk [tilespmem:v6+s26+$0x0], $0xffff;
	v13 =	vand.u32 $0x7A, v13;
	v14 =	vbroadcast v14, $0x0;
	v18 =	vmov s12  }
0x1ef: {  	v8 =	vld.idx.msk [tilespmem:v8+s26+$0x0], $0xffff;
	v13 =	vbroadcast v13, $0x0;
	v15 =	vand.u32 $0x7B, v15;
	v47 =	vor.u32 v1, v11  }
0x1f0: {  	[tilespmem:s21+$0xFFFFFE00] =	vst v4;
	v46 =	vld.idx.msk [tilespmem:v9+s26+$0x0], $0xffff;
	s23 =	sadd.s32 $0x400, s21;
	v49 =	vand.u32 $0x7C, v16;
	v48 =	vbroadcast v15, $0x0;
	v14 =	vor.u32 v1, v14  }
0x1f1: {  	v7 =	vld.idx.msk [tilespmem:v7+s26+$0x0], $0xffff;
	v51 =	vand.u32 $0x7D, v17;
	[tilespmem:s23+$0x180] =	vst v3;
	v50 =	vbroadcast v49, $0x0;
	v3 =	vor.u32 v1, v13  }
0x1f2: {  	v10 =	vld.idx.msk [tilespmem:v10+s26+$0x0], $0xffff;
	v53 =	vbroadcast v51, $0x0;
	v54 =	vand.u32 $0x7E, v18;
	[tilespmem:s23+$0xFFFFFE80] =	vst v5;
	v52 =	vor.u32 v1, v48  }
0x1f3: {  	v2 =	vand.u32 $0x78, v2;
	v56 =	vbroadcast v54, $0x0;
	v12 =	vld.idx.msk [tilespmem:v12+s26+$0x0], $0xffff;
	[tilespmem:s23+$0xFFFFFF00] =	vst v6;
	v55 =	vor.u32 v1, v50  }
0x1f4: {  	v2 =	vbroadcast v2, $0x0;
	[tilespmem:s23+$0xFFFFFF80] =	vst v8;
	v57 =	vor.u32 v1, v53;
	v59 =	vld.idx.msk [tilespmem:v47+s26+$0x0], $0xffff  }
0x1f5: {  	[tilespmem:s23+$0x0] =	vst v46;
	v60 =	vor.u32 v1, v56;
	v58 =	vld.idx.msk [tilespmem:v14+s26+$0x0], $0xffff  }
0x1f6: {  	[tilespmem:s23+$0x80] =	vst v7;
	v1 =	vor.u32 v1, v2;
	v2 =	vld.idx.msk [tilespmem:v3+s26+$0x0], $0xffff  }
0x1f7: {  	[tilespmem:s23+$0x100] =	vst v10;
	v3 =	vld.idx.msk [tilespmem:v52+s26+$0x0], $0xffff  }
0x1f8: {  	s6 =	sadd.s32 $0x400, s23;
	[tilespmem:s23+$0xFFFFFE00] =	vst v12;
	v61 =	vld.idx.msk [tilespmem:v55+s26+$0x0], $0xffff  }
0x1f9: {  	v62 =	vld.idx.msk [tilespmem:v57+s26+$0x0], $0xffff;
	[tilespmem:s6+$0xFFFFFE80] =	vst v59  }
0x1fa: {  	s18 =	sadd.s32 $0x1, s18;
	v63 =	vld.idx.msk [tilespmem:v60+s26+$0x0], $0xffff;
	[tilespmem:s6+$0x180] =	vst v58  }
0x1fb: {  	p0 =	sne.s32 s18, $0x8;
	v1 =	vld.idx.msk [tilespmem:v1+s26+$0x0], $0xffff;
	[tilespmem:s6+$0xFFFFFF00] =	vst v2  }
.Ltmp13:
0x1fc: {  	[tilespmem:s6+$0xFFFFFF80] =	vst v3;
	(pc) =	sbr.rel @p0 .LBB2_27-.Ltmp13, $4  }
0x1fd: {  	[tilespmem:s6+$0x0] =	vst v61  }
0x1fe: {  	[tilespmem:s6+$0x80] =	vst v62  }
0x1ff: {  	[tilespmem:s6+$0x100] =	vst v63  }
0x200: {  	s16 =	sadd.s32 $0x10, s16;
	[tilespmem:s6+$0xFFFFFE00] =	vst v1  }
0x201: {  	s6 =	rddreg [dreg:$0x6]  }
0x202: {  	s6 =	sor.u32 s6, s13  }
0x203: {  	s6 =	sshrl.u32 s6, $0x3  }
0x204: {  	s6 =	sadd.s32 s1, s6  }
0x205: {  	[hbm4b:s6+s20] =	stream.strided.scatter [tilespmem:s29], [sflag:$0x7], $0x2000, s28, s20, $0x38;
	[tilespmem:$0x14400] =	vst v63  }
0x206: {  	_ =	swait.ge [sflag:s11], $0x4000  }
0x207: {  	[sflag:s11] =	ssyncset.done $0x0  }
0x208: {  	[sflag:s11] =	ssyncadd.s32 $0xFFFFC000  }
0x209: {  	[tilespmem:s22], [sflag:$0x4] =	stream.indirect.gather [hbm4b:s4+s19], $0x80, s19, s19, $0xb8;
	[tilespmem:$0x14400] =	vst v63  }
0x20a: {  	_ =	swait.ge [sflag:s14], $0x2000  }
0x20b: {  	s15 =	simm.s32 $0x0;
	[sflag:s14] =	ssyncset.done $0x0  }
0x20c: {  	s16 =	simm.s32 $0x12600;
	s18 =	simm.s32 $0x0;
	[sflag:s14] =	ssyncadd.s32 $0xFFFFE000  }
.LBB2_31:
0x20d: {  	s6 =	sshll.u32 s18, $0x4;
	s12 =	simm.s32 $0x1;
	v2 =	vmov s15;
	s21 =	simm.s32 $0x2  }
0x20e: {  	s7 =	simm.s32 $0x7;
	s8 =	simm.s32 $0x3;
	s23 =	simm.s32 $0x4;
	v1 =	vmov s6;
	v3 =	vmov s12;
	v4 =	vmov s21  }
0x20f: {  	v5 =	vmov s7;
	v6 =	vmov s8;
	v7 =	vmov s23  }
0x210: {  	s8 =	simm.s32 $0x5;
	v1 =	vshll.u32 v1, $0x7;
	v5 =	vand.u32 $0x7F, v5;
	v3 =	vand.u32 $0x79, v3  }
0x211: {  	v8 =	vmov s8;
	v4 =	vand.u32 $0x7A, v4;
	v5 =	vbroadcast v5, $0x0  }
0x212: {  	s12 =	simm.s32 $0x6;
	v6 =	vand.u32 $0x7B, v6;
	v1 =	vor.u32 v0, v1;
	v3 =	vbroadcast v3, $0x0  }
0x213: {  	v9 =	vmov s12;
	v4 =	vbroadcast v4, $0x0;
	v5 =	vor.u32 v1, v5  }
0x214: {  	v7 =	vand.u32 $0x7C, v7;
	v6 =	vbroadcast v6, $0x0;
	v3 =	vor.u32 v1, v3  }
0x215: {  	v7 =	vbroadcast v7, $0x0;
	v8 =	vand.u32 $0x7D, v8;
	v4 =	vor.u32 v1, v4  }
0x216: {  	v9 =	vand.u32 $0x7E, v9;
	v8 =	vbroadcast v8, $0x0;
	v6 =	vor.u32 v1, v6  }
0x217: {  	v2 =	vand.u32 $0x78, v2;
	v9 =	vbroadcast v9, $0x0;
	v7 =	vor.u32 v1, v7  }
0x218: {  	s21 =	simm.s32 $0x8;
	s23 =	simm.s32 $0x9;
	v2 =	vbroadcast v2, $0x0;
	v8 =	vor.u32 v1, v8;
	v5 =	vld.idx.msk [tilespmem:v5+s0+$0x0], $0xffff  }
0x219: {  	v10 =	vmov s21;
	v11 =	vmov s23;
	s8 =	simm.s32 $0xA;
	s12 =	simm.s32 $0xF;
	s21 =	simm.s32 $0xB;
	v9 =	vor.u32 v1, v9;
	v3 =	vld.idx.msk [tilespmem:v3+s0+$0x0], $0xffff  }
0x21a: {  	s23 =	simm.s32 $0xC;
	v12 =	vmov s8;
	v13 =	vmov s12;
	v14 =	vmov s21;
	v4 =	vld.idx.msk [tilespmem:v4+s0+$0x0], $0xffff  }
0x21b: {  	v15 =	vmov s23;
	v2 =	vor.u32 v1, v2;
	v13 =	vand.u32 $0x7F, v13;
	v16 =	vld.idx.msk [tilespmem:v6+s0+$0x0], $0xffff  }
0x21c: {  	v12 =	vand.u32 $0x7A, v12;
	v6 =	vand.u32 $0x79, v11;
	v11 =	vbroadcast v13, $0x0;
	v7 =	vld.idx.msk [tilespmem:v7+s0+$0x0], $0xffff  }
0x21d: {  	s8 =	simm.s32 $0xD;
	v6 =	vbroadcast v6, $0x0;
	v17 =	vld.idx.msk [tilespmem:v8+s0+$0x0], $0xffff;
	v8 =	vbroadcast v12, $0x0;
	v12 =	vand.u32 $0x7B, v14  }
0x21e: {  	v13 =	vmov s8;
	v14 =	vld.idx.msk [tilespmem:v9+s0+$0x0], $0xffff;
	v11 =	vor.u32 v1, v11;
	v9 =	vbroadcast v12, $0x0;
	[tilespmem:s16+$0x180] =	vst v5  }
0x21f: {  	s12 =	simm.s32 $0xE;
	v18 =	vor.u32 v1, v6;
	v6 =	vor.u32 v1, v8;
	[tilespmem:s16+$0xFFFFFE80] =	vst v3;
	v3 =	vand.u32 $0x7C, v15  }
0x220: {  	v8 =	vand.u32 $0x7D, v13;
	v5 =	vmov s12;
	[tilespmem:s16+$0xFFFFFF00] =	vst v4;
	v4 =	vld.idx.msk [tilespmem:v2+s0+$0x0], $0xffff;
	v3 =	vbroadcast v3, $0x0  }
0x221: {  	v13 =	vbroadcast v8, $0x0;
	v8 =	vor.u32 v1, v9;
	[tilespmem:s16+$0xFFFFFF80] =	vst v16;
	v5 =	vand.u32 $0x7E, v5  }
0x222: {  	v2 =	vand.u32 $0x78, v10;
	[tilespmem:s16+$0x0] =	vst v7;
	v10 =	vbroadcast v5, $0x0;
	v9 =	vor.u32 v1, v3  }
0x223: {  	s7 =	simm.s32 $0x17;
	s23 =	simm.s32 $0x10;
	s21 =	simm.s32 $0x11;
	v12 =	vbroadcast v2, $0x0;
	v7 =	vor.u32 v1, v13;
	[tilespmem:s16+$0x80] =	vst v17;
	v3 =	vld.idx.msk [tilespmem:v11+s0+$0x0], $0xffff  }
0x224: {  	s6 =	simm.s32 $0x18;
	s8 =	simm.s32 $0x12;
	v2 =	vmov s23;
	[tilespmem:s16+$0x100] =	vst v14;
	v11 =	vmov s21;
	v5 =	vld.idx.msk [tilespmem:v18+s0+$0x0], $0xffff;
	s21 =	smov.u32 s16;
	v10 =	vor.u32 v1, v10  }
.LBB2_32:
0x225: {  	p0 =	slt.u32 s6, $0x38;
	v13 =	vmov s8;
	s8 =	sadd.s32 $0x3, s23;
	s12 =	sadd.s32 $0x4, s23;
	v14 =	vmov s7;
	v12 =	vor.u32 v1, v12;
	v15 =	vld.idx.msk [tilespmem:v6+s0+$0x0], $0xffff;
	[tilespmem:s21+$0xFFFFFE00] =	vst v4  }
0x226: {  	s7 =	sadd.s32 $0x5, s23;
	v4 =	vmov s8;
	v6 =	vmov s12;
	v14 =	vand.u32 $0x7F, v14;
	v16 =	vld.idx.msk [tilespmem:v8+s0+$0x0], $0xffff  }
0x227: {  	v8 =	vand.u32 $0x79, v11;
	v11 =	vmov s7;
	s7 =	sadd.s32 $0x6, s23;
	s23 =	smov.u32 s6;
	v14 =	vbroadcast v14, $0x0;
	v17 =	vld.idx.msk [tilespmem:v9+s0+$0x0], $0xffff  }
0x228: {  	s21 =	sadd.s32 $0x400, s21;
	v8 =	vbroadcast v8, $0x0;
	v9 =	vand.u32 $0x7A, v13;
	v13 =	vmov s7;
	v18 =	vld.idx.msk [tilespmem:v7+s0+$0x0], $0xffff  }
0x229: {  	v4 =	vand.u32 $0x7B, v4;
	v7 =	vbroadcast v9, $0x0;
	v14 =	vor.u32 v1, v14;
	v19 =	vld.idx.msk [tilespmem:v10+s0+$0x0], $0xffff;
	[tilespmem:s21+$0x180] =	vst v3  }
0x22a: {  	v10 =	vor.u32 v1, v8;
	v3 =	vbroadcast v4, $0x0;
	v8 =	vand.u32 $0x7C, v6;
	v4 =	vld.idx.msk [tilespmem:v12+s0+$0x0], $0xffff;
	[tilespmem:s21+$0xFFFFFE80] =	vst v5  }
.Ltmp14:
0x22b: {  	v6 =	vor.u32 v1, v7;
	v5 =	vbroadcast v8, $0x0;
	v7 =	vand.u32 $0x7D, v11;
	[tilespmem:s21+$0xFFFFFF00] =	vst v15;
	(pc) =	sbr.rel @p0 .LBB2_32-.Ltmp14, $4  }
0x22c: {  	v8 =	vor.u32 v1, v3;
	v3 =	vbroadcast v7, $0x0;
	v7 =	vand.u32 $0x7E, v13;
	[tilespmem:s21+$0xFFFFFF80] =	vst v16  }
0x22d: {  	v2 =	vand.u32 $0x78, v2;
	v9 =	vor.u32 v1, v5;
	v13 =	vbroadcast v7, $0x0;
	[tilespmem:s21+$0x0] =	vst v17  }
0x22e: {  	s7 =	sadd.s32 $0x1, s6;
	v12 =	vbroadcast v2, $0x0;
	v7 =	vor.u32 v1, v3;
	v3 =	vld.idx.msk [tilespmem:v14+s0+$0x0], $0xffff;
	[tilespmem:s21+$0x80] =	vst v18  }
0x22f: {  	s8 =	sadd.s32 $0x2, s23;
	s6 =	sadd.s32 $0x8, s6;
	v2 =	vmov s23;
	v11 =	vmov s7;
	s7 =	sadd.s32 $0x7, s23;
	v5 =	vld.idx.msk [tilespmem:v10+s0+$0x0], $0xffff;
	v10 =	vor.u32 v1, v13;
	[tilespmem:s21+$0x100] =	vst v19  }
0x230: {  	_ = 	snop  }
0x231: {  	v13 =	vmov s8;
	s6 =	sadd.s32 $0x3, s23;
	s12 =	sadd.s32 $0x4, s23;
	v14 =	vmov s7;
	v12 =	vor.u32 v1, v12  }
0x232: {  	s8 =	sadd.s32 $0x5, s23;
	v11 =	vand.u32 $0x79, v11;
	v15 =	vmov s6;
	v16 =	vmov s12  }
0x233: {  	v14 =	vand.u32 $0x7F, v14;
	v17 =	vmov s8;
	s12 =	sadd.s32 $0x6, s23;
	v11 =	vbroadcast v11, $0x0  }
0x234: {  	v6 =	vld.idx.msk [tilespmem:v6+s0+$0x0], $0xffff;
	v13 =	vand.u32 $0x7A, v13;
	v14 =	vbroadcast v14, $0x0;
	v18 =	vmov s12  }
0x235: {  	v8 =	vld.idx.msk [tilespmem:v8+s0+$0x0], $0xffff;
	v13 =	vbroadcast v13, $0x0;
	v15 =	vand.u32 $0x7B, v15;
	v47 =	vor.u32 v1, v11  }
0x236: {  	[tilespmem:s21+$0xFFFFFE00] =	vst v4;
	v46 =	vld.idx.msk [tilespmem:v9+s0+$0x0], $0xffff;
	s23 =	sadd.s32 $0x400, s21;
	v49 =	vand.u32 $0x7C, v16;
	v48 =	vbroadcast v15, $0x0;
	v14 =	vor.u32 v1, v14  }
0x237: {  	v7 =	vld.idx.msk [tilespmem:v7+s0+$0x0], $0xffff;
	v51 =	vand.u32 $0x7D, v17;
	[tilespmem:s23+$0x180] =	vst v3;
	v50 =	vbroadcast v49, $0x0;
	v3 =	vor.u32 v1, v13  }
0x238: {  	v10 =	vld.idx.msk [tilespmem:v10+s0+$0x0], $0xffff;
	v53 =	vbroadcast v51, $0x0;
	v54 =	vand.u32 $0x7E, v18;
	[tilespmem:s23+$0xFFFFFE80] =	vst v5;
	v52 =	vor.u32 v1, v48  }
0x239: {  	v2 =	vand.u32 $0x78, v2;
	v56 =	vbroadcast v54, $0x0;
	v12 =	vld.idx.msk [tilespmem:v12+s0+$0x0], $0xffff;
	[tilespmem:s23+$0xFFFFFF00] =	vst v6;
	v55 =	vor.u32 v1, v50  }
0x23a: {  	v2 =	vbroadcast v2, $0x0;
	[tilespmem:s23+$0xFFFFFF80] =	vst v8;
	v57 =	vor.u32 v1, v53;
	v59 =	vld.idx.msk [tilespmem:v47+s0+$0x0], $0xffff  }
0x23b: {  	[tilespmem:s23+$0x0] =	vst v46;
	v60 =	vor.u32 v1, v56;
	v58 =	vld.idx.msk [tilespmem:v14+s0+$0x0], $0xffff  }
0x23c: {  	[tilespmem:s23+$0x80] =	vst v7;
	v1 =	vor.u32 v1, v2;
	v2 =	vld.idx.msk [tilespmem:v3+s0+$0x0], $0xffff  }
0x23d: {  	[tilespmem:s23+$0x100] =	vst v10;
	v3 =	vld.idx.msk [tilespmem:v52+s0+$0x0], $0xffff  }
0x23e: {  	s6 =	sadd.s32 $0x400, s23;
	[tilespmem:s23+$0xFFFFFE00] =	vst v12;
	v61 =	vld.idx.msk [tilespmem:v55+s0+$0x0], $0xffff  }
0x23f: {  	v62 =	vld.idx.msk [tilespmem:v57+s0+$0x0], $0xffff;
	[tilespmem:s6+$0xFFFFFE80] =	vst v59  }
0x240: {  	s18 =	sadd.s32 $0x1, s18;
	v63 =	vld.idx.msk [tilespmem:v60+s0+$0x0], $0xffff;
	[tilespmem:s6+$0x180] =	vst v58  }
0x241: {  	p0 =	sne.s32 s18, $0x8;
	v1 =	vld.idx.msk [tilespmem:v1+s0+$0x0], $0xffff;
	[tilespmem:s6+$0xFFFFFF00] =	vst v2  }
.Ltmp15:
0x242: {  	[tilespmem:s6+$0xFFFFFF80] =	vst v3;
	(pc) =	sbr.rel @p0 .LBB2_31-.Ltmp15, $4  }
0x243: {  	[tilespmem:s6+$0x0] =	vst v61  }
0x244: {  	[tilespmem:s6+$0x80] =	vst v62  }
0x245: {  	[tilespmem:s6+$0x100] =	vst v63  }
0x246: {  	s16 =	sadd.s32 $0x10, s16;
	[tilespmem:s6+$0xFFFFFE00] =	vst v1  }
0x247: {  	s6 =	rddreg [dreg:$0x9]  }
0x248: {  	s6 =	sor.u32 s6, s13  }
0x249: {  	s6 =	sshrl.u32 s6, $0x3  }
0x24a: {  	s21 =	sadd.s32 $0x3, s31;
	s6 =	sadd.s32 s1, s6  }
0x24b: {  	[hbm4b:s6+s20] =	stream.strided.scatter [tilespmem:s2], [sflag:$0x8], $0x2000, s28, s20, $0x38;
	[tilespmem:$0x14400] =	vst v63  }
0x24c: {  	s7 =	sshll.u32 s21, $0x4;
	s6 =	sshll.u32 s21, $0xB  }
0x24d: {  	s7 =	sand.u32 $0x70, s7;
	s6 =	sand.u32 $0x3C000, s6  }
0x24e: {  	s6 =	sor.u32 s7, s6  }
0x24f: {  	s31 =	simm.s32 $0x200;
	s6 =	sadd.s32 s6, s5  }
0x250: {  	[tilespmem:s31], [sflag:$0x2] =	stream.strided.gather [hbm4b:s6+s19], $0x200, s20, s19, $0x38;
	[tilespmem:$0x14400] =	vst v63  }
0x251: {  	_ =	swait.ge [sflag:s24], $0x4000  }
0x252: {  	[sflag:s24] =	ssyncset.done $0x0  }
0x253: {  	s23 =	simm.s32 $0x100;
	[sflag:s24] =	ssyncadd.s32 $0xFFFFC000  }
0x254: {  	[tilespmem:s26], [sflag:$0x5] =	stream.indirect.gather [hbm4b:s4+s19], $0x80, s23, s19, $0xb8;
	[tilespmem:$0x14400] =	vst v63  }
0x255: {  	_ =	swait.ge [sflag:s10], $0x2000  }
0x256: {  	s15 =	simm.s32 $0x10600;
	[sflag:s10] =	ssyncset.done $0x0  }
0x257: {  	s16 =	simm.s32 $0x0;
	s13 =	simm.s32 $0x0;
	[sflag:s10] =	ssyncadd.s32 $0xFFFFE000  }
.LBB2_35:
0x258: {  	s6 =	sshll.u32 s16, $0x4;
	s18 =	simm.s32 $0x1;
	s21 =	simm.s32 $0x2  }
0x259: {  	s7 =	simm.s32 $0x7;
	s8 =	simm.s32 $0x3;
	s23 =	simm.s32 $0x4;
	v1 =	vmov s6;
	v3 =	vmov s18;
	v4 =	vmov s21  }
0x25a: {  	v5 =	vmov s7;
	v6 =	vmov s8;
	v7 =	vmov s23  }
0x25b: {  	s7 =	simm.s32 $0x5;
	v1 =	vshll.u32 v1, $0x7;
	v5 =	vand.u32 $0x7F, v5;
	v3 =	vand.u32 $0x79, v3  }
0x25c: {  	v8 =	vmov s7;
	v4 =	vand.u32 $0x7A, v4;
	v5 =	vbroadcast v5, $0x0  }
0x25d: {  	s8 =	simm.s32 $0x6;
	v6 =	vand.u32 $0x7B, v6;
	v1 =	vor.u32 v0, v1;
	v3 =	vbroadcast v3, $0x0  }
0x25e: {  	v9 =	vmov s8;
	v4 =	vbroadcast v4, $0x0;
	v5 =	vor.u32 v1, v5  }
0x25f: {  	v7 =	vand.u32 $0x7C, v7;
	v6 =	vbroadcast v6, $0x0;
	v3 =	vor.u32 v1, v3  }
0x260: {  	v7 =	vbroadcast v7, $0x0;
	v8 =	vand.u32 $0x7D, v8;
	v4 =	vor.u32 v1, v4  }
0x261: {  	v9 =	vand.u32 $0x7E, v9;
	v8 =	vbroadcast v8, $0x0;
	v6 =	vor.u32 v1, v6  }
0x262: {  	v2 =	vmov s13;
	s12 =	simm.s32 $0x8;
	v9 =	vbroadcast v9, $0x0;
	v7 =	vor.u32 v1, v7  }
0x263: {  	v2 =	vand.u32 $0x78, v2;
	s18 =	simm.s32 $0x9;
	v10 =	vmov s12;
	v8 =	vor.u32 v1, v8;
	v5 =	vld.idx.msk [tilespmem:v5+s20+$0x0], $0xffff  }
0x264: {  	s21 =	simm.s32 $0xA;
	s23 =	simm.s32 $0xF;
	s12 =	simm.s32 $0xC;
	v2 =	vbroadcast v2, $0x0;
	v11 =	vmov s18;
	v9 =	vor.u32 v1, v9;
	v3 =	vld.idx.msk [tilespmem:v3+s20+$0x0], $0xffff  }
0x265: {  	v12 =	vmov s21;
	s8 =	simm.s32 $0xB;
	v13 =	vmov s23;
	v15 =	vmov s12;
	v4 =	vld.idx.msk [tilespmem:v4+s20+$0x0], $0xffff  }
0x266: {  	v14 =	vmov s8;
	v13 =	vand.u32 $0x7F, v13;
	v2 =	vor.u32 v1, v2;
	v16 =	vld.idx.msk [tilespmem:v6+s20+$0x0], $0xffff  }
0x267: {  	v12 =	vand.u32 $0x7A, v12;
	v6 =	vand.u32 $0x79, v11;
	v11 =	vbroadcast v13, $0x0;
	v7 =	vld.idx.msk [tilespmem:v7+s20+$0x0], $0xffff  }
0x268: {  	s18 =	simm.s32 $0xD;
	v6 =	vbroadcast v6, $0x0;
	v17 =	vld.idx.msk [tilespmem:v8+s20+$0x0], $0xffff;
	v8 =	vbroadcast v12, $0x0;
	v12 =	vand.u32 $0x7B, v14  }
0x269: {  	v13 =	vmov s18;
	v14 =	vld.idx.msk [tilespmem:v9+s20+$0x0], $0xffff;
	v11 =	vor.u32 v1, v11;
	v9 =	vbroadcast v12, $0x0;
	[tilespmem:s15+$0x180] =	vst v5  }
0x26a: {  	s21 =	simm.s32 $0xE;
	v18 =	vor.u32 v1, v6;
	v6 =	vor.u32 v1, v8;
	[tilespmem:s15+$0xFFFFFE80] =	vst v3;
	v3 =	vand.u32 $0x7C, v15  }
0x26b: {  	v8 =	vand.u32 $0x7D, v13;
	v5 =	vmov s21;
	[tilespmem:s15+$0xFFFFFF00] =	vst v4;
	v4 =	vld.idx.msk [tilespmem:v2+s20+$0x0], $0xffff;
	v3 =	vbroadcast v3, $0x0  }
0x26c: {  	v13 =	vbroadcast v8, $0x0;
	v8 =	vor.u32 v1, v9;
	[tilespmem:s15+$0xFFFFFF80] =	vst v16;
	v5 =	vand.u32 $0x7E, v5  }
0x26d: {  	v2 =	vand.u32 $0x78, v10;
	[tilespmem:s15+$0x0] =	vst v7;
	v10 =	vbroadcast v5, $0x0;
	v9 =	vor.u32 v1, v3  }
0x26e: {  	s6 =	simm.s32 $0x18;
	s23 =	simm.s32 $0x11;
	s18 =	simm.s32 $0x10;
	v12 =	vbroadcast v2, $0x0;
	v7 =	vor.u32 v1, v13;
	[tilespmem:s15+$0x80] =	vst v17;
	v3 =	vld.idx.msk [tilespmem:v11+s20+$0x0], $0xffff  }
0x26f: {  	s7 =	simm.s32 $0x17;
	s8 =	simm.s32 $0x12;
	s21 =	smov.u32 s15;
	v2 =	vmov s18;
	[tilespmem:s15+$0x100] =	vst v14;
	v11 =	vmov s23;
	v5 =	vld.idx.msk [tilespmem:v18+s20+$0x0], $0xffff;
	v10 =	vor.u32 v1, v10  }
.LBB2_36:
0x270: {  	p0 =	slt.u32 s6, $0x38;
	v13 =	vmov s8;
	s8 =	sadd.s32 $0x3, s18;
	s12 =	sadd.s32 $0x4, s18;
	v14 =	vmov s7;
	v12 =	vor.u32 v1, v12;
	v15 =	vld.idx.msk [tilespmem:v6+s20+$0x0], $0xffff;
	[tilespmem:s21+$0xFFFFFE00] =	vst v4  }
0x271: {  	s7 =	sadd.s32 $0x5, s18;
	v4 =	vmov s8;
	v6 =	vmov s12;
	v14 =	vand.u32 $0x7F, v14;
	v16 =	vld.idx.msk [tilespmem:v8+s20+$0x0], $0xffff  }
0x272: {  	v8 =	vand.u32 $0x79, v11;
	v11 =	vmov s7;
	s7 =	sadd.s32 $0x6, s18;
	s18 =	smov.u32 s6;
	v14 =	vbroadcast v14, $0x0;
	v17 =	vld.idx.msk [tilespmem:v9+s20+$0x0], $0xffff  }
0x273: {  	s21 =	sadd.s32 $0x400, s21;
	v8 =	vbroadcast v8, $0x0;
	v9 =	vand.u32 $0x7A, v13;
	v13 =	vmov s7;
	v18 =	vld.idx.msk [tilespmem:v7+s20+$0x0], $0xffff  }
0x274: {  	v4 =	vand.u32 $0x7B, v4;
	v7 =	vbroadcast v9, $0x0;
	v14 =	vor.u32 v1, v14;
	v19 =	vld.idx.msk [tilespmem:v10+s20+$0x0], $0xffff;
	[tilespmem:s21+$0x180] =	vst v3  }
0x275: {  	v10 =	vor.u32 v1, v8;
	v3 =	vbroadcast v4, $0x0;
	v8 =	vand.u32 $0x7C, v6;
	v4 =	vld.idx.msk [tilespmem:v12+s20+$0x0], $0xffff;
	[tilespmem:s21+$0xFFFFFE80] =	vst v5  }
.Ltmp16:
0x276: {  	v6 =	vor.u32 v1, v7;
	v5 =	vbroadcast v8, $0x0;
	v7 =	vand.u32 $0x7D, v11;
	[tilespmem:s21+$0xFFFFFF00] =	vst v15;
	(pc) =	sbr.rel @p0 .LBB2_36-.Ltmp16, $4  }
0x277: {  	v8 =	vor.u32 v1, v3;
	v3 =	vbroadcast v7, $0x0;
	v7 =	vand.u32 $0x7E, v13;
	[tilespmem:s21+$0xFFFFFF80] =	vst v16  }
0x278: {  	v2 =	vand.u32 $0x78, v2;
	v9 =	vor.u32 v1, v5;
	v13 =	vbroadcast v7, $0x0;
	[tilespmem:s21+$0x0] =	vst v17  }
0x279: {  	s7 =	sadd.s32 $0x1, s6;
	v12 =	vbroadcast v2, $0x0;
	v7 =	vor.u32 v1, v3;
	v3 =	vld.idx.msk [tilespmem:v14+s20+$0x0], $0xffff;
	[tilespmem:s21+$0x80] =	vst v18  }
0x27a: {  	s8 =	sadd.s32 $0x2, s18;
	s6 =	sadd.s32 $0x8, s6;
	v2 =	vmov s18;
	v11 =	vmov s7;
	s7 =	sadd.s32 $0x7, s18;
	v5 =	vld.idx.msk [tilespmem:v10+s20+$0x0], $0xffff;
	v10 =	vor.u32 v1, v13;
	[tilespmem:s21+$0x100] =	vst v19  }
0x27b: {  	_ = 	snop  }
0x27c: {  	v13 =	vmov s8;
	s6 =	sadd.s32 $0x3, s18;
	s23 =	sadd.s32 $0x4, s18;
	v14 =	vmov s7;
	v12 =	vor.u32 v1, v12  }
0x27d: {  	s12 =	sadd.s32 $0x5, s18;
	v11 =	vand.u32 $0x79, v11;
	v15 =	vmov s6;
	v16 =	vmov s23  }
0x27e: {  	s18 =	sadd.s32 $0x6, s18;
	v14 =	vand.u32 $0x7F, v14;
	v17 =	vmov s12;
	v11 =	vbroadcast v11, $0x0  }
0x27f: {  	v6 =	vld.idx.msk [tilespmem:v6+s20+$0x0], $0xffff;
	v13 =	vand.u32 $0x7A, v13;
	v18 =	vmov s18;
	v14 =	vbroadcast v14, $0x0  }
0x280: {  	v8 =	vld.idx.msk [tilespmem:v8+s20+$0x0], $0xffff;
	v13 =	vbroadcast v13, $0x0;
	v15 =	vand.u32 $0x7B, v15;
	v47 =	vor.u32 v1, v11  }
0x281: {  	[tilespmem:s21+$0xFFFFFE00] =	vst v4;
	v46 =	vld.idx.msk [tilespmem:v9+s20+$0x0], $0xffff;
	s23 =	sadd.s32 $0x400, s21;
	v49 =	vand.u32 $0x7C, v16;
	v48 =	vbroadcast v15, $0x0;
	v14 =	vor.u32 v1, v14  }
0x282: {  	v7 =	vld.idx.msk [tilespmem:v7+s20+$0x0], $0xffff;
	v51 =	vand.u32 $0x7D, v17;
	[tilespmem:s23+$0x180] =	vst v3;
	v50 =	vbroadcast v49, $0x0;
	v3 =	vor.u32 v1, v13  }
0x283: {  	v10 =	vld.idx.msk [tilespmem:v10+s20+$0x0], $0xffff;
	v54 =	vand.u32 $0x7E, v18;
	v53 =	vbroadcast v51, $0x0;
	[tilespmem:s23+$0xFFFFFE80] =	vst v5;
	v52 =	vor.u32 v1, v48  }
0x284: {  	v2 =	vand.u32 $0x78, v2;
	v56 =	vbroadcast v54, $0x0;
	v12 =	vld.idx.msk [tilespmem:v12+s20+$0x0], $0xffff;
	[tilespmem:s23+$0xFFFFFF00] =	vst v6;
	v55 =	vor.u32 v1, v50  }
0x285: {  	v2 =	vbroadcast v2, $0x0;
	[tilespmem:s23+$0xFFFFFF80] =	vst v8;
	v57 =	vor.u32 v1, v53;
	v59 =	vld.idx.msk [tilespmem:v47+s20+$0x0], $0xffff  }
0x286: {  	[tilespmem:s23+$0x0] =	vst v46;
	v60 =	vor.u32 v1, v56;
	v58 =	vld.idx.msk [tilespmem:v14+s20+$0x0], $0xffff  }
0x287: {  	[tilespmem:s23+$0x80] =	vst v7;
	v1 =	vor.u32 v1, v2;
	v2 =	vld.idx.msk [tilespmem:v3+s20+$0x0], $0xffff  }
0x288: {  	[tilespmem:s23+$0x100] =	vst v10;
	v3 =	vld.idx.msk [tilespmem:v52+s20+$0x0], $0xffff  }
0x289: {  	s6 =	sadd.s32 $0x400, s23;
	[tilespmem:s23+$0xFFFFFE00] =	vst v12;
	v61 =	vld.idx.msk [tilespmem:v55+s20+$0x0], $0xffff  }
0x28a: {  	v62 =	vld.idx.msk [tilespmem:v57+s20+$0x0], $0xffff;
	[tilespmem:s6+$0xFFFFFE80] =	vst v59  }
0x28b: {  	s16 =	sadd.s32 $0x1, s16;
	v63 =	vld.idx.msk [tilespmem:v60+s20+$0x0], $0xffff;
	[tilespmem:s6+$0x180] =	vst v58  }
0x28c: {  	p0 =	sne.s32 s16, $0x8;
	v1 =	vld.idx.msk [tilespmem:v1+s20+$0x0], $0xffff;
	[tilespmem:s6+$0xFFFFFF00] =	vst v2  }
.Ltmp17:
0x28d: {  	[tilespmem:s6+$0xFFFFFF80] =	vst v3;
	(pc) =	sbr.rel @p0 .LBB2_35-.Ltmp17, $4  }
0x28e: {  	[tilespmem:s6+$0x0] =	vst v61  }
0x28f: {  	[tilespmem:s6+$0x80] =	vst v62  }
0x290: {  	[tilespmem:s6+$0x100] =	vst v63  }
0x291: {  	s15 =	sadd.s32 $0x10, s15;
	[tilespmem:s6+$0xFFFFFE00] =	vst v1  }
0x292: {  	s6 =	sshll.u32 s25, $0x11  }
0x293: {  	s6 =	sadd.s32 s6, s9  }
0x294: {  	[hbm4b:s6+s20] =	stream.strided.scatter [tilespmem:s29], [sflag:$0x7], $0x2000, s28, s20, $0x38;
	[tilespmem:$0x14400] =	vst v63  }
0x295: {  	_ =	swait.ge [sflag:s30], $0x4000  }
0x296: {  	[sflag:s30] =	ssyncset.done $0x0  }
0x297: {  	s23 =	simm.s32 $0x180;
	[sflag:s30] =	ssyncadd.s32 $0xFFFFC000  }
0x298: {  	[tilespmem:s0], [sflag:$0x6] =	stream.indirect.gather [hbm4b:s4+s19], $0x80, s23, s19, $0xb8;
	[tilespmem:$0x14400] =	vst v63  }
0x299: {  	_ =	swait.ge [sflag:s14], $0x2000  }
0x29a: {  	s13 =	simm.s32 $0x0;
	[sflag:s14] =	ssyncset.done $0x0  }
0x29b: {  	s15 =	simm.s32 $0x12600;
	s16 =	simm.s32 $0x0;
	[sflag:s14] =	ssyncadd.s32 $0xFFFFE000  }
.LBB2_39:
0x29c: {  	s6 =	sshll.u32 s16, $0x4;
	s18 =	simm.s32 $0x1;
	s21 =	simm.s32 $0x2  }
0x29d: {  	s7 =	simm.s32 $0x7;
	s8 =	simm.s32 $0x3;
	s23 =	simm.s32 $0x4;
	v1 =	vmov s6;
	v3 =	vmov s18;
	v4 =	vmov s21  }
0x29e: {  	v5 =	vmov s7;
	v6 =	vmov s8;
	v7 =	vmov s23  }
0x29f: {  	s7 =	simm.s32 $0x5;
	v1 =	vshll.u32 v1, $0x7;
	v5 =	vand.u32 $0x7F, v5;
	v3 =	vand.u32 $0x79, v3  }
0x2a0: {  	v8 =	vmov s7;
	v4 =	vand.u32 $0x7A, v4;
	v5 =	vbroadcast v5, $0x0  }
0x2a1: {  	s8 =	simm.s32 $0x6;
	v6 =	vand.u32 $0x7B, v6;
	v1 =	vor.u32 v0, v1;
	v3 =	vbroadcast v3, $0x0  }
0x2a2: {  	v9 =	vmov s8;
	v4 =	vbroadcast v4, $0x0;
	v5 =	vor.u32 v1, v5  }
0x2a3: {  	v7 =	vand.u32 $0x7C, v7;
	v6 =	vbroadcast v6, $0x0;
	v3 =	vor.u32 v1, v3  }
0x2a4: {  	v7 =	vbroadcast v7, $0x0;
	v8 =	vand.u32 $0x7D, v8;
	v4 =	vor.u32 v1, v4  }
0x2a5: {  	v9 =	vand.u32 $0x7E, v9;
	v8 =	vbroadcast v8, $0x0;
	v6 =	vor.u32 v1, v6  }
0x2a6: {  	v2 =	vmov s13;
	s12 =	simm.s32 $0x8;
	v9 =	vbroadcast v9, $0x0;
	v7 =	vor.u32 v1, v7  }
0x2a7: {  	v2 =	vand.u32 $0x78, v2;
	s18 =	simm.s32 $0x9;
	v10 =	vmov s12;
	v8 =	vor.u32 v1, v8;
	v5 =	vld.idx.msk [tilespmem:v5+s22+$0x0], $0xffff  }
0x2a8: {  	s21 =	simm.s32 $0xA;
	s23 =	simm.s32 $0xF;
	s12 =	simm.s32 $0xC;
	v2 =	vbroadcast v2, $0x0;
	v11 =	vmov s18;
	v9 =	vor.u32 v1, v9;
	v3 =	vld.idx.msk [tilespmem:v3+s22+$0x0], $0xffff  }
0x2a9: {  	v12 =	vmov s21;
	s8 =	simm.s32 $0xB;
	v13 =	vmov s23;
	v15 =	vmov s12;
	v4 =	vld.idx.msk [tilespmem:v4+s22+$0x0], $0xffff  }
0x2aa: {  	v14 =	vmov s8;
	v13 =	vand.u32 $0x7F, v13;
	v2 =	vor.u32 v1, v2;
	v16 =	vld.idx.msk [tilespmem:v6+s22+$0x0], $0xffff  }
0x2ab: {  	v12 =	vand.u32 $0x7A, v12;
	v6 =	vand.u32 $0x79, v11;
	v11 =	vbroadcast v13, $0x0;
	v7 =	vld.idx.msk [tilespmem:v7+s22+$0x0], $0xffff  }
0x2ac: {  	s18 =	simm.s32 $0xD;
	v6 =	vbroadcast v6, $0x0;
	v17 =	vld.idx.msk [tilespmem:v8+s22+$0x0], $0xffff;
	v8 =	vbroadcast v12, $0x0;
	v12 =	vand.u32 $0x7B, v14  }
0x2ad: {  	v13 =	vmov s18;
	v14 =	vld.idx.msk [tilespmem:v9+s22+$0x0], $0xffff;
	v11 =	vor.u32 v1, v11;
	v9 =	vbroadcast v12, $0x0;
	[tilespmem:s15+$0x180] =	vst v5  }
0x2ae: {  	s21 =	simm.s32 $0xE;
	v18 =	vor.u32 v1, v6;
	v6 =	vor.u32 v1, v8;
	[tilespmem:s15+$0xFFFFFE80] =	vst v3;
	v3 =	vand.u32 $0x7C, v15  }
0x2af: {  	v8 =	vand.u32 $0x7D, v13;
	v5 =	vmov s21;
	[tilespmem:s15+$0xFFFFFF00] =	vst v4;
	v4 =	vld.idx.msk [tilespmem:v2+s22+$0x0], $0xffff;
	v3 =	vbroadcast v3, $0x0  }
0x2b0: {  	v13 =	vbroadcast v8, $0x0;
	v8 =	vor.u32 v1, v9;
	[tilespmem:s15+$0xFFFFFF80] =	vst v16;
	v5 =	vand.u32 $0x7E, v5  }
0x2b1: {  	v2 =	vand.u32 $0x78, v10;
	[tilespmem:s15+$0x0] =	vst v7;
	v10 =	vbroadcast v5, $0x0;
	v9 =	vor.u32 v1, v3  }
0x2b2: {  	s6 =	simm.s32 $0x18;
	s23 =	simm.s32 $0x11;
	s18 =	simm.s32 $0x10;
	v12 =	vbroadcast v2, $0x0;
	v7 =	vor.u32 v1, v13;
	[tilespmem:s15+$0x80] =	vst v17;
	v3 =	vld.idx.msk [tilespmem:v11+s22+$0x0], $0xffff  }
0x2b3: {  	s7 =	simm.s32 $0x17;
	s8 =	simm.s32 $0x12;
	s21 =	smov.u32 s15;
	v2 =	vmov s18;
	[tilespmem:s15+$0x100] =	vst v14;
	v11 =	vmov s23;
	v5 =	vld.idx.msk [tilespmem:v18+s22+$0x0], $0xffff;
	v10 =	vor.u32 v1, v10  }
.LBB2_40:
0x2b4: {  	p0 =	slt.u32 s6, $0x38;
	v13 =	vmov s8;
	s8 =	sadd.s32 $0x3, s18;
	s12 =	sadd.s32 $0x4, s18;
	v14 =	vmov s7;
	v12 =	vor.u32 v1, v12;
	v15 =	vld.idx.msk [tilespmem:v6+s22+$0x0], $0xffff;
	[tilespmem:s21+$0xFFFFFE00] =	vst v4  }
0x2b5: {  	s7 =	sadd.s32 $0x5, s18;
	v4 =	vmov s8;
	v6 =	vmov s12;
	v14 =	vand.u32 $0x7F, v14;
	v16 =	vld.idx.msk [tilespmem:v8+s22+$0x0], $0xffff  }
0x2b6: {  	v8 =	vand.u32 $0x79, v11;
	v11 =	vmov s7;
	s7 =	sadd.s32 $0x6, s18;
	s18 =	smov.u32 s6;
	v14 =	vbroadcast v14, $0x0;
	v17 =	vld.idx.msk [tilespmem:v9+s22+$0x0], $0xffff  }
0x2b7: {  	s21 =	sadd.s32 $0x400, s21;
	v8 =	vbroadcast v8, $0x0;
	v9 =	vand.u32 $0x7A, v13;
	v13 =	vmov s7;
	v18 =	vld.idx.msk [tilespmem:v7+s22+$0x0], $0xffff  }
0x2b8: {  	v4 =	vand.u32 $0x7B, v4;
	v7 =	vbroadcast v9, $0x0;
	v14 =	vor.u32 v1, v14;
	v19 =	vld.idx.msk [tilespmem:v10+s22+$0x0], $0xffff;
	[tilespmem:s21+$0x180] =	vst v3  }
0x2b9: {  	v10 =	vor.u32 v1, v8;
	v3 =	vbroadcast v4, $0x0;
	v8 =	vand.u32 $0x7C, v6;
	v4 =	vld.idx.msk [tilespmem:v12+s22+$0x0], $0xffff;
	[tilespmem:s21+$0xFFFFFE80] =	vst v5  }
.Ltmp18:
0x2ba: {  	v6 =	vor.u32 v1, v7;
	v5 =	vbroadcast v8, $0x0;
	v7 =	vand.u32 $0x7D, v11;
	[tilespmem:s21+$0xFFFFFF00] =	vst v15;
	(pc) =	sbr.rel @p0 .LBB2_40-.Ltmp18, $4  }
0x2bb: {  	v8 =	vor.u32 v1, v3;
	v3 =	vbroadcast v7, $0x0;
	v7 =	vand.u32 $0x7E, v13;
	[tilespmem:s21+$0xFFFFFF80] =	vst v16  }
0x2bc: {  	v2 =	vand.u32 $0x78, v2;
	v9 =	vor.u32 v1, v5;
	v13 =	vbroadcast v7, $0x0;
	[tilespmem:s21+$0x0] =	vst v17  }
0x2bd: {  	s7 =	sadd.s32 $0x1, s6;
	v12 =	vbroadcast v2, $0x0;
	v7 =	vor.u32 v1, v3;
	v3 =	vld.idx.msk [tilespmem:v14+s22+$0x0], $0xffff;
	[tilespmem:s21+$0x80] =	vst v18  }
0x2be: {  	s8 =	sadd.s32 $0x2, s18;
	s6 =	sadd.s32 $0x8, s6;
	v2 =	vmov s18;
	v11 =	vmov s7;
	s7 =	sadd.s32 $0x7, s18;
	v5 =	vld.idx.msk [tilespmem:v10+s22+$0x0], $0xffff;
	v10 =	vor.u32 v1, v13;
	[tilespmem:s21+$0x100] =	vst v19  }
0x2bf: {  	_ = 	snop  }
0x2c0: {  	v13 =	vmov s8;
	s6 =	sadd.s32 $0x3, s18;
	s23 =	sadd.s32 $0x4, s18;
	v14 =	vmov s7;
	v12 =	vor.u32 v1, v12  }
0x2c1: {  	s12 =	sadd.s32 $0x5, s18;
	v11 =	vand.u32 $0x79, v11;
	v15 =	vmov s6;
	v16 =	vmov s23  }
0x2c2: {  	s18 =	sadd.s32 $0x6, s18;
	v14 =	vand.u32 $0x7F, v14;
	v17 =	vmov s12;
	v11 =	vbroadcast v11, $0x0  }
0x2c3: {  	v6 =	vld.idx.msk [tilespmem:v6+s22+$0x0], $0xffff;
	v13 =	vand.u32 $0x7A, v13;
	v18 =	vmov s18;
	v14 =	vbroadcast v14, $0x0  }
0x2c4: {  	v8 =	vld.idx.msk [tilespmem:v8+s22+$0x0], $0xffff;
	v13 =	vbroadcast v13, $0x0;
	v15 =	vand.u32 $0x7B, v15;
	v47 =	vor.u32 v1, v11  }
0x2c5: {  	[tilespmem:s21+$0xFFFFFE00] =	vst v4;
	v46 =	vld.idx.msk [tilespmem:v9+s22+$0x0], $0xffff;
	s23 =	sadd.s32 $0x400, s21;
	v49 =	vand.u32 $0x7C, v16;
	v48 =	vbroadcast v15, $0x0;
	v14 =	vor.u32 v1, v14  }
0x2c6: {  	v7 =	vld.idx.msk [tilespmem:v7+s22+$0x0], $0xffff;
	v51 =	vand.u32 $0x7D, v17;
	[tilespmem:s23+$0x180] =	vst v3;
	v50 =	vbroadcast v49, $0x0;
	v3 =	vor.u32 v1, v13  }
0x2c7: {  	v10 =	vld.idx.msk [tilespmem:v10+s22+$0x0], $0xffff;
	v54 =	vand.u32 $0x7E, v18;
	v53 =	vbroadcast v51, $0x0;
	[tilespmem:s23+$0xFFFFFE80] =	vst v5;
	v52 =	vor.u32 v1, v48  }
0x2c8: {  	v2 =	vand.u32 $0x78, v2;
	v56 =	vbroadcast v54, $0x0;
	v12 =	vld.idx.msk [tilespmem:v12+s22+$0x0], $0xffff;
	[tilespmem:s23+$0xFFFFFF00] =	vst v6;
	v55 =	vor.u32 v1, v50  }
0x2c9: {  	v2 =	vbroadcast v2, $0x0;
	[tilespmem:s23+$0xFFFFFF80] =	vst v8;
	v57 =	vor.u32 v1, v53;
	v59 =	vld.idx.msk [tilespmem:v47+s22+$0x0], $0xffff  }
0x2ca: {  	[tilespmem:s23+$0x0] =	vst v46;
	v60 =	vor.u32 v1, v56;
	v58 =	vld.idx.msk [tilespmem:v14+s22+$0x0], $0xffff  }
0x2cb: {  	[tilespmem:s23+$0x80] =	vst v7;
	v1 =	vor.u32 v1, v2;
	v2 =	vld.idx.msk [tilespmem:v3+s22+$0x0], $0xffff  }
0x2cc: {  	[tilespmem:s23+$0x100] =	vst v10;
	v3 =	vld.idx.msk [tilespmem:v52+s22+$0x0], $0xffff  }
0x2cd: {  	s6 =	sadd.s32 $0x400, s23;
	[tilespmem:s23+$0xFFFFFE00] =	vst v12;
	v61 =	vld.idx.msk [tilespmem:v55+s22+$0x0], $0xffff  }
0x2ce: {  	v62 =	vld.idx.msk [tilespmem:v57+s22+$0x0], $0xffff;
	[tilespmem:s6+$0xFFFFFE80] =	vst v59  }
0x2cf: {  	s16 =	sadd.s32 $0x1, s16;
	v63 =	vld.idx.msk [tilespmem:v60+s22+$0x0], $0xffff;
	[tilespmem:s6+$0x180] =	vst v58  }
0x2d0: {  	p0 =	sne.s32 s16, $0x8;
	v1 =	vld.idx.msk [tilespmem:v1+s22+$0x0], $0xffff;
	[tilespmem:s6+$0xFFFFFF00] =	vst v2  }
.Ltmp19:
0x2d1: {  	[tilespmem:s6+$0xFFFFFF80] =	vst v3;
	(pc) =	sbr.rel @p0 .LBB2_39-.Ltmp19, $4  }
0x2d2: {  	[tilespmem:s6+$0x0] =	vst v61  }
0x2d3: {  	[tilespmem:s6+$0x80] =	vst v62  }
0x2d4: {  	[tilespmem:s6+$0x100] =	vst v63  }
0x2d5: {  	s15 =	sadd.s32 $0x10, s15;
	[tilespmem:s6+$0xFFFFFE00] =	vst v1  }
0x2d6: {  	s13 =	sshll.u32 s25, $0x14;
	s6 =	rddreg [dreg:$0x5]  }
0x2d7: {  	s6 =	sor.u32 s6, s13  }
0x2d8: {  	s6 =	sshrl.u32 s6, $0x3  }
0x2d9: {  	s6 =	sadd.s32 s1, s6  }
0x2da: {  	[hbm4b:s6+s20] =	stream.strided.scatter [tilespmem:s2], [sflag:$0x8], $0x2000, s28, s20, $0x38;
	[tilespmem:$0x14400] =	vst v63  }
0x2db: {  	_ =	swait.ge [sflag:s3], $0x4000  }
0x2dc: {  	[sflag:s3] =	ssyncset.done $0x0  }
0x2dd: {  	s25 =	simm.s32 $0x2;
	[sflag:s3] =	ssyncadd.s32 $0xFFFFC000  }
0x2de: {  	_ =	swait.ge [sflag:s25], $0x200  }
0x2df: {  	[sflag:s25] =	ssyncset.done $0x0  }
0x2e0: {  	[sflag:s25] =	ssyncadd.s32 $0xFFFFFE00  }
0x2e1: {  	[tilespmem:s20], [sflag:$0x3] =	stream.indirect.gather [hbm4b:s4+s19], $0x80, s31, s19, $0xb8;
	[tilespmem:$0x14400] =	vst v63  }
0x2e2: {  	_ =	swait.ge [sflag:s10], $0x2000  }
0x2e3: {  	s15 =	simm.s32 $0x0;
	[sflag:s10] =	ssyncset.done $0x0  }
0x2e4: {  	s16 =	simm.s32 $0x10600;
	s18 =	simm.s32 $0x0;
	[sflag:s10] =	ssyncadd.s32 $0xFFFFE000  }
.LBB2_43:
0x2e5: {  	s6 =	sshll.u32 s18, $0x4;
	s21 =	simm.s32 $0x1;
	s23 =	simm.s32 $0x2  }
0x2e6: {  	s7 =	simm.s32 $0x7;
	s8 =	simm.s32 $0x3;
	s25 =	simm.s32 $0x4;
	v1 =	vmov s6;
	v3 =	vmov s21;
	v4 =	vmov s23  }
0x2e7: {  	v5 =	vmov s7;
	v6 =	vmov s8;
	v7 =	vmov s25  }
0x2e8: {  	s7 =	simm.s32 $0x5;
	v1 =	vshll.u32 v1, $0x7;
	v5 =	vand.u32 $0x7F, v5;
	v3 =	vand.u32 $0x79, v3  }
0x2e9: {  	v8 =	vmov s7;
	v4 =	vand.u32 $0x7A, v4;
	v5 =	vbroadcast v5, $0x0  }
0x2ea: {  	s8 =	simm.s32 $0x6;
	v6 =	vand.u32 $0x7B, v6;
	v1 =	vor.u32 v0, v1;
	v3 =	vbroadcast v3, $0x0  }
0x2eb: {  	v9 =	vmov s8;
	v4 =	vbroadcast v4, $0x0;
	v5 =	vor.u32 v1, v5  }
0x2ec: {  	v7 =	vand.u32 $0x7C, v7;
	v6 =	vbroadcast v6, $0x0;
	v3 =	vor.u32 v1, v3  }
0x2ed: {  	v7 =	vbroadcast v7, $0x0;
	v8 =	vand.u32 $0x7D, v8;
	v4 =	vor.u32 v1, v4  }
0x2ee: {  	v9 =	vand.u32 $0x7E, v9;
	v8 =	vbroadcast v8, $0x0;
	v6 =	vor.u32 v1, v6  }
0x2ef: {  	v2 =	vmov s15;
	s12 =	simm.s32 $0x8;
	v9 =	vbroadcast v9, $0x0;
	v7 =	vor.u32 v1, v7  }
0x2f0: {  	v2 =	vand.u32 $0x78, v2;
	s21 =	simm.s32 $0x9;
	v10 =	vmov s12;
	v8 =	vor.u32 v1, v8;
	v5 =	vld.idx.msk [tilespmem:v5+s26+$0x0], $0xffff  }
0x2f1: {  	s23 =	simm.s32 $0xA;
	s25 =	simm.s32 $0xF;
	s12 =	simm.s32 $0xC;
	v2 =	vbroadcast v2, $0x0;
	v11 =	vmov s21;
	v9 =	vor.u32 v1, v9;
	v3 =	vld.idx.msk [tilespmem:v3+s26+$0x0], $0xffff  }
0x2f2: {  	v12 =	vmov s23;
	s8 =	simm.s32 $0xB;
	v13 =	vmov s25;
	v15 =	vmov s12;
	v4 =	vld.idx.msk [tilespmem:v4+s26+$0x0], $0xffff  }
0x2f3: {  	v14 =	vmov s8;
	v13 =	vand.u32 $0x7F, v13;
	v2 =	vor.u32 v1, v2;
	v16 =	vld.idx.msk [tilespmem:v6+s26+$0x0], $0xffff  }
0x2f4: {  	v12 =	vand.u32 $0x7A, v12;
	v6 =	vand.u32 $0x79, v11;
	v11 =	vbroadcast v13, $0x0;
	v7 =	vld.idx.msk [tilespmem:v7+s26+$0x0], $0xffff  }
0x2f5: {  	s21 =	simm.s32 $0xD;
	v6 =	vbroadcast v6, $0x0;
	v17 =	vld.idx.msk [tilespmem:v8+s26+$0x0], $0xffff;
	v8 =	vbroadcast v12, $0x0;
	v12 =	vand.u32 $0x7B, v14  }
0x2f6: {  	v13 =	vmov s21;
	v14 =	vld.idx.msk [tilespmem:v9+s26+$0x0], $0xffff;
	v11 =	vor.u32 v1, v11;
	v9 =	vbroadcast v12, $0x0;
	[tilespmem:s16+$0x180] =	vst v5  }
0x2f7: {  	s23 =	simm.s32 $0xE;
	v18 =	vor.u32 v1, v6;
	v6 =	vor.u32 v1, v8;
	[tilespmem:s16+$0xFFFFFE80] =	vst v3;
	v3 =	vand.u32 $0x7C, v15  }
0x2f8: {  	v8 =	vand.u32 $0x7D, v13;
	v5 =	vmov s23;
	[tilespmem:s16+$0xFFFFFF00] =	vst v4;
	v4 =	vld.idx.msk [tilespmem:v2+s26+$0x0], $0xffff;
	v3 =	vbroadcast v3, $0x0  }
0x2f9: {  	v13 =	vbroadcast v8, $0x0;
	v8 =	vor.u32 v1, v9;
	[tilespmem:s16+$0xFFFFFF80] =	vst v16;
	v5 =	vand.u32 $0x7E, v5  }
0x2fa: {  	v2 =	vand.u32 $0x78, v10;
	[tilespmem:s16+$0x0] =	vst v7;
	v10 =	vbroadcast v5, $0x0;
	v9 =	vor.u32 v1, v3  }
0x2fb: {  	s6 =	simm.s32 $0x18;
	s25 =	simm.s32 $0x11;
	s23 =	simm.s32 $0x10;
	v12 =	vbroadcast v2, $0x0;
	v7 =	vor.u32 v1, v13;
	[tilespmem:s16+$0x80] =	vst v17;
	v3 =	vld.idx.msk [tilespmem:v11+s26+$0x0], $0xffff  }
0x2fc: {  	s7 =	simm.s32 $0x17;
	s8 =	simm.s32 $0x12;
	s21 =	smov.u32 s16;
	v2 =	vmov s23;
	[tilespmem:s16+$0x100] =	vst v14;
	v11 =	vmov s25;
	v5 =	vld.idx.msk [tilespmem:v18+s26+$0x0], $0xffff;
	v10 =	vor.u32 v1, v10  }
.LBB2_44:
0x2fd: {  	p0 =	slt.u32 s6, $0x38;
	v13 =	vmov s8;
	s8 =	sadd.s32 $0x3, s23;
	s12 =	sadd.s32 $0x4, s23;
	v14 =	vmov s7;
	v12 =	vor.u32 v1, v12;
	v15 =	vld.idx.msk [tilespmem:v6+s26+$0x0], $0xffff;
	[tilespmem:s21+$0xFFFFFE00] =	vst v4  }
0x2fe: {  	s7 =	sadd.s32 $0x5, s23;
	v4 =	vmov s8;
	v6 =	vmov s12;
	v14 =	vand.u32 $0x7F, v14;
	v16 =	vld.idx.msk [tilespmem:v8+s26+$0x0], $0xffff  }
0x2ff: {  	v8 =	vand.u32 $0x79, v11;
	v11 =	vmov s7;
	s7 =	sadd.s32 $0x6, s23;
	s23 =	smov.u32 s6;
	v14 =	vbroadcast v14, $0x0;
	v17 =	vld.idx.msk [tilespmem:v9+s26+$0x0], $0xffff  }
0x300: {  	s21 =	sadd.s32 $0x400, s21;
	v8 =	vbroadcast v8, $0x0;
	v9 =	vand.u32 $0x7A, v13;
	v13 =	vmov s7;
	v18 =	vld.idx.msk [tilespmem:v7+s26+$0x0], $0xffff  }
0x301: {  	v4 =	vand.u32 $0x7B, v4;
	v7 =	vbroadcast v9, $0x0;
	v14 =	vor.u32 v1, v14;
	v19 =	vld.idx.msk [tilespmem:v10+s26+$0x0], $0xffff;
	[tilespmem:s21+$0x180] =	vst v3  }
0x302: {  	v10 =	vor.u32 v1, v8;
	v3 =	vbroadcast v4, $0x0;
	v8 =	vand.u32 $0x7C, v6;
	v4 =	vld.idx.msk [tilespmem:v12+s26+$0x0], $0xffff;
	[tilespmem:s21+$0xFFFFFE80] =	vst v5  }
.Ltmp20:
0x303: {  	v6 =	vor.u32 v1, v7;
	v5 =	vbroadcast v8, $0x0;
	v7 =	vand.u32 $0x7D, v11;
	[tilespmem:s21+$0xFFFFFF00] =	vst v15;
	(pc) =	sbr.rel @p0 .LBB2_44-.Ltmp20, $4  }
0x304: {  	v8 =	vor.u32 v1, v3;
	v3 =	vbroadcast v7, $0x0;
	v7 =	vand.u32 $0x7E, v13;
	[tilespmem:s21+$0xFFFFFF80] =	vst v16  }
0x305: {  	v2 =	vand.u32 $0x78, v2;
	v9 =	vor.u32 v1, v5;
	v13 =	vbroadcast v7, $0x0;
	[tilespmem:s21+$0x0] =	vst v17  }
0x306: {  	s7 =	sadd.s32 $0x1, s6;
	v12 =	vbroadcast v2, $0x0;
	v7 =	vor.u32 v1, v3;
	v3 =	vld.idx.msk [tilespmem:v14+s26+$0x0], $0xffff;
	[tilespmem:s21+$0x80] =	vst v18  }
0x307: {  	s8 =	sadd.s32 $0x2, s23;
	s6 =	sadd.s32 $0x8, s6;
	v2 =	vmov s23;
	v11 =	vmov s7;
	s7 =	sadd.s32 $0x7, s23;
	v5 =	vld.idx.msk [tilespmem:v10+s26+$0x0], $0xffff;
	v10 =	vor.u32 v1, v13;
	[tilespmem:s21+$0x100] =	vst v19  }
0x308: {  	_ = 	snop  }
0x309: {  	v13 =	vmov s8;
	s6 =	sadd.s32 $0x3, s23;
	s25 =	sadd.s32 $0x4, s23;
	v14 =	vmov s7;
	v12 =	vor.u32 v1, v12  }
0x30a: {  	s12 =	sadd.s32 $0x5, s23;
	v11 =	vand.u32 $0x79, v11;
	v15 =	vmov s6;
	v16 =	vmov s25  }
0x30b: {  	s23 =	sadd.s32 $0x6, s23;
	v14 =	vand.u32 $0x7F, v14;
	v17 =	vmov s12;
	v11 =	vbroadcast v11, $0x0  }
0x30c: {  	v6 =	vld.idx.msk [tilespmem:v6+s26+$0x0], $0xffff;
	v13 =	vand.u32 $0x7A, v13;
	v18 =	vmov s23;
	v14 =	vbroadcast v14, $0x0  }
0x30d: {  	v8 =	vld.idx.msk [tilespmem:v8+s26+$0x0], $0xffff;
	v13 =	vbroadcast v13, $0x0;
	v15 =	vand.u32 $0x7B, v15;
	v47 =	vor.u32 v1, v11  }
0x30e: {  	[tilespmem:s21+$0xFFFFFE00] =	vst v4;
	v46 =	vld.idx.msk [tilespmem:v9+s26+$0x0], $0xffff;
	s25 =	sadd.s32 $0x400, s21;
	v49 =	vand.u32 $0x7C, v16;
	v48 =	vbroadcast v15, $0x0;
	v14 =	vor.u32 v1, v14  }
0x30f: {  	v7 =	vld.idx.msk [tilespmem:v7+s26+$0x0], $0xffff;
	v51 =	vand.u32 $0x7D, v17;
	[tilespmem:s25+$0x180] =	vst v3;
	v50 =	vbroadcast v49, $0x0;
	v3 =	vor.u32 v1, v13  }
0x310: {  	v10 =	vld.idx.msk [tilespmem:v10+s26+$0x0], $0xffff;
	v54 =	vand.u32 $0x7E, v18;
	v53 =	vbroadcast v51, $0x0;
	[tilespmem:s25+$0xFFFFFE80] =	vst v5;
	v52 =	vor.u32 v1, v48  }
0x311: {  	v2 =	vand.u32 $0x78, v2;
	v56 =	vbroadcast v54, $0x0;
	v12 =	vld.idx.msk [tilespmem:v12+s26+$0x0], $0xffff;
	[tilespmem:s25+$0xFFFFFF00] =	vst v6;
	v55 =	vor.u32 v1, v50  }
0x312: {  	v2 =	vbroadcast v2, $0x0;
	[tilespmem:s25+$0xFFFFFF80] =	vst v8;
	v57 =	vor.u32 v1, v53;
	v59 =	vld.idx.msk [tilespmem:v47+s26+$0x0], $0xffff  }
0x313: {  	[tilespmem:s25+$0x0] =	vst v46;
	v60 =	vor.u32 v1, v56;
	v58 =	vld.idx.msk [tilespmem:v14+s26+$0x0], $0xffff  }
0x314: {  	[tilespmem:s25+$0x80] =	vst v7;
	v1 =	vor.u32 v1, v2;
	v2 =	vld.idx.msk [tilespmem:v3+s26+$0x0], $0xffff  }
0x315: {  	[tilespmem:s25+$0x100] =	vst v10;
	v3 =	vld.idx.msk [tilespmem:v52+s26+$0x0], $0xffff  }
0x316: {  	s6 =	sadd.s32 $0x400, s25;
	[tilespmem:s25+$0xFFFFFE00] =	vst v12;
	v61 =	vld.idx.msk [tilespmem:v55+s26+$0x0], $0xffff  }
0x317: {  	v62 =	vld.idx.msk [tilespmem:v57+s26+$0x0], $0xffff;
	[tilespmem:s6+$0xFFFFFE80] =	vst v59  }
0x318: {  	s18 =	sadd.s32 $0x1, s18;
	v63 =	vld.idx.msk [tilespmem:v60+s26+$0x0], $0xffff;
	[tilespmem:s6+$0x180] =	vst v58  }
0x319: {  	p0 =	sne.s32 s18, $0x8;
	v1 =	vld.idx.msk [tilespmem:v1+s26+$0x0], $0xffff;
	[tilespmem:s6+$0xFFFFFF00] =	vst v2  }
.Ltmp21:
0x31a: {  	[tilespmem:s6+$0xFFFFFF80] =	vst v3;
	(pc) =	sbr.rel @p0 .LBB2_43-.Ltmp21, $4  }
0x31b: {  	[tilespmem:s6+$0x0] =	vst v61  }
0x31c: {  	[tilespmem:s6+$0x80] =	vst v62  }
0x31d: {  	[tilespmem:s6+$0x100] =	vst v63  }
0x31e: {  	s16 =	sadd.s32 $0x10, s16;
	[tilespmem:s6+$0xFFFFFE00] =	vst v1  }
0x31f: {  	s6 =	rddreg [dreg:$0x6]  }
0x320: {  	s6 =	sor.u32 s6, s13  }
0x321: {  	s6 =	sshrl.u32 s6, $0x3  }
0x322: {  	s6 =	sadd.s32 s1, s6  }
0x323: {  	[hbm4b:s6+s20] =	stream.strided.scatter [tilespmem:s29], [sflag:$0x7], $0x2000, s28, s20, $0x38;
	[tilespmem:$0x14400] =	vst v63  }
0x324: {  	_ =	swait.ge [sflag:s11], $0x4000  }
0x325: {  	[sflag:s11] =	ssyncset.done $0x0  }
0x326: {  	s25 =	simm.s32 $0x280;
	[sflag:s11] =	ssyncadd.s32 $0xFFFFC000  }
0x327: {  	[tilespmem:s22], [sflag:$0x4] =	stream.indirect.gather [hbm4b:s4+s19], $0x80, s25, s19, $0xb8;
	[tilespmem:$0x14400] =	vst v63  }
0x328: {  	_ =	swait.ge [sflag:s14], $0x2000  }
0x329: {  	s15 =	simm.s32 $0x0;
	[sflag:s14] =	ssyncset.done $0x0  }
0x32a: {  	s16 =	simm.s32 $0x12600;
	s18 =	simm.s32 $0x0;
	[sflag:s14] =	ssyncadd.s32 $0xFFFFE000  }
.LBB2_47:
0x32b: {  	s6 =	sshll.u32 s18, $0x4;
	s21 =	simm.s32 $0x1;
	s23 =	simm.s32 $0x2  }
0x32c: {  	s7 =	simm.s32 $0x7;
	s8 =	simm.s32 $0x3;
	s25 =	simm.s32 $0x4;
	v1 =	vmov s6;
	v3 =	vmov s21;
	v4 =	vmov s23  }
0x32d: {  	v5 =	vmov s7;
	v6 =	vmov s8;
	v7 =	vmov s25  }
0x32e: {  	s7 =	simm.s32 $0x5;
	v1 =	vshll.u32 v1, $0x7;
	v5 =	vand.u32 $0x7F, v5;
	v3 =	vand.u32 $0x79, v3  }
0x32f: {  	v8 =	vmov s7;
	v4 =	vand.u32 $0x7A, v4;
	v5 =	vbroadcast v5, $0x0  }
0x330: {  	s8 =	simm.s32 $0x6;
	v6 =	vand.u32 $0x7B, v6;
	v1 =	vor.u32 v0, v1;
	v3 =	vbroadcast v3, $0x0  }
0x331: {  	v9 =	vmov s8;
	v4 =	vbroadcast v4, $0x0;
	v5 =	vor.u32 v1, v5  }
0x332: {  	v7 =	vand.u32 $0x7C, v7;
	v6 =	vbroadcast v6, $0x0;
	v3 =	vor.u32 v1, v3  }
0x333: {  	v7 =	vbroadcast v7, $0x0;
	v8 =	vand.u32 $0x7D, v8;
	v4 =	vor.u32 v1, v4  }
0x334: {  	v9 =	vand.u32 $0x7E, v9;
	v8 =	vbroadcast v8, $0x0;
	v6 =	vor.u32 v1, v6  }
0x335: {  	v2 =	vmov s15;
	s12 =	simm.s32 $0x8;
	v9 =	vbroadcast v9, $0x0;
	v7 =	vor.u32 v1, v7  }
0x336: {  	v2 =	vand.u32 $0x78, v2;
	s21 =	simm.s32 $0x9;
	v10 =	vmov s12;
	v8 =	vor.u32 v1, v8;
	v5 =	vld.idx.msk [tilespmem:v5+s0+$0x0], $0xffff  }
0x337: {  	s23 =	simm.s32 $0xA;
	s25 =	simm.s32 $0xF;
	s12 =	simm.s32 $0xC;
	v2 =	vbroadcast v2, $0x0;
	v11 =	vmov s21;
	v9 =	vor.u32 v1, v9;
	v3 =	vld.idx.msk [tilespmem:v3+s0+$0x0], $0xffff  }
0x338: {  	v12 =	vmov s23;
	s8 =	simm.s32 $0xB;
	v13 =	vmov s25;
	v15 =	vmov s12;
	v4 =	vld.idx.msk [tilespmem:v4+s0+$0x0], $0xffff  }
0x339: {  	v14 =	vmov s8;
	v13 =	vand.u32 $0x7F, v13;
	v2 =	vor.u32 v1, v2;
	v16 =	vld.idx.msk [tilespmem:v6+s0+$0x0], $0xffff  }
0x33a: {  	v12 =	vand.u32 $0x7A, v12;
	v6 =	vand.u32 $0x79, v11;
	v11 =	vbroadcast v13, $0x0;
	v7 =	vld.idx.msk [tilespmem:v7+s0+$0x0], $0xffff  }
0x33b: {  	s21 =	simm.s32 $0xD;
	v6 =	vbroadcast v6, $0x0;
	v17 =	vld.idx.msk [tilespmem:v8+s0+$0x0], $0xffff;
	v8 =	vbroadcast v12, $0x0;
	v12 =	vand.u32 $0x7B, v14  }
0x33c: {  	v13 =	vmov s21;
	v14 =	vld.idx.msk [tilespmem:v9+s0+$0x0], $0xffff;
	v11 =	vor.u32 v1, v11;
	v9 =	vbroadcast v12, $0x0;
	[tilespmem:s16+$0x180] =	vst v5  }
0x33d: {  	s23 =	simm.s32 $0xE;
	v18 =	vor.u32 v1, v6;
	v6 =	vor.u32 v1, v8;
	[tilespmem:s16+$0xFFFFFE80] =	vst v3;
	v3 =	vand.u32 $0x7C, v15  }
0x33e: {  	v8 =	vand.u32 $0x7D, v13;
	v5 =	vmov s23;
	[tilespmem:s16+$0xFFFFFF00] =	vst v4;
	v4 =	vld.idx.msk [tilespmem:v2+s0+$0x0], $0xffff;
	v3 =	vbroadcast v3, $0x0  }
0x33f: {  	v13 =	vbroadcast v8, $0x0;
	v8 =	vor.u32 v1, v9;
	[tilespmem:s16+$0xFFFFFF80] =	vst v16;
	v5 =	vand.u32 $0x7E, v5  }
0x340: {  	v2 =	vand.u32 $0x78, v10;
	[tilespmem:s16+$0x0] =	vst v7;
	v10 =	vbroadcast v5, $0x0;
	v9 =	vor.u32 v1, v3  }
0x341: {  	s6 =	simm.s32 $0x18;
	s25 =	simm.s32 $0x11;
	s23 =	simm.s32 $0x10;
	v12 =	vbroadcast v2, $0x0;
	v7 =	vor.u32 v1, v13;
	[tilespmem:s16+$0x80] =	vst v17;
	v3 =	vld.idx.msk [tilespmem:v11+s0+$0x0], $0xffff  }
0x342: {  	s7 =	simm.s32 $0x17;
	s8 =	simm.s32 $0x12;
	s21 =	smov.u32 s16;
	v2 =	vmov s23;
	[tilespmem:s16+$0x100] =	vst v14;
	v11 =	vmov s25;
	v5 =	vld.idx.msk [tilespmem:v18+s0+$0x0], $0xffff;
	v10 =	vor.u32 v1, v10  }
.LBB2_48:
0x343: {  	p0 =	slt.u32 s6, $0x38;
	v13 =	vmov s8;
	s8 =	sadd.s32 $0x3, s23;
	s12 =	sadd.s32 $0x4, s23;
	v14 =	vmov s7;
	v12 =	vor.u32 v1, v12;
	v15 =	vld.idx.msk [tilespmem:v6+s0+$0x0], $0xffff;
	[tilespmem:s21+$0xFFFFFE00] =	vst v4  }
0x344: {  	s7 =	sadd.s32 $0x5, s23;
	v4 =	vmov s8;
	v6 =	vmov s12;
	v14 =	vand.u32 $0x7F, v14;
	v16 =	vld.idx.msk [tilespmem:v8+s0+$0x0], $0xffff  }
0x345: {  	v8 =	vand.u32 $0x79, v11;
	v11 =	vmov s7;
	s7 =	sadd.s32 $0x6, s23;
	s23 =	smov.u32 s6;
	v14 =	vbroadcast v14, $0x0;
	v17 =	vld.idx.msk [tilespmem:v9+s0+$0x0], $0xffff  }
0x346: {  	s21 =	sadd.s32 $0x400, s21;
	v8 =	vbroadcast v8, $0x0;
	v9 =	vand.u32 $0x7A, v13;
	v13 =	vmov s7;
	v18 =	vld.idx.msk [tilespmem:v7+s0+$0x0], $0xffff  }
0x347: {  	v4 =	vand.u32 $0x7B, v4;
	v7 =	vbroadcast v9, $0x0;
	v14 =	vor.u32 v1, v14;
	v19 =	vld.idx.msk [tilespmem:v10+s0+$0x0], $0xffff;
	[tilespmem:s21+$0x180] =	vst v3  }
0x348: {  	v10 =	vor.u32 v1, v8;
	v3 =	vbroadcast v4, $0x0;
	v8 =	vand.u32 $0x7C, v6;
	v4 =	vld.idx.msk [tilespmem:v12+s0+$0x0], $0xffff;
	[tilespmem:s21+$0xFFFFFE80] =	vst v5  }
.Ltmp22:
0x349: {  	v6 =	vor.u32 v1, v7;
	v5 =	vbroadcast v8, $0x0;
	v7 =	vand.u32 $0x7D, v11;
	[tilespmem:s21+$0xFFFFFF00] =	vst v15;
	(pc) =	sbr.rel @p0 .LBB2_48-.Ltmp22, $4  }
0x34a: {  	v8 =	vor.u32 v1, v3;
	v3 =	vbroadcast v7, $0x0;
	v7 =	vand.u32 $0x7E, v13;
	[tilespmem:s21+$0xFFFFFF80] =	vst v16  }
0x34b: {  	v2 =	vand.u32 $0x78, v2;
	v9 =	vor.u32 v1, v5;
	v13 =	vbroadcast v7, $0x0;
	[tilespmem:s21+$0x0] =	vst v17  }
0x34c: {  	s7 =	sadd.s32 $0x1, s6;
	v12 =	vbroadcast v2, $0x0;
	v7 =	vor.u32 v1, v3;
	v3 =	vld.idx.msk [tilespmem:v14+s0+$0x0], $0xffff;
	[tilespmem:s21+$0x80] =	vst v18  }
0x34d: {  	s8 =	sadd.s32 $0x2, s23;
	s6 =	sadd.s32 $0x8, s6;
	v2 =	vmov s23;
	v11 =	vmov s7;
	s7 =	sadd.s32 $0x7, s23;
	v5 =	vld.idx.msk [tilespmem:v10+s0+$0x0], $0xffff;
	v10 =	vor.u32 v1, v13;
	[tilespmem:s21+$0x100] =	vst v19  }
0x34e: {  	_ = 	snop  }
0x34f: {  	v13 =	vmov s8;
	s6 =	sadd.s32 $0x3, s23;
	s25 =	sadd.s32 $0x4, s23;
	v14 =	vmov s7;
	v12 =	vor.u32 v1, v12  }
0x350: {  	s12 =	sadd.s32 $0x5, s23;
	v11 =	vand.u32 $0x79, v11;
	v15 =	vmov s6;
	v16 =	vmov s25  }
0x351: {  	s23 =	sadd.s32 $0x6, s23;
	v14 =	vand.u32 $0x7F, v14;
	v17 =	vmov s12;
	v11 =	vbroadcast v11, $0x0  }
0x352: {  	v6 =	vld.idx.msk [tilespmem:v6+s0+$0x0], $0xffff;
	v13 =	vand.u32 $0x7A, v13;
	v18 =	vmov s23;
	v14 =	vbroadcast v14, $0x0  }
0x353: {  	v8 =	vld.idx.msk [tilespmem:v8+s0+$0x0], $0xffff;
	v13 =	vbroadcast v13, $0x0;
	v15 =	vand.u32 $0x7B, v15;
	v47 =	vor.u32 v1, v11  }
0x354: {  	[tilespmem:s21+$0xFFFFFE00] =	vst v4;
	v46 =	vld.idx.msk [tilespmem:v9+s0+$0x0], $0xffff;
	s25 =	sadd.s32 $0x400, s21;
	v49 =	vand.u32 $0x7C, v16;
	v48 =	vbroadcast v15, $0x0;
	v14 =	vor.u32 v1, v14  }
0x355: {  	v7 =	vld.idx.msk [tilespmem:v7+s0+$0x0], $0xffff;
	v51 =	vand.u32 $0x7D, v17;
	[tilespmem:s25+$0x180] =	vst v3;
	v50 =	vbroadcast v49, $0x0;
	v3 =	vor.u32 v1, v13  }
0x356: {  	v10 =	vld.idx.msk [tilespmem:v10+s0+$0x0], $0xffff;
	v54 =	vand.u32 $0x7E, v18;
	v53 =	vbroadcast v51, $0x0;
	[tilespmem:s25+$0xFFFFFE80] =	vst v5;
	v52 =	vor.u32 v1, v48  }
0x357: {  	v2 =	vand.u32 $0x78, v2;
	v56 =	vbroadcast v54, $0x0;
	v12 =	vld.idx.msk [tilespmem:v12+s0+$0x0], $0xffff;
	[tilespmem:s25+$0xFFFFFF00] =	vst v6;
	v55 =	vor.u32 v1, v50  }
0x358: {  	v2 =	vbroadcast v2, $0x0;
	[tilespmem:s25+$0xFFFFFF80] =	vst v8;
	v57 =	vor.u32 v1, v53;
	v59 =	vld.idx.msk [tilespmem:v47+s0+$0x0], $0xffff  }
0x359: {  	[tilespmem:s25+$0x0] =	vst v46;
	v60 =	vor.u32 v1, v56;
	v58 =	vld.idx.msk [tilespmem:v14+s0+$0x0], $0xffff  }
0x35a: {  	[tilespmem:s25+$0x80] =	vst v7;
	v1 =	vor.u32 v1, v2;
	v2 =	vld.idx.msk [tilespmem:v3+s0+$0x0], $0xffff  }
0x35b: {  	[tilespmem:s25+$0x100] =	vst v10;
	v3 =	vld.idx.msk [tilespmem:v52+s0+$0x0], $0xffff  }
0x35c: {  	s6 =	sadd.s32 $0x400, s25;
	[tilespmem:s25+$0xFFFFFE00] =	vst v12;
	v61 =	vld.idx.msk [tilespmem:v55+s0+$0x0], $0xffff  }
0x35d: {  	v62 =	vld.idx.msk [tilespmem:v57+s0+$0x0], $0xffff;
	[tilespmem:s6+$0xFFFFFE80] =	vst v59  }
0x35e: {  	s18 =	sadd.s32 $0x1, s18;
	v63 =	vld.idx.msk [tilespmem:v60+s0+$0x0], $0xffff;
	[tilespmem:s6+$0x180] =	vst v58  }
0x35f: {  	p0 =	sne.s32 s18, $0x8;
	v1 =	vld.idx.msk [tilespmem:v1+s0+$0x0], $0xffff;
	[tilespmem:s6+$0xFFFFFF00] =	vst v2  }
.Ltmp23:
0x360: {  	[tilespmem:s6+$0xFFFFFF80] =	vst v3;
	(pc) =	sbr.rel @p0 .LBB2_47-.Ltmp23, $4  }
0x361: {  	[tilespmem:s6+$0x0] =	vst v61  }
0x362: {  	[tilespmem:s6+$0x80] =	vst v62  }
0x363: {  	[tilespmem:s6+$0x100] =	vst v63  }
0x364: {  	s16 =	sadd.s32 $0x10, s16;
	[tilespmem:s6+$0xFFFFFE00] =	vst v1  }
0x365: {  	s17 =	sadd.s32 $0x1, s17  }
0x366: {  	p0 =	sne.s32 s17, $0x18  }
.Ltmp24:
0x367: {  	s6 =	rddreg [dreg:$0x9];
	(pc) =	sbr.rel @p0 .LBB2_18-.Ltmp24, $4  }
0x368: {  	s6 =	sor.u32 s6, s13  }
0x369: {  	s6 =	sshrl.u32 s6, $0x3  }
0x36a: {  	s6 =	sadd.s32 s1, s6  }
0x36b: {  	[hbm4b:s6+s20] =	stream.strided.scatter [tilespmem:s2], [sflag:$0x8], $0x2000, s28, s20, $0x38;
	[tilespmem:$0x14400] =	vst v63  }
0x36c: {  	_ =	swait.ge [sflag:s24], $0x4000  }
0x36d: {  	[sflag:s24] =	ssyncset.done $0x0  }
0x36e: {  	s6 =	simm.s32 $0x300;
	[sflag:s24] =	ssyncadd.s32 $0xFFFFC000  }
0x36f: {  	[tilespmem:s26], [sflag:$0x5] =	stream.indirect.gather [hbm4b:s4+s19], $0x80, s6, s19, $0xb8;
	[tilespmem:$0x14400] =	vst v63  }
0x370: {  	_ =	swait.ge [sflag:s10], $0x2000  }
0x371: {  	s13 =	simm.s32 $0x0;
	[sflag:s10] =	ssyncset.done $0x0  }
0x372: {  	s15 =	simm.s32 $0x10600;
	s16 =	simm.s32 $0x0;
	[sflag:s10] =	ssyncadd.s32 $0xFFFFE000  }
.LBB2_52:
0x373: {  	s6 =	sshll.u32 s16, $0x4;
	s8 =	simm.s32 $0x1;
	s12 =	simm.s32 $0x2  }
0x374: {  	s7 =	simm.s32 $0x7;
	s17 =	simm.s32 $0x4;
	s18 =	simm.s32 $0x5;
	v1 =	vmov s6;
	v3 =	vmov s8;
	v4 =	vmov s12  }
0x375: {  	s21 =	simm.s32 $0x6;
	v5 =	vmov s7;
	v7 =	vmov s17;
	v8 =	vmov s18  }
0x376: {  	s8 =	simm.s32 $0x3;
	v9 =	vmov s21;
	v1 =	vshll.u32 v1, $0x7;
	v5 =	vand.u32 $0x7F, v5  }
0x377: {  	v6 =	vmov s8;
	v3 =	vand.u32 $0x79, v3;
	v5 =	vbroadcast v5, $0x0  }
0x378: {  	v4 =	vand.u32 $0x7A, v4;
	v1 =	vor.u32 v0, v1;
	v3 =	vbroadcast v3, $0x0  }
0x379: {  	v7 =	vand.u32 $0x7C, v7;
	v4 =	vbroadcast v4, $0x0;
	v5 =	vor.u32 v1, v5  }
0x37a: {  	v6 =	vand.u32 $0x7B, v6;
	v7 =	vbroadcast v7, $0x0;
	v3 =	vor.u32 v1, v3  }
0x37b: {  	v8 =	vand.u32 $0x7D, v8;
	v6 =	vbroadcast v6, $0x0;
	v4 =	vor.u32 v1, v4  }
0x37c: {  	v9 =	vand.u32 $0x7E, v9;
	v8 =	vbroadcast v8, $0x0;
	v7 =	vor.u32 v1, v7  }
0x37d: {  	v2 =	vmov s13;
	s23 =	simm.s32 $0x8;
	v9 =	vbroadcast v9, $0x0;
	v6 =	vor.u32 v1, v6  }
0x37e: {  	s25 =	simm.s32 $0x9;
	v2 =	vand.u32 $0x78, v2;
	v10 =	vmov s23;
	v8 =	vor.u32 v1, v8;
	v5 =	vld.idx.msk [tilespmem:v5+s20+$0x0], $0xffff  }
0x37f: {  	v11 =	vmov s25;
	s12 =	simm.s32 $0xF;
	s17 =	simm.s32 $0xB;
	s18 =	simm.s32 $0xC;
	v2 =	vbroadcast v2, $0x0;
	v9 =	vor.u32 v1, v9;
	v3 =	vld.idx.msk [tilespmem:v3+s20+$0x0], $0xffff  }
0x380: {  	s8 =	simm.s32 $0xA;
	v13 =	vmov s12;
	v14 =	vmov s17;
	v15 =	vmov s18;
	v4 =	vld.idx.msk [tilespmem:v4+s20+$0x0], $0xffff  }
0x381: {  	v12 =	vmov s8;
	v13 =	vand.u32 $0x7F, v13;
	v2 =	vor.u32 v1, v2;
	v7 =	vld.idx.msk [tilespmem:v7+s20+$0x0], $0xffff  }
0x382: {  	v12 =	vand.u32 $0x7A, v12;
	v16 =	vld.idx.msk [tilespmem:v6+s20+$0x0], $0xffff;
	v6 =	vand.u32 $0x79, v11;
	v11 =	vbroadcast v13, $0x0  }
0x383: {  	s21 =	simm.s32 $0xD;
	v17 =	vld.idx.msk [tilespmem:v8+s20+$0x0], $0xffff;
	v8 =	vbroadcast v12, $0x0;
	v12 =	vand.u32 $0x7B, v14;
	v6 =	vbroadcast v6, $0x0  }
0x384: {  	v14 =	vld.idx.msk [tilespmem:v9+s20+$0x0], $0xffff;
	v13 =	vmov s21;
	v9 =	vbroadcast v12, $0x0;
	v11 =	vor.u32 v1, v11;
	[tilespmem:s15+$0x180] =	vst v5  }
0x385: {  	s23 =	simm.s32 $0xE;
	v18 =	vor.u32 v1, v6;
	v6 =	vor.u32 v1, v8;
	[tilespmem:s15+$0xFFFFFE80] =	vst v3;
	v3 =	vand.u32 $0x7C, v15  }
0x386: {  	v8 =	vand.u32 $0x7D, v13;
	v5 =	vmov s23;
	[tilespmem:s15+$0xFFFFFF00] =	vst v4;
	v4 =	vld.idx.msk [tilespmem:v2+s20+$0x0], $0xffff;
	v3 =	vbroadcast v3, $0x0  }
0x387: {  	v13 =	vbroadcast v8, $0x0;
	v8 =	vor.u32 v1, v9;
	[tilespmem:s15+$0x0] =	vst v7;
	v5 =	vand.u32 $0x7E, v5  }
0x388: {  	v2 =	vand.u32 $0x78, v10;
	[tilespmem:s15+$0x80] =	vst v17;
	v10 =	vbroadcast v5, $0x0;
	v9 =	vor.u32 v1, v3  }
0x389: {  	s25 =	simm.s32 $0x11;
	s7 =	simm.s32 $0x17;
	s17 =	simm.s32 $0x10;
	[tilespmem:s15+$0x100] =	vst v14;
	v12 =	vbroadcast v2, $0x0;
	v7 =	vor.u32 v1, v13;
	v3 =	vld.idx.msk [tilespmem:v11+s20+$0x0], $0xffff  }
0x38a: {  	s6 =	simm.s32 $0x18;
	s18 =	smov.u32 s15;
	s8 =	simm.s32 $0x12;
	[tilespmem:s15+$0xFFFFFF80] =	vst v16;
	v2 =	vmov s17;
	v11 =	vmov s25;
	v5 =	vld.idx.msk [tilespmem:v18+s20+$0x0], $0xffff;
	v10 =	vor.u32 v1, v10  }
.LBB2_53:
0x38b: {  	p0 =	slt.u32 s6, $0x38;
	v13 =	vmov s8;
	s8 =	sadd.s32 $0x3, s17;
	s12 =	sadd.s32 $0x4, s17;
	v14 =	vmov s7;
	v12 =	vor.u32 v1, v12;
	v15 =	vld.idx.msk [tilespmem:v6+s20+$0x0], $0xffff;
	[tilespmem:s18+$0xFFFFFE00] =	vst v4  }
0x38c: {  	s7 =	sadd.s32 $0x5, s17;
	v4 =	vmov s8;
	v6 =	vmov s12;
	v14 =	vand.u32 $0x7F, v14;
	v16 =	vld.idx.msk [tilespmem:v8+s20+$0x0], $0xffff  }
0x38d: {  	v8 =	vand.u32 $0x79, v11;
	v11 =	vmov s7;
	s7 =	sadd.s32 $0x6, s17;
	s17 =	smov.u32 s6;
	v14 =	vbroadcast v14, $0x0;
	v17 =	vld.idx.msk [tilespmem:v9+s20+$0x0], $0xffff  }
0x38e: {  	s18 =	sadd.s32 $0x400, s18;
	v8 =	vbroadcast v8, $0x0;
	v9 =	vand.u32 $0x7A, v13;
	v13 =	vmov s7;
	v18 =	vld.idx.msk [tilespmem:v7+s20+$0x0], $0xffff  }
0x38f: {  	v4 =	vand.u32 $0x7B, v4;
	v7 =	vbroadcast v9, $0x0;
	v14 =	vor.u32 v1, v14;
	v19 =	vld.idx.msk [tilespmem:v10+s20+$0x0], $0xffff;
	[tilespmem:s18+$0x180] =	vst v3  }
0x390: {  	v10 =	vor.u32 v1, v8;
	v3 =	vbroadcast v4, $0x0;
	v8 =	vand.u32 $0x7C, v6;
	v4 =	vld.idx.msk [tilespmem:v12+s20+$0x0], $0xffff;
	[tilespmem:s18+$0xFFFFFE80] =	vst v5  }
.Ltmp25:
0x391: {  	v6 =	vor.u32 v1, v7;
	v5 =	vbroadcast v8, $0x0;
	v7 =	vand.u32 $0x7D, v11;
	[tilespmem:s18+$0xFFFFFF00] =	vst v15;
	(pc) =	sbr.rel @p0 .LBB2_53-.Ltmp25, $4  }
0x392: {  	v8 =	vor.u32 v1, v3;
	v3 =	vbroadcast v7, $0x0;
	v7 =	vand.u32 $0x7E, v13;
	[tilespmem:s18+$0xFFFFFF80] =	vst v16  }
0x393: {  	v2 =	vand.u32 $0x78, v2;
	v9 =	vor.u32 v1, v5;
	v13 =	vbroadcast v7, $0x0;
	[tilespmem:s18+$0x0] =	vst v17  }
0x394: {  	s7 =	sadd.s32 $0x1, s6;
	v12 =	vbroadcast v2, $0x0;
	v7 =	vor.u32 v1, v3;
	v3 =	vld.idx.msk [tilespmem:v14+s20+$0x0], $0xffff;
	[tilespmem:s18+$0x80] =	vst v18  }
0x395: {  	s8 =	sadd.s32 $0x2, s17;
	s6 =	sadd.s32 $0x8, s6;
	v2 =	vmov s17;
	v11 =	vmov s7;
	s7 =	sadd.s32 $0x7, s17;
	v5 =	vld.idx.msk [tilespmem:v10+s20+$0x0], $0xffff;
	v10 =	vor.u32 v1, v13;
	[tilespmem:s18+$0x100] =	vst v19  }
0x396: {  	_ = 	snop  }
0x397: {  	v13 =	vmov s8;
	s6 =	sadd.s32 $0x3, s17;
	s12 =	sadd.s32 $0x4, s17;
	v14 =	vmov s7;
	v12 =	vor.u32 v1, v12  }
0x398: {  	s21 =	sadd.s32 $0x5, s17;
	v11 =	vand.u32 $0x79, v11;
	v15 =	vmov s6;
	v16 =	vmov s12  }
0x399: {  	s23 =	sadd.s32 $0x6, s17;
	v14 =	vand.u32 $0x7F, v14;
	v17 =	vmov s21;
	v11 =	vbroadcast v11, $0x0  }
0x39a: {  	v6 =	vld.idx.msk [tilespmem:v6+s20+$0x0], $0xffff;
	v13 =	vand.u32 $0x7A, v13;
	v18 =	vmov s23;
	v14 =	vbroadcast v14, $0x0  }
0x39b: {  	v8 =	vld.idx.msk [tilespmem:v8+s20+$0x0], $0xffff;
	v13 =	vbroadcast v13, $0x0;
	v15 =	vand.u32 $0x7B, v15;
	v47 =	vor.u32 v1, v11  }
0x39c: {  	[tilespmem:s18+$0xFFFFFE00] =	vst v4;
	v46 =	vld.idx.msk [tilespmem:v9+s20+$0x0], $0xffff;
	s25 =	sadd.s32 $0x400, s18;
	v49 =	vand.u32 $0x7C, v16;
	v48 =	vbroadcast v15, $0x0;
	v14 =	vor.u32 v1, v14  }
0x39d: {  	v7 =	vld.idx.msk [tilespmem:v7+s20+$0x0], $0xffff;
	v51 =	vand.u32 $0x7D, v17;
	[tilespmem:s25+$0x180] =	vst v3;
	v50 =	vbroadcast v49, $0x0;
	v3 =	vor.u32 v1, v13  }
0x39e: {  	v10 =	vld.idx.msk [tilespmem:v10+s20+$0x0], $0xffff;
	v54 =	vand.u32 $0x7E, v18;
	v53 =	vbroadcast v51, $0x0;
	[tilespmem:s25+$0xFFFFFE80] =	vst v5;
	v52 =	vor.u32 v1, v48  }
0x39f: {  	v2 =	vand.u32 $0x78, v2;
	v56 =	vbroadcast v54, $0x0;
	v12 =	vld.idx.msk [tilespmem:v12+s20+$0x0], $0xffff;
	[tilespmem:s25+$0xFFFFFF00] =	vst v6;
	v55 =	vor.u32 v1, v50  }
0x3a0: {  	v2 =	vbroadcast v2, $0x0;
	[tilespmem:s25+$0xFFFFFF80] =	vst v8;
	v57 =	vor.u32 v1, v53;
	v59 =	vld.idx.msk [tilespmem:v47+s20+$0x0], $0xffff  }
0x3a1: {  	[tilespmem:s25+$0x0] =	vst v46;
	v60 =	vor.u32 v1, v56;
	v58 =	vld.idx.msk [tilespmem:v14+s20+$0x0], $0xffff  }
0x3a2: {  	[tilespmem:s25+$0x80] =	vst v7;
	v1 =	vor.u32 v1, v2;
	v2 =	vld.idx.msk [tilespmem:v3+s20+$0x0], $0xffff  }
0x3a3: {  	[tilespmem:s25+$0x100] =	vst v10;
	v3 =	vld.idx.msk [tilespmem:v52+s20+$0x0], $0xffff  }
0x3a4: {  	s6 =	sadd.s32 $0x400, s25;
	[tilespmem:s25+$0xFFFFFE00] =	vst v12;
	v61 =	vld.idx.msk [tilespmem:v55+s20+$0x0], $0xffff  }
0x3a5: {  	v62 =	vld.idx.msk [tilespmem:v57+s20+$0x0], $0xffff;
	[tilespmem:s6+$0xFFFFFE80] =	vst v59  }
0x3a6: {  	s16 =	sadd.s32 $0x1, s16;
	v63 =	vld.idx.msk [tilespmem:v60+s20+$0x0], $0xffff;
	[tilespmem:s6+$0x180] =	vst v58  }
0x3a7: {  	p0 =	sne.s32 s16, $0x8;
	v1 =	vld.idx.msk [tilespmem:v1+s20+$0x0], $0xffff;
	[tilespmem:s6+$0xFFFFFF00] =	vst v2  }
.Ltmp26:
0x3a8: {  	[tilespmem:s6+$0xFFFFFF80] =	vst v3;
	(pc) =	sbr.rel @p0 .LBB2_52-.Ltmp26, $4  }
0x3a9: {  	[tilespmem:s6+$0x0] =	vst v61  }
0x3aa: {  	[tilespmem:s6+$0x80] =	vst v62  }
0x3ab: {  	[tilespmem:s6+$0x100] =	vst v63  }
0x3ac: {  	s15 =	sadd.s32 $0x10, s15;
	[tilespmem:s6+$0xFFFFFE00] =	vst v1  }
0x3ad: {  	s6 =	rddreg [dreg:$0xa]  }
0x3ae: {  	[hbm4b:s6+s20] =	stream.strided.scatter [tilespmem:s29], [sflag:$0x7], $0x2000, s28, s20, $0x38;
	[tilespmem:$0x14400] =	vst v63  }
0x3af: {  	_ =	swait.ge [sflag:s30], $0x4000  }
0x3b0: {  	[sflag:s30] =	ssyncset.done $0x0  }
0x3b1: {  	s25 =	simm.s32 $0x380;
	[sflag:s30] =	ssyncadd.s32 $0xFFFFC000  }
0x3b2: {  	[tilespmem:s0], [sflag:$0x6] =	stream.indirect.gather [hbm4b:s4+s19], $0x80, s25, s19, $0xb8;
	[tilespmem:$0x14400] =	vst v63  }
0x3b3: {  	_ =	swait.ge [sflag:s14], $0x2000  }
0x3b4: {  	s13 =	simm.s32 $0x0;
	[sflag:s14] =	ssyncset.done $0x0  }
0x3b5: {  	s15 =	simm.s32 $0x12600;
	s16 =	simm.s32 $0x0;
	[sflag:s14] =	ssyncadd.s32 $0xFFFFE000  }
.LBB2_56:
0x3b6: {  	s6 =	sshll.u32 s16, $0x4;
	s8 =	simm.s32 $0x1;
	s12 =	simm.s32 $0x2  }
0x3b7: {  	s7 =	simm.s32 $0x7;
	s17 =	simm.s32 $0x4;
	s18 =	simm.s32 $0x5;
	v1 =	vmov s6;
	v3 =	vmov s8;
	v4 =	vmov s12  }
0x3b8: {  	s21 =	simm.s32 $0x6;
	v5 =	vmov s7;
	v7 =	vmov s17;
	v8 =	vmov s18  }
0x3b9: {  	s8 =	simm.s32 $0x3;
	v9 =	vmov s21;
	v1 =	vshll.u32 v1, $0x7;
	v5 =	vand.u32 $0x7F, v5  }
0x3ba: {  	v6 =	vmov s8;
	v3 =	vand.u32 $0x79, v3;
	v5 =	vbroadcast v5, $0x0  }
0x3bb: {  	v4 =	vand.u32 $0x7A, v4;
	v1 =	vor.u32 v0, v1;
	v3 =	vbroadcast v3, $0x0  }
0x3bc: {  	v7 =	vand.u32 $0x7C, v7;
	v4 =	vbroadcast v4, $0x0;
	v5 =	vor.u32 v1, v5  }
0x3bd: {  	v6 =	vand.u32 $0x7B, v6;
	v7 =	vbroadcast v7, $0x0;
	v3 =	vor.u32 v1, v3  }
0x3be: {  	v8 =	vand.u32 $0x7D, v8;
	v6 =	vbroadcast v6, $0x0;
	v4 =	vor.u32 v1, v4  }
0x3bf: {  	v9 =	vand.u32 $0x7E, v9;
	v8 =	vbroadcast v8, $0x0;
	v7 =	vor.u32 v1, v7  }
0x3c0: {  	v2 =	vmov s13;
	s23 =	simm.s32 $0x8;
	v9 =	vbroadcast v9, $0x0;
	v6 =	vor.u32 v1, v6  }
0x3c1: {  	s25 =	simm.s32 $0x9;
	v2 =	vand.u32 $0x78, v2;
	v10 =	vmov s23;
	v8 =	vor.u32 v1, v8;
	v5 =	vld.idx.msk [tilespmem:v5+s22+$0x0], $0xffff  }
0x3c2: {  	v11 =	vmov s25;
	s12 =	simm.s32 $0xF;
	s17 =	simm.s32 $0xB;
	s18 =	simm.s32 $0xC;
	v2 =	vbroadcast v2, $0x0;
	v9 =	vor.u32 v1, v9;
	v3 =	vld.idx.msk [tilespmem:v3+s22+$0x0], $0xffff  }
0x3c3: {  	s8 =	simm.s32 $0xA;
	v13 =	vmov s12;
	v14 =	vmov s17;
	v15 =	vmov s18;
	v4 =	vld.idx.msk [tilespmem:v4+s22+$0x0], $0xffff  }
0x3c4: {  	v12 =	vmov s8;
	v13 =	vand.u32 $0x7F, v13;
	v2 =	vor.u32 v1, v2;
	v7 =	vld.idx.msk [tilespmem:v7+s22+$0x0], $0xffff  }
0x3c5: {  	v12 =	vand.u32 $0x7A, v12;
	v16 =	vld.idx.msk [tilespmem:v6+s22+$0x0], $0xffff;
	v6 =	vand.u32 $0x79, v11;
	v11 =	vbroadcast v13, $0x0  }
0x3c6: {  	s21 =	simm.s32 $0xD;
	v17 =	vld.idx.msk [tilespmem:v8+s22+$0x0], $0xffff;
	v8 =	vbroadcast v12, $0x0;
	v12 =	vand.u32 $0x7B, v14;
	v6 =	vbroadcast v6, $0x0  }
0x3c7: {  	v14 =	vld.idx.msk [tilespmem:v9+s22+$0x0], $0xffff;
	v13 =	vmov s21;
	v9 =	vbroadcast v12, $0x0;
	v11 =	vor.u32 v1, v11;
	[tilespmem:s15+$0x180] =	vst v5  }
0x3c8: {  	s23 =	simm.s32 $0xE;
	v18 =	vor.u32 v1, v6;
	v6 =	vor.u32 v1, v8;
	[tilespmem:s15+$0xFFFFFE80] =	vst v3;
	v3 =	vand.u32 $0x7C, v15  }
0x3c9: {  	v8 =	vand.u32 $0x7D, v13;
	v5 =	vmov s23;
	[tilespmem:s15+$0xFFFFFF00] =	vst v4;
	v4 =	vld.idx.msk [tilespmem:v2+s22+$0x0], $0xffff;
	v3 =	vbroadcast v3, $0x0  }
0x3ca: {  	v13 =	vbroadcast v8, $0x0;
	v8 =	vor.u32 v1, v9;
	[tilespmem:s15+$0x0] =	vst v7;
	v5 =	vand.u32 $0x7E, v5  }
0x3cb: {  	v2 =	vand.u32 $0x78, v10;
	[tilespmem:s15+$0x80] =	vst v17;
	v10 =	vbroadcast v5, $0x0;
	v9 =	vor.u32 v1, v3  }
0x3cc: {  	s25 =	simm.s32 $0x11;
	s7 =	simm.s32 $0x17;
	s17 =	simm.s32 $0x10;
	[tilespmem:s15+$0x100] =	vst v14;
	v12 =	vbroadcast v2, $0x0;
	v7 =	vor.u32 v1, v13;
	v3 =	vld.idx.msk [tilespmem:v11+s22+$0x0], $0xffff  }
0x3cd: {  	s6 =	simm.s32 $0x18;
	s18 =	smov.u32 s15;
	s8 =	simm.s32 $0x12;
	[tilespmem:s15+$0xFFFFFF80] =	vst v16;
	v2 =	vmov s17;
	v11 =	vmov s25;
	v5 =	vld.idx.msk [tilespmem:v18+s22+$0x0], $0xffff;
	v10 =	vor.u32 v1, v10  }
.LBB2_57:
0x3ce: {  	p0 =	slt.u32 s6, $0x38;
	v13 =	vmov s8;
	s8 =	sadd.s32 $0x3, s17;
	s12 =	sadd.s32 $0x4, s17;
	v14 =	vmov s7;
	v12 =	vor.u32 v1, v12;
	v15 =	vld.idx.msk [tilespmem:v6+s22+$0x0], $0xffff;
	[tilespmem:s18+$0xFFFFFE00] =	vst v4  }
0x3cf: {  	s7 =	sadd.s32 $0x5, s17;
	v4 =	vmov s8;
	v6 =	vmov s12;
	v14 =	vand.u32 $0x7F, v14;
	v16 =	vld.idx.msk [tilespmem:v8+s22+$0x0], $0xffff  }
0x3d0: {  	v8 =	vand.u32 $0x79, v11;
	v11 =	vmov s7;
	s7 =	sadd.s32 $0x6, s17;
	s17 =	smov.u32 s6;
	v14 =	vbroadcast v14, $0x0;
	v17 =	vld.idx.msk [tilespmem:v9+s22+$0x0], $0xffff  }
0x3d1: {  	s18 =	sadd.s32 $0x400, s18;
	v8 =	vbroadcast v8, $0x0;
	v9 =	vand.u32 $0x7A, v13;
	v13 =	vmov s7;
	v18 =	vld.idx.msk [tilespmem:v7+s22+$0x0], $0xffff  }
0x3d2: {  	v4 =	vand.u32 $0x7B, v4;
	v7 =	vbroadcast v9, $0x0;
	v14 =	vor.u32 v1, v14;
	v19 =	vld.idx.msk [tilespmem:v10+s22+$0x0], $0xffff;
	[tilespmem:s18+$0x180] =	vst v3  }
0x3d3: {  	v10 =	vor.u32 v1, v8;
	v3 =	vbroadcast v4, $0x0;
	v8 =	vand.u32 $0x7C, v6;
	v4 =	vld.idx.msk [tilespmem:v12+s22+$0x0], $0xffff;
	[tilespmem:s18+$0xFFFFFE80] =	vst v5  }
.Ltmp27:
0x3d4: {  	v6 =	vor.u32 v1, v7;
	v5 =	vbroadcast v8, $0x0;
	v7 =	vand.u32 $0x7D, v11;
	[tilespmem:s18+$0xFFFFFF00] =	vst v15;
	(pc) =	sbr.rel @p0 .LBB2_57-.Ltmp27, $4  }
0x3d5: {  	v8 =	vor.u32 v1, v3;
	v3 =	vbroadcast v7, $0x0;
	v7 =	vand.u32 $0x7E, v13;
	[tilespmem:s18+$0xFFFFFF80] =	vst v16  }
0x3d6: {  	v2 =	vand.u32 $0x78, v2;
	v9 =	vor.u32 v1, v5;
	v13 =	vbroadcast v7, $0x0;
	[tilespmem:s18+$0x0] =	vst v17  }
0x3d7: {  	s7 =	sadd.s32 $0x1, s6;
	v12 =	vbroadcast v2, $0x0;
	v7 =	vor.u32 v1, v3;
	v3 =	vld.idx.msk [tilespmem:v14+s22+$0x0], $0xffff;
	[tilespmem:s18+$0x80] =	vst v18  }
0x3d8: {  	s8 =	sadd.s32 $0x2, s17;
	s6 =	sadd.s32 $0x8, s6;
	v2 =	vmov s17;
	v11 =	vmov s7;
	s7 =	sadd.s32 $0x7, s17;
	v5 =	vld.idx.msk [tilespmem:v10+s22+$0x0], $0xffff;
	v10 =	vor.u32 v1, v13;
	[tilespmem:s18+$0x100] =	vst v19  }
0x3d9: {  	_ = 	snop  }
0x3da: {  	v13 =	vmov s8;
	s6 =	sadd.s32 $0x3, s17;
	s12 =	sadd.s32 $0x4, s17;
	v14 =	vmov s7;
	v12 =	vor.u32 v1, v12  }
0x3db: {  	s21 =	sadd.s32 $0x5, s17;
	v11 =	vand.u32 $0x79, v11;
	v15 =	vmov s6;
	v16 =	vmov s12  }
0x3dc: {  	s23 =	sadd.s32 $0x6, s17;
	v14 =	vand.u32 $0x7F, v14;
	v17 =	vmov s21;
	v11 =	vbroadcast v11, $0x0  }
0x3dd: {  	v6 =	vld.idx.msk [tilespmem:v6+s22+$0x0], $0xffff;
	v13 =	vand.u32 $0x7A, v13;
	v18 =	vmov s23;
	v14 =	vbroadcast v14, $0x0  }
0x3de: {  	v8 =	vld.idx.msk [tilespmem:v8+s22+$0x0], $0xffff;
	v13 =	vbroadcast v13, $0x0;
	v15 =	vand.u32 $0x7B, v15;
	v47 =	vor.u32 v1, v11  }
0x3df: {  	[tilespmem:s18+$0xFFFFFE00] =	vst v4;
	v46 =	vld.idx.msk [tilespmem:v9+s22+$0x0], $0xffff;
	s25 =	sadd.s32 $0x400, s18;
	v49 =	vand.u32 $0x7C, v16;
	v48 =	vbroadcast v15, $0x0;
	v14 =	vor.u32 v1, v14  }
0x3e0: {  	v7 =	vld.idx.msk [tilespmem:v7+s22+$0x0], $0xffff;
	v51 =	vand.u32 $0x7D, v17;
	[tilespmem:s25+$0x180] =	vst v3;
	v50 =	vbroadcast v49, $0x0;
	v3 =	vor.u32 v1, v13  }
0x3e1: {  	v10 =	vld.idx.msk [tilespmem:v10+s22+$0x0], $0xffff;
	v54 =	vand.u32 $0x7E, v18;
	v53 =	vbroadcast v51, $0x0;
	[tilespmem:s25+$0xFFFFFE80] =	vst v5;
	v52 =	vor.u32 v1, v48  }
0x3e2: {  	v2 =	vand.u32 $0x78, v2;
	v56 =	vbroadcast v54, $0x0;
	v12 =	vld.idx.msk [tilespmem:v12+s22+$0x0], $0xffff;
	[tilespmem:s25+$0xFFFFFF00] =	vst v6;
	v55 =	vor.u32 v1, v50  }
0x3e3: {  	v2 =	vbroadcast v2, $0x0;
	[tilespmem:s25+$0xFFFFFF80] =	vst v8;
	v57 =	vor.u32 v1, v53;
	v59 =	vld.idx.msk [tilespmem:v47+s22+$0x0], $0xffff  }
0x3e4: {  	[tilespmem:s25+$0x0] =	vst v46;
	v60 =	vor.u32 v1, v56;
	v58 =	vld.idx.msk [tilespmem:v14+s22+$0x0], $0xffff  }
0x3e5: {  	[tilespmem:s25+$0x80] =	vst v7;
	v1 =	vor.u32 v1, v2;
	v2 =	vld.idx.msk [tilespmem:v3+s22+$0x0], $0xffff  }
0x3e6: {  	[tilespmem:s25+$0x100] =	vst v10;
	v3 =	vld.idx.msk [tilespmem:v52+s22+$0x0], $0xffff  }
0x3e7: {  	s6 =	sadd.s32 $0x400, s25;
	[tilespmem:s25+$0xFFFFFE00] =	vst v12;
	v61 =	vld.idx.msk [tilespmem:v55+s22+$0x0], $0xffff  }
0x3e8: {  	v62 =	vld.idx.msk [tilespmem:v57+s22+$0x0], $0xffff;
	[tilespmem:s6+$0xFFFFFE80] =	vst v59  }
0x3e9: {  	s16 =	sadd.s32 $0x1, s16;
	v63 =	vld.idx.msk [tilespmem:v60+s22+$0x0], $0xffff;
	[tilespmem:s6+$0x180] =	vst v58  }
0x3ea: {  	p0 =	sne.s32 s16, $0x8;
	v1 =	vld.idx.msk [tilespmem:v1+s22+$0x0], $0xffff;
	[tilespmem:s6+$0xFFFFFF00] =	vst v2  }
.Ltmp28:
0x3eb: {  	[tilespmem:s6+$0xFFFFFF80] =	vst v3;
	(pc) =	sbr.rel @p0 .LBB2_56-.Ltmp28, $4  }
0x3ec: {  	[tilespmem:s6+$0x0] =	vst v61  }
0x3ed: {  	[tilespmem:s6+$0x80] =	vst v62  }
0x3ee: {  	[tilespmem:s6+$0x100] =	vst v63  }
0x3ef: {  	s15 =	sadd.s32 $0x10, s15;
	[tilespmem:s6+$0xFFFFFE00] =	vst v1  }
0x3f0: {  	s6 =	rddreg [dreg:$0xb]  }
0x3f1: {  	[hbm4b:s6+s20] =	stream.strided.scatter [tilespmem:s2], [sflag:$0x8], $0x2000, s28, s20, $0x38;
	[tilespmem:$0x14400] =	vst v63  }
0x3f2: {  	_ =	swait.ge [sflag:s3], $0x4000  }
0x3f3: {  	[sflag:s3] =	ssyncset.done $0x0  }
0x3f4: {  	[sflag:s3] =	ssyncadd.s32 $0xFFFFC000  }
0x3f5: {  	_ =	swait.ge [sflag:s10], $0x2000  }
0x3f6: {  	s13 =	simm.s32 $0x0;
	[sflag:s10] =	ssyncset.done $0x0  }
0x3f7: {  	s15 =	simm.s32 $0x10600;
	s16 =	simm.s32 $0x0;
	[sflag:s10] =	ssyncadd.s32 $0xFFFFE000  }
.LBB2_60:
0x3f8: {  	s6 =	sshll.u32 s16, $0x4;
	s8 =	simm.s32 $0x1;
	s12 =	simm.s32 $0x2  }
0x3f9: {  	s7 =	simm.s32 $0x7;
	s17 =	simm.s32 $0x4;
	s18 =	simm.s32 $0x5;
	v1 =	vmov s6;
	v3 =	vmov s8;
	v4 =	vmov s12  }
0x3fa: {  	s21 =	simm.s32 $0x6;
	v5 =	vmov s7;
	v7 =	vmov s17;
	v8 =	vmov s18  }
0x3fb: {  	s8 =	simm.s32 $0x3;
	v9 =	vmov s21;
	v1 =	vshll.u32 v1, $0x7;
	v5 =	vand.u32 $0x7F, v5  }
0x3fc: {  	v6 =	vmov s8;
	v3 =	vand.u32 $0x79, v3;
	v5 =	vbroadcast v5, $0x0  }
0x3fd: {  	v4 =	vand.u32 $0x7A, v4;
	v1 =	vor.u32 v0, v1;
	v3 =	vbroadcast v3, $0x0  }
0x3fe: {  	v7 =	vand.u32 $0x7C, v7;
	v4 =	vbroadcast v4, $0x0;
	v5 =	vor.u32 v1, v5  }
0x3ff: {  	v6 =	vand.u32 $0x7B, v6;
	v7 =	vbroadcast v7, $0x0;
	v3 =	vor.u32 v1, v3  }
0x400: {  	v8 =	vand.u32 $0x7D, v8;
	v6 =	vbroadcast v6, $0x0;
	v4 =	vor.u32 v1, v4  }
0x401: {  	v9 =	vand.u32 $0x7E, v9;
	v8 =	vbroadcast v8, $0x0;
	v7 =	vor.u32 v1, v7  }
0x402: {  	v2 =	vmov s13;
	s23 =	simm.s32 $0x8;
	v9 =	vbroadcast v9, $0x0;
	v6 =	vor.u32 v1, v6  }
0x403: {  	s25 =	simm.s32 $0x9;
	v2 =	vand.u32 $0x78, v2;
	v10 =	vmov s23;
	v8 =	vor.u32 v1, v8;
	v5 =	vld.idx.msk [tilespmem:v5+s26+$0x0], $0xffff  }
0x404: {  	v11 =	vmov s25;
	s12 =	simm.s32 $0xF;
	s17 =	simm.s32 $0xB;
	s18 =	simm.s32 $0xC;
	v2 =	vbroadcast v2, $0x0;
	v9 =	vor.u32 v1, v9;
	v3 =	vld.idx.msk [tilespmem:v3+s26+$0x0], $0xffff  }
0x405: {  	s8 =	simm.s32 $0xA;
	v13 =	vmov s12;
	v14 =	vmov s17;
	v15 =	vmov s18;
	v4 =	vld.idx.msk [tilespmem:v4+s26+$0x0], $0xffff  }
0x406: {  	v12 =	vmov s8;
	v13 =	vand.u32 $0x7F, v13;
	v2 =	vor.u32 v1, v2;
	v7 =	vld.idx.msk [tilespmem:v7+s26+$0x0], $0xffff  }
0x407: {  	v12 =	vand.u32 $0x7A, v12;
	v16 =	vld.idx.msk [tilespmem:v6+s26+$0x0], $0xffff;
	v6 =	vand.u32 $0x79, v11;
	v11 =	vbroadcast v13, $0x0  }
0x408: {  	s21 =	simm.s32 $0xD;
	v17 =	vld.idx.msk [tilespmem:v8+s26+$0x0], $0xffff;
	v8 =	vbroadcast v12, $0x0;
	v12 =	vand.u32 $0x7B, v14;
	v6 =	vbroadcast v6, $0x0  }
0x409: {  	v14 =	vld.idx.msk [tilespmem:v9+s26+$0x0], $0xffff;
	v13 =	vmov s21;
	v9 =	vbroadcast v12, $0x0;
	v11 =	vor.u32 v1, v11;
	[tilespmem:s15+$0x180] =	vst v5  }
0x40a: {  	s23 =	simm.s32 $0xE;
	v18 =	vor.u32 v1, v6;
	v6 =	vor.u32 v1, v8;
	[tilespmem:s15+$0xFFFFFE80] =	vst v3;
	v3 =	vand.u32 $0x7C, v15  }
0x40b: {  	v8 =	vand.u32 $0x7D, v13;
	v5 =	vmov s23;
	[tilespmem:s15+$0xFFFFFF00] =	vst v4;
	v4 =	vld.idx.msk [tilespmem:v2+s26+$0x0], $0xffff;
	v3 =	vbroadcast v3, $0x0  }
0x40c: {  	v13 =	vbroadcast v8, $0x0;
	v8 =	vor.u32 v1, v9;
	[tilespmem:s15+$0x0] =	vst v7;
	v5 =	vand.u32 $0x7E, v5  }
0x40d: {  	v2 =	vand.u32 $0x78, v10;
	[tilespmem:s15+$0x80] =	vst v17;
	v10 =	vbroadcast v5, $0x0;
	v9 =	vor.u32 v1, v3  }
0x40e: {  	s25 =	simm.s32 $0x11;
	s7 =	simm.s32 $0x17;
	s17 =	simm.s32 $0x10;
	[tilespmem:s15+$0x100] =	vst v14;
	v12 =	vbroadcast v2, $0x0;
	v7 =	vor.u32 v1, v13;
	v3 =	vld.idx.msk [tilespmem:v11+s26+$0x0], $0xffff  }
0x40f: {  	s6 =	simm.s32 $0x18;
	s18 =	smov.u32 s15;
	s8 =	simm.s32 $0x12;
	[tilespmem:s15+$0xFFFFFF80] =	vst v16;
	v2 =	vmov s17;
	v11 =	vmov s25;
	v5 =	vld.idx.msk [tilespmem:v18+s26+$0x0], $0xffff;
	v10 =	vor.u32 v1, v10  }
.LBB2_61:
0x410: {  	p0 =	slt.u32 s6, $0x38;
	v13 =	vmov s8;
	s8 =	sadd.s32 $0x3, s17;
	s12 =	sadd.s32 $0x4, s17;
	v14 =	vmov s7;
	v12 =	vor.u32 v1, v12;
	v15 =	vld.idx.msk [tilespmem:v6+s26+$0x0], $0xffff;
	[tilespmem:s18+$0xFFFFFE00] =	vst v4  }
0x411: {  	s7 =	sadd.s32 $0x5, s17;
	v4 =	vmov s8;
	v6 =	vmov s12;
	v14 =	vand.u32 $0x7F, v14;
	v16 =	vld.idx.msk [tilespmem:v8+s26+$0x0], $0xffff  }
0x412: {  	v8 =	vand.u32 $0x79, v11;
	v11 =	vmov s7;
	s7 =	sadd.s32 $0x6, s17;
	s17 =	smov.u32 s6;
	v14 =	vbroadcast v14, $0x0;
	v17 =	vld.idx.msk [tilespmem:v9+s26+$0x0], $0xffff  }
0x413: {  	s18 =	sadd.s32 $0x400, s18;
	v8 =	vbroadcast v8, $0x0;
	v9 =	vand.u32 $0x7A, v13;
	v13 =	vmov s7;
	v18 =	vld.idx.msk [tilespmem:v7+s26+$0x0], $0xffff  }
0x414: {  	v4 =	vand.u32 $0x7B, v4;
	v7 =	vbroadcast v9, $0x0;
	v14 =	vor.u32 v1, v14;
	v19 =	vld.idx.msk [tilespmem:v10+s26+$0x0], $0xffff;
	[tilespmem:s18+$0x180] =	vst v3  }
0x415: {  	v10 =	vor.u32 v1, v8;
	v3 =	vbroadcast v4, $0x0;
	v8 =	vand.u32 $0x7C, v6;
	v4 =	vld.idx.msk [tilespmem:v12+s26+$0x0], $0xffff;
	[tilespmem:s18+$0xFFFFFE80] =	vst v5  }
.Ltmp29:
0x416: {  	v6 =	vor.u32 v1, v7;
	v5 =	vbroadcast v8, $0x0;
	v7 =	vand.u32 $0x7D, v11;
	[tilespmem:s18+$0xFFFFFF00] =	vst v15;
	(pc) =	sbr.rel @p0 .LBB2_61-.Ltmp29, $4  }
0x417: {  	v8 =	vor.u32 v1, v3;
	v3 =	vbroadcast v7, $0x0;
	v7 =	vand.u32 $0x7E, v13;
	[tilespmem:s18+$0xFFFFFF80] =	vst v16  }
0x418: {  	v2 =	vand.u32 $0x78, v2;
	v9 =	vor.u32 v1, v5;
	v13 =	vbroadcast v7, $0x0;
	[tilespmem:s18+$0x0] =	vst v17  }
0x419: {  	s7 =	sadd.s32 $0x1, s6;
	v12 =	vbroadcast v2, $0x0;
	v7 =	vor.u32 v1, v3;
	v3 =	vld.idx.msk [tilespmem:v14+s26+$0x0], $0xffff;
	[tilespmem:s18+$0x80] =	vst v18  }
0x41a: {  	s8 =	sadd.s32 $0x2, s17;
	s6 =	sadd.s32 $0x8, s6;
	v2 =	vmov s17;
	v11 =	vmov s7;
	s7 =	sadd.s32 $0x7, s17;
	v5 =	vld.idx.msk [tilespmem:v10+s26+$0x0], $0xffff;
	v10 =	vor.u32 v1, v13;
	[tilespmem:s18+$0x100] =	vst v19  }
0x41b: {  	_ = 	snop  }
0x41c: {  	v13 =	vmov s8;
	s6 =	sadd.s32 $0x3, s17;
	s12 =	sadd.s32 $0x4, s17;
	v14 =	vmov s7;
	v12 =	vor.u32 v1, v12  }
0x41d: {  	s21 =	sadd.s32 $0x5, s17;
	v11 =	vand.u32 $0x79, v11;
	v15 =	vmov s6;
	v16 =	vmov s12  }
0x41e: {  	s23 =	sadd.s32 $0x6, s17;
	v14 =	vand.u32 $0x7F, v14;
	v17 =	vmov s21;
	v11 =	vbroadcast v11, $0x0  }
0x41f: {  	v6 =	vld.idx.msk [tilespmem:v6+s26+$0x0], $0xffff;
	v13 =	vand.u32 $0x7A, v13;
	v18 =	vmov s23;
	v14 =	vbroadcast v14, $0x0  }
0x420: {  	v8 =	vld.idx.msk [tilespmem:v8+s26+$0x0], $0xffff;
	v13 =	vbroadcast v13, $0x0;
	v15 =	vand.u32 $0x7B, v15;
	v47 =	vor.u32 v1, v11  }
0x421: {  	[tilespmem:s18+$0xFFFFFE00] =	vst v4;
	v46 =	vld.idx.msk [tilespmem:v9+s26+$0x0], $0xffff;
	s25 =	sadd.s32 $0x400, s18;
	v49 =	vand.u32 $0x7C, v16;
	v48 =	vbroadcast v15, $0x0;
	v14 =	vor.u32 v1, v14  }
0x422: {  	v7 =	vld.idx.msk [tilespmem:v7+s26+$0x0], $0xffff;
	v51 =	vand.u32 $0x7D, v17;
	[tilespmem:s25+$0x180] =	vst v3;
	v50 =	vbroadcast v49, $0x0;
	v3 =	vor.u32 v1, v13  }
0x423: {  	v10 =	vld.idx.msk [tilespmem:v10+s26+$0x0], $0xffff;
	v54 =	vand.u32 $0x7E, v18;
	v53 =	vbroadcast v51, $0x0;
	[tilespmem:s25+$0xFFFFFE80] =	vst v5;
	v52 =	vor.u32 v1, v48  }
0x424: {  	v2 =	vand.u32 $0x78, v2;
	v56 =	vbroadcast v54, $0x0;
	v12 =	vld.idx.msk [tilespmem:v12+s26+$0x0], $0xffff;
	[tilespmem:s25+$0xFFFFFF00] =	vst v6;
	v55 =	vor.u32 v1, v50  }
0x425: {  	v2 =	vbroadcast v2, $0x0;
	[tilespmem:s25+$0xFFFFFF80] =	vst v8;
	v57 =	vor.u32 v1, v53;
	v59 =	vld.idx.msk [tilespmem:v47+s26+$0x0], $0xffff  }
0x426: {  	[tilespmem:s25+$0x0] =	vst v46;
	v60 =	vor.u32 v1, v56;
	v58 =	vld.idx.msk [tilespmem:v14+s26+$0x0], $0xffff  }
0x427: {  	[tilespmem:s25+$0x80] =	vst v7;
	v1 =	vor.u32 v1, v2;
	v2 =	vld.idx.msk [tilespmem:v3+s26+$0x0], $0xffff  }
0x428: {  	[tilespmem:s25+$0x100] =	vst v10;
	v3 =	vld.idx.msk [tilespmem:v52+s26+$0x0], $0xffff  }
0x429: {  	s6 =	sadd.s32 $0x400, s25;
	[tilespmem:s25+$0xFFFFFE00] =	vst v12;
	v61 =	vld.idx.msk [tilespmem:v55+s26+$0x0], $0xffff  }
0x42a: {  	v62 =	vld.idx.msk [tilespmem:v57+s26+$0x0], $0xffff;
	[tilespmem:s6+$0xFFFFFE80] =	vst v59  }
0x42b: {  	s16 =	sadd.s32 $0x1, s16;
	v63 =	vld.idx.msk [tilespmem:v60+s26+$0x0], $0xffff;
	[tilespmem:s6+$0x180] =	vst v58  }
0x42c: {  	p0 =	sne.s32 s16, $0x8;
	v1 =	vld.idx.msk [tilespmem:v1+s26+$0x0], $0xffff;
	[tilespmem:s6+$0xFFFFFF00] =	vst v2  }
.Ltmp30:
0x42d: {  	[tilespmem:s6+$0xFFFFFF80] =	vst v3;
	(pc) =	sbr.rel @p0 .LBB2_60-.Ltmp30, $4  }
0x42e: {  	[tilespmem:s6+$0x0] =	vst v61  }
0x42f: {  	[tilespmem:s6+$0x80] =	vst v62  }
0x430: {  	[tilespmem:s6+$0x100] =	vst v63  }
0x431: {  	s15 =	sadd.s32 $0x10, s15;
	[tilespmem:s6+$0xFFFFFE00] =	vst v1  }
0x432: {  	s6 =	rddreg [dreg:$0xd]  }
0x433: {  	[hbm4b:s6+s20] =	stream.strided.scatter [tilespmem:s29], [sflag:$0x7], $0x2000, s28, s20, $0x38;
	[tilespmem:$0x14400] =	vst v63  }
0x434: {  	_ =	swait.ge [sflag:s11], $0x4000  }
0x435: {  	[sflag:s11] =	ssyncset.done $0x0  }
0x436: {  	[sflag:s11] =	ssyncadd.s32 $0xFFFFC000  }
0x437: {  	_ =	swait.ge [sflag:s14], $0x2000  }
0x438: {  	s13 =	simm.s32 $0x0;
	[sflag:s14] =	ssyncset.done $0x0  }
0x439: {  	s15 =	simm.s32 $0x12600;
	s16 =	simm.s32 $0x0;
	[sflag:s14] =	ssyncadd.s32 $0xFFFFE000  }
.LBB2_64:
0x43a: {  	s6 =	sshll.u32 s16, $0x4;
	s8 =	simm.s32 $0x1;
	s12 =	simm.s32 $0x2  }
0x43b: {  	s7 =	simm.s32 $0x7;
	s17 =	simm.s32 $0x4;
	s18 =	simm.s32 $0x5;
	v1 =	vmov s6;
	v3 =	vmov s8;
	v4 =	vmov s12  }
0x43c: {  	s21 =	simm.s32 $0x6;
	v5 =	vmov s7;
	v7 =	vmov s17;
	v8 =	vmov s18  }
0x43d: {  	s8 =	simm.s32 $0x3;
	v9 =	vmov s21;
	v1 =	vshll.u32 v1, $0x7;
	v5 =	vand.u32 $0x7F, v5  }
0x43e: {  	v6 =	vmov s8;
	v3 =	vand.u32 $0x79, v3;
	v5 =	vbroadcast v5, $0x0  }
0x43f: {  	v4 =	vand.u32 $0x7A, v4;
	v1 =	vor.u32 v0, v1;
	v3 =	vbroadcast v3, $0x0  }
0x440: {  	v7 =	vand.u32 $0x7C, v7;
	v4 =	vbroadcast v4, $0x0;
	v5 =	vor.u32 v1, v5  }
0x441: {  	v6 =	vand.u32 $0x7B, v6;
	v7 =	vbroadcast v7, $0x0;
	v3 =	vor.u32 v1, v3  }
0x442: {  	v8 =	vand.u32 $0x7D, v8;
	v6 =	vbroadcast v6, $0x0;
	v4 =	vor.u32 v1, v4  }
0x443: {  	v9 =	vand.u32 $0x7E, v9;
	v8 =	vbroadcast v8, $0x0;
	v7 =	vor.u32 v1, v7  }
0x444: {  	v2 =	vmov s13;
	s23 =	simm.s32 $0x8;
	v9 =	vbroadcast v9, $0x0;
	v6 =	vor.u32 v1, v6  }
0x445: {  	s25 =	simm.s32 $0x9;
	v2 =	vand.u32 $0x78, v2;
	v10 =	vmov s23;
	v8 =	vor.u32 v1, v8;
	v5 =	vld.idx.msk [tilespmem:v5+s0+$0x0], $0xffff  }
0x446: {  	v11 =	vmov s25;
	s12 =	simm.s32 $0xF;
	s17 =	simm.s32 $0xB;
	s18 =	simm.s32 $0xC;
	v2 =	vbroadcast v2, $0x0;
	v9 =	vor.u32 v1, v9;
	v3 =	vld.idx.msk [tilespmem:v3+s0+$0x0], $0xffff  }
0x447: {  	s8 =	simm.s32 $0xA;
	v13 =	vmov s12;
	v14 =	vmov s17;
	v15 =	vmov s18;
	v4 =	vld.idx.msk [tilespmem:v4+s0+$0x0], $0xffff  }
0x448: {  	v12 =	vmov s8;
	v13 =	vand.u32 $0x7F, v13;
	v2 =	vor.u32 v1, v2;
	v7 =	vld.idx.msk [tilespmem:v7+s0+$0x0], $0xffff  }
0x449: {  	v12 =	vand.u32 $0x7A, v12;
	v16 =	vld.idx.msk [tilespmem:v6+s0+$0x0], $0xffff;
	v6 =	vand.u32 $0x79, v11;
	v11 =	vbroadcast v13, $0x0  }
0x44a: {  	s21 =	simm.s32 $0xD;
	v17 =	vld.idx.msk [tilespmem:v8+s0+$0x0], $0xffff;
	v8 =	vbroadcast v12, $0x0;
	v12 =	vand.u32 $0x7B, v14;
	v6 =	vbroadcast v6, $0x0  }
0x44b: {  	v14 =	vld.idx.msk [tilespmem:v9+s0+$0x0], $0xffff;
	v13 =	vmov s21;
	v9 =	vbroadcast v12, $0x0;
	v11 =	vor.u32 v1, v11;
	[tilespmem:s15+$0x180] =	vst v5  }
0x44c: {  	s23 =	simm.s32 $0xE;
	v18 =	vor.u32 v1, v6;
	v6 =	vor.u32 v1, v8;
	[tilespmem:s15+$0xFFFFFE80] =	vst v3;
	v3 =	vand.u32 $0x7C, v15  }
0x44d: {  	v8 =	vand.u32 $0x7D, v13;
	v5 =	vmov s23;
	[tilespmem:s15+$0xFFFFFF00] =	vst v4;
	v4 =	vld.idx.msk [tilespmem:v2+s0+$0x0], $0xffff;
	v3 =	vbroadcast v3, $0x0  }
0x44e: {  	v13 =	vbroadcast v8, $0x0;
	v8 =	vor.u32 v1, v9;
	[tilespmem:s15+$0x0] =	vst v7;
	v5 =	vand.u32 $0x7E, v5  }
0x44f: {  	v2 =	vand.u32 $0x78, v10;
	[tilespmem:s15+$0x80] =	vst v17;
	v10 =	vbroadcast v5, $0x0;
	v9 =	vor.u32 v1, v3  }
0x450: {  	s25 =	simm.s32 $0x11;
	s7 =	simm.s32 $0x17;
	s17 =	simm.s32 $0x10;
	[tilespmem:s15+$0x100] =	vst v14;
	v12 =	vbroadcast v2, $0x0;
	v7 =	vor.u32 v1, v13;
	v3 =	vld.idx.msk [tilespmem:v11+s0+$0x0], $0xffff  }
0x451: {  	s6 =	simm.s32 $0x18;
	s18 =	smov.u32 s15;
	s8 =	simm.s32 $0x12;
	[tilespmem:s15+$0xFFFFFF80] =	vst v16;
	v2 =	vmov s17;
	v11 =	vmov s25;
	v5 =	vld.idx.msk [tilespmem:v18+s0+$0x0], $0xffff;
	v10 =	vor.u32 v1, v10  }
.LBB2_65:
0x452: {  	p0 =	slt.u32 s6, $0x38;
	v13 =	vmov s8;
	s8 =	sadd.s32 $0x3, s17;
	s12 =	sadd.s32 $0x4, s17;
	v14 =	vmov s7;
	v12 =	vor.u32 v1, v12;
	v15 =	vld.idx.msk [tilespmem:v6+s0+$0x0], $0xffff;
	[tilespmem:s18+$0xFFFFFE00] =	vst v4  }
0x453: {  	s7 =	sadd.s32 $0x5, s17;
	v4 =	vmov s8;
	v6 =	vmov s12;
	v14 =	vand.u32 $0x7F, v14;
	v16 =	vld.idx.msk [tilespmem:v8+s0+$0x0], $0xffff  }
0x454: {  	v8 =	vand.u32 $0x79, v11;
	v11 =	vmov s7;
	s7 =	sadd.s32 $0x6, s17;
	s17 =	smov.u32 s6;
	v14 =	vbroadcast v14, $0x0;
	v17 =	vld.idx.msk [tilespmem:v9+s0+$0x0], $0xffff  }
0x455: {  	s18 =	sadd.s32 $0x400, s18;
	v8 =	vbroadcast v8, $0x0;
	v9 =	vand.u32 $0x7A, v13;
	v13 =	vmov s7;
	v18 =	vld.idx.msk [tilespmem:v7+s0+$0x0], $0xffff  }
0x456: {  	v4 =	vand.u32 $0x7B, v4;
	v7 =	vbroadcast v9, $0x0;
	v14 =	vor.u32 v1, v14;
	v19 =	vld.idx.msk [tilespmem:v10+s0+$0x0], $0xffff;
	[tilespmem:s18+$0x180] =	vst v3  }
0x457: {  	v10 =	vor.u32 v1, v8;
	v3 =	vbroadcast v4, $0x0;
	v8 =	vand.u32 $0x7C, v6;
	v4 =	vld.idx.msk [tilespmem:v12+s0+$0x0], $0xffff;
	[tilespmem:s18+$0xFFFFFE80] =	vst v5  }
.Ltmp31:
0x458: {  	v6 =	vor.u32 v1, v7;
	v5 =	vbroadcast v8, $0x0;
	v7 =	vand.u32 $0x7D, v11;
	[tilespmem:s18+$0xFFFFFF00] =	vst v15;
	(pc) =	sbr.rel @p0 .LBB2_65-.Ltmp31, $4  }
0x459: {  	v8 =	vor.u32 v1, v3;
	v3 =	vbroadcast v7, $0x0;
	v7 =	vand.u32 $0x7E, v13;
	[tilespmem:s18+$0xFFFFFF80] =	vst v16  }
0x45a: {  	v2 =	vand.u32 $0x78, v2;
	v9 =	vor.u32 v1, v5;
	v13 =	vbroadcast v7, $0x0;
	[tilespmem:s18+$0x0] =	vst v17  }
0x45b: {  	s7 =	sadd.s32 $0x1, s6;
	v12 =	vbroadcast v2, $0x0;
	v7 =	vor.u32 v1, v3;
	v3 =	vld.idx.msk [tilespmem:v14+s0+$0x0], $0xffff;
	[tilespmem:s18+$0x80] =	vst v18  }
0x45c: {  	s8 =	sadd.s32 $0x2, s17;
	s6 =	sadd.s32 $0x8, s6;
	v2 =	vmov s17;
	v11 =	vmov s7;
	s7 =	sadd.s32 $0x7, s17;
	v5 =	vld.idx.msk [tilespmem:v10+s0+$0x0], $0xffff;
	v10 =	vor.u32 v1, v13;
	[tilespmem:s18+$0x100] =	vst v19  }
0x45d: {  	_ = 	snop  }
0x45e: {  	v13 =	vmov s8;
	s6 =	sadd.s32 $0x3, s17;
	s12 =	sadd.s32 $0x4, s17;
	v14 =	vmov s7;
	v12 =	vor.u32 v1, v12  }
0x45f: {  	s21 =	sadd.s32 $0x5, s17;
	v11 =	vand.u32 $0x79, v11;
	v15 =	vmov s6;
	v16 =	vmov s12  }
0x460: {  	s23 =	sadd.s32 $0x6, s17;
	v14 =	vand.u32 $0x7F, v14;
	v17 =	vmov s21;
	v11 =	vbroadcast v11, $0x0  }
0x461: {  	v6 =	vld.idx.msk [tilespmem:v6+s0+$0x0], $0xffff;
	v13 =	vand.u32 $0x7A, v13;
	v18 =	vmov s23;
	v14 =	vbroadcast v14, $0x0  }
0x462: {  	v8 =	vld.idx.msk [tilespmem:v8+s0+$0x0], $0xffff;
	v13 =	vbroadcast v13, $0x0;
	v15 =	vand.u32 $0x7B, v15;
	v47 =	vor.u32 v1, v11  }
0x463: {  	[tilespmem:s18+$0xFFFFFE00] =	vst v4;
	v46 =	vld.idx.msk [tilespmem:v9+s0+$0x0], $0xffff;
	s25 =	sadd.s32 $0x400, s18;
	v49 =	vand.u32 $0x7C, v16;
	v48 =	vbroadcast v15, $0x0;
	v14 =	vor.u32 v1, v14  }
0x464: {  	v7 =	vld.idx.msk [tilespmem:v7+s0+$0x0], $0xffff;
	v51 =	vand.u32 $0x7D, v17;
	[tilespmem:s25+$0x180] =	vst v3;
	v50 =	vbroadcast v49, $0x0;
	v3 =	vor.u32 v1, v13  }
0x465: {  	v10 =	vld.idx.msk [tilespmem:v10+s0+$0x0], $0xffff;
	v54 =	vand.u32 $0x7E, v18;
	v53 =	vbroadcast v51, $0x0;
	[tilespmem:s25+$0xFFFFFE80] =	vst v5;
	v52 =	vor.u32 v1, v48  }
0x466: {  	v2 =	vand.u32 $0x78, v2;
	v56 =	vbroadcast v54, $0x0;
	v12 =	vld.idx.msk [tilespmem:v12+s0+$0x0], $0xffff;
	[tilespmem:s25+$0xFFFFFF00] =	vst v6;
	v55 =	vor.u32 v1, v50  }
0x467: {  	v2 =	vbroadcast v2, $0x0;
	[tilespmem:s25+$0xFFFFFF80] =	vst v8;
	v57 =	vor.u32 v1, v53;
	v59 =	vld.idx.msk [tilespmem:v47+s0+$0x0], $0xffff  }
0x468: {  	[tilespmem:s25+$0x0] =	vst v46;
	v60 =	vor.u32 v1, v56;
	v58 =	vld.idx.msk [tilespmem:v14+s0+$0x0], $0xffff  }
0x469: {  	[tilespmem:s25+$0x80] =	vst v7;
	v1 =	vor.u32 v1, v2;
	v2 =	vld.idx.msk [tilespmem:v3+s0+$0x0], $0xffff  }
0x46a: {  	[tilespmem:s25+$0x100] =	vst v10;
	v3 =	vld.idx.msk [tilespmem:v52+s0+$0x0], $0xffff  }
0x46b: {  	s6 =	sadd.s32 $0x400, s25;
	[tilespmem:s25+$0xFFFFFE00] =	vst v12;
	v61 =	vld.idx.msk [tilespmem:v55+s0+$0x0], $0xffff  }
0x46c: {  	v62 =	vld.idx.msk [tilespmem:v57+s0+$0x0], $0xffff;
	[tilespmem:s6+$0xFFFFFE80] =	vst v59  }
0x46d: {  	s16 =	sadd.s32 $0x1, s16;
	v63 =	vld.idx.msk [tilespmem:v60+s0+$0x0], $0xffff;
	[tilespmem:s6+$0x180] =	vst v58  }
0x46e: {  	p0 =	sne.s32 s16, $0x8;
	v1 =	vld.idx.msk [tilespmem:v1+s0+$0x0], $0xffff;
	[tilespmem:s6+$0xFFFFFF00] =	vst v2  }
.Ltmp32:
0x46f: {  	[tilespmem:s6+$0xFFFFFF80] =	vst v3;
	(pc) =	sbr.rel @p0 .LBB2_64-.Ltmp32, $4  }
0x470: {  	[tilespmem:s6+$0x0] =	vst v61  }
0x471: {  	[tilespmem:s6+$0x80] =	vst v62  }
0x472: {  	[tilespmem:s6+$0x100] =	vst v63  }
0x473: {  	s15 =	sadd.s32 $0x10, s15;
	[tilespmem:s6+$0xFFFFFE00] =	vst v1  }
0x474: {  	s6 =	rddreg [dreg:$0xe]  }
0x475: {  	[hbm4b:s6+s20] =	stream.strided.scatter [tilespmem:s2], [sflag:$0x8], $0x2000, s28, s20, $0x38;
	[tilespmem:$0x14400] =	vst v63  }
0x476: {  	_ =	swait.ge [sflag:s10], $0x2000  }
0x477: {  	[sflag:s10] =	ssyncset.done $0x0  }
0x478: {  	[sflag:s10] =	ssyncadd.s32 $0xFFFFE000  }
0x479: {  	_ =	swait.ge [sflag:s14], $0x2000  }
0x47a: {  	s7 =	rddreg [dreg:$0x10]  }
0x47b: {  	s25 =	rddreg [dreg:$0xf];
	s7 =	sadd.s32 $0x1, s7  }
0x47c: {  	p0 =	sne.s32 s7, s25  }
.Ltmp33:
0x47d: {  	_ = 	snop;
	(pc) =	sbr.rel @p0 .LBB2_1-.Ltmp33, $3  }
0x47e: {  	_ =	sdelay $0x1  }
0x47f: {  	[sflag:s14] =	ssyncset.done $0x0  }
0x480: {  	[sflag:s14] =	ssyncadd.s32 $0xFFFFE000  }
0x481: {  	_ =	sfence.sel $0x180000  }
0x482: {  	[bflag:$0x0] =	sbarrier.arrive $0xFFFF  }
0x483: {  	_ =	strace $0x90000047  }
0x484: {  	s0 =	stileid.u32;
	[bflag:$0x2] =	sbarrier.arrive $0xFFFF  }
0x485: {  	p0 =	sne.s32 s0, $0x0;
	s0 =	rddreg [dreg:$0x3]  }
0x486: {  	s0 =	sadd.s32 @!p0 $0x100000, s0  }
0x487: {  	[sflag:s0] =	ssyncadd.tile.s32 @!p0 $0x1;
	_ =	shalt  }
.Lfunc_end2:
_tile_overlayer_lowered:
.L_overlay_start_2:
0x488: {  	(tag) =	ssettag $0x2  }
0x489: {  	s0 =	rddreg [dreg:$0x0];
	s2 =	stileid.u32  }
0x48a: {  	s1 =	rddreg [dreg:$0x1];
	p0 =	sne.s32 s2, $0x0  }
0x48b: {  	s3 =	rddreg [dreg:$0x2];
	[bflag:$0x3] =	sbarrier.arrive $0xFFFF;
	s2 =	simm.s32 @!p0 $0x1C09  }
0x48c: {  	[timem:s3], [sflag:s2] =	dma.local @!p0 [hbm:s0], s1  }
0x48d: {  	s0 =	simm.s32 @!p0 $0x9  }
0x48e: {  	_ =	swait.ge @!p0 [sflag:s0], s1  }
0x48f: {  	s1 =	ssub.s32 @!p0 $0x0, s1;
	[sflag:s0] =	ssyncset.done @!p0 $0x0  }
0x490: {  	[sflag:s0] =	ssyncadd.s32 @!p0 s1  }
0x491: {  	[bflag:$0x3] =	sbarrier.arrive $0xFFFF  }
0x492: {  	_ =	shalt  }

</sc_bundles>
